<compile_context>
chip_gen: v7x
topology: tpu7x:2x2x1
jax: 0.10.2.dev20260603
libtpu: 0.0.44.dev20260713+nightly
codegen_flags: <defaults>
</compile_context>

<pallas_src>
import functools

import jax
import jax.numpy as jnp
from jax import lax
from jax.experimental import pallas as pl
from jax.experimental.pallas import tpu as pltpu
from jax.experimental.pallas import tpu_sc as plsc

_N = 100000
_E = 6400000

_NCORES = 2
_NTILES = 16
_NWORK = _NCORES * _NTILES
_NP = 100352
_CH = _E // 128
_WC = 50
_TOTWIN = _CH // _WC


def _sc_degree_partials(ei3, edge_weight):
    mesh = plsc.VectorSubcoreMesh(core_axis_name="c", subcore_axis_name="s")

    @functools.partial(
        pl.kernel,
        out_type=(
            jax.ShapeDtypeStruct((_NWORK, _NP), jnp.float32),
            jax.ShapeDtypeStruct((_NWORK, _NP), jnp.float32),
        ),
        mesh=mesh,
        compiler_params=pltpu.CompilerParams(needs_layout_passes=False),
        scratch_types=(
            pltpu.VMEM((_WC, 128), jnp.int32),
            pltpu.VMEM((_WC, 128), jnp.int32),
            pltpu.VMEM((_WC * 128,), jnp.float32),
            pltpu.VMEM((_WC * 128,), jnp.float32),
            pltpu.VMEM((_NP,), jnp.float32),
            pltpu.SemaphoreType.DMA((2,)),
        ),
    )
    def k(ei_hbm, w_hbm, dout_hbm, din_hbm,
          idx0, idx1, wb0, wb1, acc, lsem):
        c = lax.axis_index("c")
        s = lax.axis_index("s")
        wid = c * _NTILES + s
        zero16 = jnp.zeros((16,), jnp.float32)
        win0 = wid * 31 + jnp.minimum(wid, 8)
        nwin = jnp.where(wid < 8, 32, 31)
        chunk0 = win0 * _WC

        def start_load(i, r, ib, vb, sem):
            ci = chunk0 + i * _WC
            pltpu.async_copy(ei_hbm.at[pl.ds(ci, _WC), r], ib, sem)
            pltpu.async_copy(w_hbm.at[pl.ds(ci * 128, _WC * 128)], vb, sem)

        def wait_load(r, ib, vb, sem):
            pltpu.make_async_copy(ei_hbm.at[pl.ds(0, _WC), r], ib, sem).wait()
            pltpu.make_async_copy(w_hbm.at[pl.ds(0, _WC * 128)], vb,
                                  sem).wait()

        def scatter_window(ib, vb):
            @plsc.parallel_loop(0, _WC, 1, unroll=2)
            def _(kk):
                for u in range(8):
                    iv = ib[kk, pl.ds(u * 16, 16)]
                    vv = vb[pl.ds(kk * 128 + u * 16, 16)]
                    plsc.addupdate_scatter(acc, [iv], vv)

        def one_pass(r, out_hbm):
            @plsc.parallel_loop(0, _NP // 16, 1, unroll=8)
            def _(i):
                acc[pl.ds(i * 16, 16)] = zero16

            start_load(0, r, idx0, wb0, lsem.at[0])
            start_load(1, r, idx1, wb1, lsem.at[1])

            def win(k2, carry):
                i = k2 * 2
                wait_load(r, idx0, wb0, lsem.at[0])
                scatter_window(idx0, wb0)

                @pl.when(i + 2 < nwin)
                def _():
                    start_load(i + 2, r, idx0, wb0, lsem.at[0])

                wait_load(r, idx1, wb1, lsem.at[1])
                scatter_window(idx1, wb1)

                @pl.when(i + 3 < nwin)
                def _():
                    start_load(i + 3, r, idx1, wb1, lsem.at[1])
                return carry
            lax.fori_loop(0, nwin // 2, win, 0)

            @pl.when(nwin % 2 == 1)
            def _():
                wait_load(r, idx0, wb0, lsem.at[0])
                scatter_window(idx0, wb0)

            pltpu.sync_copy(acc, out_hbm.at[wid])

        one_pass(0, dout_hbm)
        one_pass(1, din_hbm)

    return k(ei3, edge_weight)


_ROWS = _E // 128
_BR = 2000
_GB = _ROWS // _BR


def _tc_sums(w2d):

    def body(w_ref, s_ref, wl_ref):
        i = pl.program_id(0)
        w = w_ref[...]

        @pl.when(i == 0)
        def _():
            s_ref[0, 0] = 0.0
            wl_ref[0, 0] = 0.0

        s_ref[0, 0] += jnp.sum(w)
        wl_ref[0, 0] += jnp.sum(w * jnp.log(w))

    return pl.pallas_call(
        body,
        grid=(_GB,),
        in_specs=[pl.BlockSpec((_BR, 128), lambda i: (i, 0))],
        out_specs=[
            pl.BlockSpec(memory_space=pltpu.SMEM),
            pl.BlockSpec(memory_space=pltpu.SMEM),
        ],
        out_shape=(
            jax.ShapeDtypeStruct((1, 1), jnp.float32),
            jax.ShapeDtypeStruct((1, 1), jnp.float32),
        ),
    )(w2d)


def _tc_puv(w2d, s):
    def body(w_ref, s_ref, puv_ref):
        puv_ref[...] = w_ref[...] * (1.0 / s_ref[0, 0])

    return pl.pallas_call(
        body,
        grid=(_GB,),
        in_specs=[
            pl.BlockSpec((_BR, 128), lambda i: (i, 0)),
            pl.BlockSpec(memory_space=pltpu.SMEM),
        ],
        out_specs=pl.BlockSpec((_BR, 128), lambda i: (i, 0)),
        out_shape=jax.ShapeDtypeStruct((_ROWS, 128), jnp.float32),
    )(w2d, s)


def _tc_epilogue(dout2, din2, s, swl):

    def body(dout_ref, din_ref, s_ref, swl_ref, pout_ref, pin_ref, mi_ref):
        dout = dout_ref[pl.ds(0, 784), :]
        din = din_ref[pl.ds(0, 784), :]
        for j in range(1, _NWORK):
            dout = dout + dout_ref[pl.ds(j * 784, 784), :]
            din = din + din_ref[pl.ds(j * 784, 784), :]
        s_out = jnp.sum(dout)
        s_in = jnp.sum(din)
        pout = dout / s_out
        pin = din / s_in
        pout_ref[...] = pout
        pin_ref[...] = pin
        r = jnp.sum(
            jnp.where(dout > 0, dout * jnp.log(pin), 0.0)
            + jnp.where(din > 0, din * jnp.log(pout), 0.0)
        )
        sval = s_ref[0, 0]
        mi_ref[0, 0] = swl_ref[0, 0] / sval - jnp.log(sval) - r / sval

    return pl.pallas_call(
        body,
        in_specs=[
            pl.BlockSpec(memory_space=pltpu.VMEM),
            pl.BlockSpec(memory_space=pltpu.VMEM),
            pl.BlockSpec(memory_space=pltpu.SMEM),
            pl.BlockSpec(memory_space=pltpu.SMEM),
        ],
        out_specs=(
            pl.BlockSpec(memory_space=pltpu.VMEM),
            pl.BlockSpec(memory_space=pltpu.VMEM),
            pl.BlockSpec(memory_space=pltpu.SMEM),
        ),
        out_shape=(
            jax.ShapeDtypeStruct((784, 128), jnp.float32),
            jax.ShapeDtypeStruct((784, 128), jnp.float32),
            jax.ShapeDtypeStruct((1, 1), jnp.float32),
        ),
    )(dout2, din2, s, swl)


def kernel(edge_index, edge_weight):
    w2d = edge_weight.reshape(_ROWS, 128)
    ei3 = jnp.transpose(edge_index.reshape(2, _CH, 128), (1, 0, 2))
    dout_p, din_p = _sc_degree_partials(ei3, edge_weight)
    s, swl = _tc_sums(w2d)
    puv2d = _tc_puv(w2d, s)
    pout_pad, pin_pad, mi = _tc_epilogue(
        dout_p.reshape(_NWORK * 784, 128), din_p.reshape(_NWORK * 784, 128),
        s, swl,
    )

    node_ids = jnp.arange(_N, dtype=jnp.int32)
    p_uv = puv2d.reshape(_E)
    p_u_out = pout_pad.reshape(_NP)[:_N]
    p_u_in = pin_pad.reshape(_NP)[:_N]
    return (node_ids, p_uv, p_u_out, p_u_in, mi.reshape(()))

# --- scband reference (transcript-rebuilt; emitter-appended) ---
"""Pipeline reference for scband-uniform-node-dropout-75007308857823 (READ-ONLY COPY).

The authoritative reference and input builder live on the scoring server;
editing this copy changes nothing except your own understanding.
"""

import jax, jax.numpy as jnp
import numpy as np

N = 100000
E = 6400000

def setup_inputs(seed: int = 0) -> dict:
    key = jax.random.key(seed)
    k1, k2 = jax.random.split(key, 2)
    edge_index = jax.random.randint(k1, (2, E), 0, N, dtype=jnp.int32)
    edge_weight = jax.random.uniform(k2, (E,), dtype=jnp.float32, minval=0.05, maxval=1.0)
    return {"edge_index": edge_index, "edge_weight": edge_weight}

def reference(edge_index, edge_weight):
    # Faithful translation of UniformNodeDropout.forward on the eval / no-dropout path
    # (training-mode node dropout is stochastic; eval path returns
    #  preprocess_graph(adjacency, deg=self.deg, subset=None)).
    # adjacency is represented as COO (edge_index, edge_weight).
    row = edge_index[0]
    col = edge_index[1]
    # deg_out = A @ 1  (sum of each row);  deg_in = A.T @ 1 (sum of each column)
    deg_out = jax.ops.segment_sum(edge_weight, row, num_segments=N)
    deg_in = jax.ops.segment_sum(edge_weight, col, num_segments=N)
    # normalized distributions
    p_uv = edge_weight / jnp.sum(edge_weight)
    p_u_out = deg_out / jnp.sum(deg_out)
    p_u_in = deg_in / jnp.sum(deg_in)
    # mutual_information = p_uv @ log(p_uv / (p_u_in[edge_ixs[:,0]] * p_u_out[edge_ixs[:,1]]))
    # edge_ixs[:,0] == row, edge_ixs[:,1] == col (edge_ixs = stack([row,col]).t())
    mi = jnp.dot(p_uv, jnp.log(p_uv / (p_u_in[row] * p_u_out[col])))
    node_ids = jnp.arange(N, dtype=jnp.int32)
    return (node_ids, p_uv, p_u_out, p_u_in, mi)

if __name__ == "__main__":
    import jax
    _d = setup_inputs()
    print(jax.jit(kernel)(*tuple(_d.values())))

</pallas_src>

<mosaic_0001>
#map = affine_map<(d0, d1) -> (0, 0, 0)>
#map1 = affine_map<(d0, d1) -> (0)>
#map2 = affine_map<(d0, d1) -> (0, 0)>
module attributes {stable_mosaic.version = 14 : i64} {
  func.func @k(%arg0: i32, %arg1: i32, %arg2: memref<50000x2x128xi32, #tpu.memory_space<hbm>>, %arg3: memref<6400000xf32, #tpu.memory_space<hbm>>, %arg4: memref<32x100352xf32, #tpu.memory_space<hbm>>, %arg5: memref<32x100352xf32, #tpu.memory_space<hbm>>, %arg6: memref<50x128xi32, #tpu.memory_space<vmem>>, %arg7: memref<50x128xi32, #tpu.memory_space<vmem>>, %arg8: memref<6400xf32, #tpu.memory_space<vmem>>, %arg9: memref<6400xf32, #tpu.memory_space<vmem>>, %arg10: memref<100352xf32, #tpu.memory_space<vmem>>, %arg11: memref<2x!tpu.dma_semaphore, #tpu.memory_space<semaphore_mem>>) attributes {dimension_semantics = [#tpu.dimension_semantics<core_parallel>, #tpu.dimension_semantics<subcore_parallel>], iteration_bounds = array<i64: 2, 16>, scalar_prefetch = 0 : i64, scratch_operands = 6 : i64, tpu.core_type = #tpu.core_type<sc_vector_subcore>, window_params = [{transform_indices = #map}, {transform_indices = #map1}, {transform_indices = #map2}, {transform_indices = #map2}]} {
    %mul3A = arith.constant 16 : i32
    %mul3A_0 = arith.muli %arg0, %mul3A : i32
    %add3A = arith.addi %mul3A_0, %arg1 : i32
    %broadcast_in_dim3A = arith.constant 0.000000e+00 : f32
    %broadcast_in_dim3A_1 = vector.broadcast %broadcast_in_dim3A : f32 to vector<16xf32>
    %mul3A_2 = arith.constant 31 : i32
    %mul3A_3 = arith.muli %add3A, %mul3A_2 : i32
    %min3A = arith.constant 8 : i32
    %min3A_4 = arith.minsi %add3A, %min3A : i32
    %add3A_5 = arith.addi %mul3A_3, %min3A_4 : i32
    %lt3A = arith.constant 8 : i32
    %lt3A_6 = arith.cmpi slt, %add3A, %lt3A : i32
    %jit3A = arith.constant 32 : i32
    %jit3A_7 = arith.constant 31 : i32
    %select_n3A = arith.select %lt3A_6, %jit3A, %jit3A_7 : i32
    %mul3A_8 = arith.constant 50 : i32
    %mul3A_9 = arith.muli %add3A_5, %mul3A_8 : i32
    %parallel_loop3A = arith.constant 0 : i32
    %parallel_loop3A_10 = arith.constant 6272 : i32
    %parallel_loop3A_11 = arith.constant 1 : i32
    scf.for %parallel_loop3A_190 = %parallel_loop3A to %parallel_loop3A_10 step %parallel_loop3A_11  : i32 {
      %parallel_loop3A_191 = arith.constant 16 : i32
      %parallel_loop3A_192 = arith.muli %parallel_loop3A_190, %parallel_loop3A_191 : i32
      %parallel_loop3A_193 = arith.index_cast %parallel_loop3A_192 : i32 to index
      %parallel_loop3A_194 = tpu.vector_load %arg10[%parallel_loop3A_193] {strides = array<i32>} : memref<100352xf32, #tpu.memory_space<vmem>>, vector<16xf32>,
      tpu.vector_store %arg10[%parallel_loop3A_193], %broadcast_in_dim3A_1 {strides = array<i32>} : memref<100352xf32, #tpu.memory_space<vmem>>, vector<16xf32>,
    } {sc.loop_unroll_factor = 8 : i64, sc.parallel_access}
    %add3A_12 = arith.constant 0 : i32
    %add3A_13 = arith.addi %mul3A_9, %add3A_12 : i32
    %dma_start3A = arith.constant 0 : i32
    %dma_start3A_14 = arith.constant 0 : i32
    %dma_start3A_15 = arith.constant 0 : i32
    %dma_start3A_16 = tpu.memref_slice %arg2[%add3A_13, %dma_start3A, %dma_start3A_15] : memref<50000x2x128xi32, #tpu.memory_space<hbm>> -> memref<50x1x128xi32, #tpu.memory_space<hbm>>
    %dma_start3A_17 = tpu.memref_squeeze %dma_start3A_16 : memref<50x1x128xi32, #tpu.memory_space<hbm>> -> memref<50x128xi32, #tpu.memory_space<hbm>>
    %dma_start3A_18 = tpu.memref_slice %arg11[%dma_start3A_14] : memref<2x!tpu.dma_semaphore, #tpu.memory_space<semaphore_mem>> -> memref<1x!tpu.dma_semaphore, #tpu.memory_space<semaphore_mem>>
    %dma_start3A_19 = tpu.memref_squeeze %dma_start3A_18 : memref<1x!tpu.dma_semaphore, #tpu.memory_space<semaphore_mem>> -> memref<!tpu.dma_semaphore, #tpu.memory_space<semaphore_mem>>
    %dma_start3A_20 = arith.constant 0 : i32
    %dma_start3A_21 = tpu.memref_slice %arg2[%add3A_13, %dma_start3A, %dma_start3A_20] : memref<50000x2x128xi32, #tpu.memory_space<hbm>> -> memref<50x1x128xi32, #tpu.memory_space<hbm>>
    %dma_start3A_22 = tpu.memref_squeeze %dma_start3A_21 : memref<50x1x128xi32, #tpu.memory_space<hbm>> -> memref<50x128xi32, #tpu.memory_space<hbm>>
    tpu.enqueue_dma source(%dma_start3A_22 : memref<50x128xi32, #tpu.memory_space<hbm>>) target(%arg6 : memref<50x128xi32, #tpu.memory_space<vmem>>) target_semaphore(%dma_start3A_19 : memref<!tpu.dma_semaphore, #tpu.memory_space<semaphore_mem>>)
    %mul3A_23 = arith.constant 128 : i32
    %mul3A_24 = arith.muli %add3A_13, %mul3A_23 : i32
    %dma_start3A_25 = arith.constant 0 : i32
    %dma_start3A_26 = tpu.memref_slice %arg3[%mul3A_24] : memref<6400000xf32, #tpu.memory_space<hbm>> -> memref<6400xf32, #tpu.memory_space<hbm>>
    %dma_start3A_27 = tpu.memref_slice %arg11[%dma_start3A_25] : memref<2x!tpu.dma_semaphore, #tpu.memory_space<semaphore_mem>> -> memref<1x!tpu.dma_semaphore, #tpu.memory_space<semaphore_mem>>
    %dma_start3A_28 = tpu.memref_squeeze %dma_start3A_27 : memref<1x!tpu.dma_semaphore, #tpu.memory_space<semaphore_mem>> -> memref<!tpu.dma_semaphore, #tpu.memory_space<semaphore_mem>>
    %dma_start3A_29 = tpu.memref_slice %arg3[%mul3A_24] : memref<6400000xf32, #tpu.memory_space<hbm>> -> memref<6400xf32, #tpu.memory_space<hbm>>
    tpu.enqueue_dma source(%dma_start3A_29 : memref<6400xf32, #tpu.memory_space<hbm>>) target(%arg8 : memref<6400xf32, #tpu.memory_space<vmem>>) target_semaphore(%dma_start3A_28 : memref<!tpu.dma_semaphore, #tpu.memory_space<semaphore_mem>>)
    %add3A_30 = arith.constant 50 : i32
    %add3A_31 = arith.addi %mul3A_9, %add3A_30 : i32
    %dma_start3A_32 = arith.constant 0 : i32
    %dma_start3A_33 = arith.constant 1 : i32
    %dma_start3A_34 = arith.constant 0 : i32
    %dma_start3A_35 = tpu.memref_slice %arg2[%add3A_31, %dma_start3A_32, %dma_start3A_34] : memref<50000x2x128xi32, #tpu.memory_space<hbm>> -> memref<50x1x128xi32, #tpu.memory_space<hbm>>
    %dma_start3A_36 = tpu.memref_squeeze %dma_start3A_35 : memref<50x1x128xi32, #tpu.memory_space<hbm>> -> memref<50x128xi32, #tpu.memory_space<hbm>>
    %dma_start3A_37 = tpu.memref_slice %arg11[%dma_start3A_33] : memref<2x!tpu.dma_semaphore, #tpu.memory_space<semaphore_mem>> -> memref<1x!tpu.dma_semaphore, #tpu.memory_space<semaphore_mem>>
    %dma_start3A_38 = tpu.memref_squeeze %dma_start3A_37 : memref<1x!tpu.dma_semaphore, #tpu.memory_space<semaphore_mem>> -> memref<!tpu.dma_semaphore, #tpu.memory_space<semaphore_mem>>
    %dma_start3A_39 = arith.constant 0 : i32
    %dma_start3A_40 = tpu.memref_slice %arg2[%add3A_31, %dma_start3A_32, %dma_start3A_39] : memref<50000x2x128xi32, #tpu.memory_space<hbm>> -> memref<50x1x128xi32, #tpu.memory_space<hbm>>
    %dma_start3A_41 = tpu.memref_squeeze %dma_start3A_40 : memref<50x1x128xi32, #tpu.memory_space<hbm>> -> memref<50x128xi32, #tpu.memory_space<hbm>>
    tpu.enqueue_dma source(%dma_start3A_41 : memref<50x128xi32, #tpu.memory_space<hbm>>) target(%arg7 : memref<50x128xi32, #tpu.memory_space<vmem>>) target_semaphore(%dma_start3A_38 : memref<!tpu.dma_semaphore, #tpu.memory_space<semaphore_mem>>)
    %mul3A_42 = arith.constant 128 : i32
    %mul3A_43 = arith.muli %add3A_31, %mul3A_42 : i32
    %dma_start3A_44 = arith.constant 1 : i32
    %dma_start3A_45 = tpu.memref_slice %arg3[%mul3A_43] : memref<6400000xf32, #tpu.memory_space<hbm>> -> memref<6400xf32, #tpu.memory_space<hbm>>
    %dma_start3A_46 = tpu.memref_slice %arg11[%dma_start3A_44] : memref<2x!tpu.dma_semaphore, #tpu.memory_space<semaphore_mem>> -> memref<1x!tpu.dma_semaphore, #tpu.memory_space<semaphore_mem>>
    %dma_start3A_47 = tpu.memref_squeeze %dma_start3A_46 : memref<1x!tpu.dma_semaphore, #tpu.memory_space<semaphore_mem>> -> memref<!tpu.dma_semaphore, #tpu.memory_space<semaphore_mem>>
    %dma_start3A_48 = tpu.memref_slice %arg3[%mul3A_43] : memref<6400000xf32, #tpu.memory_space<hbm>> -> memref<6400xf32, #tpu.memory_space<hbm>>
    tpu.enqueue_dma source(%dma_start3A_48 : memref<6400xf32, #tpu.memory_space<hbm>>) target(%arg9 : memref<6400xf32, #tpu.memory_space<vmem>>) target_semaphore(%dma_start3A_47 : memref<!tpu.dma_semaphore, #tpu.memory_space<semaphore_mem>>)
    %jit3A_49 = arith.constant 2 : i32
    %div3A = arith.divsi %select_n3A, %jit3A_49 : i32
    %sign3A = arith.constant 0 : i32
    %sign3A_50 = arith.cmpi sgt, %select_n3A, %sign3A : i32
    %sign3A_51 = arith.extui %sign3A_50 : i1 to i32
    %sign3A_52 = arith.constant 0 : i32
    %sign3A_53 = arith.cmpi slt, %select_n3A, %sign3A_52 : i32
    %sign3A_54 = arith.extui %sign3A_53 : i1 to i32
    %sign3A_55 = arith.subi %sign3A_51, %sign3A_54 : i32
    %sign3A_56 = arith.constant 0 : i32
    %sign3A_57 = arith.cmpi sgt, %jit3A_49, %sign3A_56 : i32
    %sign3A_58 = arith.extui %sign3A_57 : i1 to i32
    %sign3A_59 = arith.constant 0 : i32
    %sign3A_60 = arith.cmpi slt, %jit3A_49, %sign3A_59 : i32
    %sign3A_61 = arith.extui %sign3A_60 : i1 to i32
    %sign3A_62 = arith.subi %sign3A_58, %sign3A_61 : i32
    %ne3A = arith.cmpi ne, %sign3A_55, %sign3A_62 : i32
    %rem3A = arith.remsi %select_n3A, %jit3A_49 : i32
    %ne3A_63 = arith.constant 0 : i32
    %ne3A_64 = arith.cmpi ne, %rem3A, %ne3A_63 : i32
    %and3A = arith.andi %ne3A, %ne3A_64 : i1
    %sub3A = arith.constant 1 : i32
    %sub3A_65 = arith.subi %div3A, %sub3A : i32
    %select_n3A_66 = arith.select %and3A, %sub3A_65, %div3A : i32
    %while3A = arith.constant 0 : i32
    %while3A_67 = arith.constant 0 : i32
    %while3A_68 = arith.subi %select_n3A_66, %while3A_67 : i32
    %while3A_69 = arith.addi %while3A_67, %while3A_68 : i32
    %while3A_70 = arith.constant 1 : i32
    %while3A_71 = arith.divsi %while3A_68, %while3A_70 : i32
    %while3A_72 = arith.muli %while3A_71, %while3A_70 : i32
    %while3A_73 = arith.addi %while3A_67, %while3A_72 : i32
    %while3A_74 = arith.constant 1 : i32
    scf.for %while3A_190 = %while3A_67 to %while3A_73 step %while3A_74  : i32 {
      %mul3A_191 = arith.constant 2 : i32
      %mul3A_192 = arith.muli %while3A_190, %mul3A_191 : i32
      %dma_wait3A = arith.constant 0 : i32
      %dma_wait3A_193 = arith.constant 0 : i32
      %dma_wait3A_194 = arith.constant 0 : i32
      %dma_wait3A_195 = arith.constant 0 : i32
      %dma_wait3A_196 = tpu.memref_slice %arg2[%dma_wait3A_194, %dma_wait3A, %dma_wait3A_195] : memref<50000x2x128xi32, #tpu.memory_space<hbm>> -> memref<50x1x128xi32, #tpu.memory_space<hbm>>
      %dma_wait3A_197 = tpu.memref_squeeze %dma_wait3A_196 : memref<50x1x128xi32, #tpu.memory_space<hbm>> -> memref<50x128xi32, #tpu.memory_space<hbm>>
      %dma_wait3A_198 = tpu.memref_slice %arg11[%dma_wait3A_193] : memref<2x!tpu.dma_semaphore, #tpu.memory_space<semaphore_mem>> -> memref<1x!tpu.dma_semaphore, #tpu.memory_space<semaphore_mem>>
      %dma_wait3A_199 = tpu.memref_squeeze %dma_wait3A_198 : memref<1x!tpu.dma_semaphore, #tpu.memory_space<semaphore_mem>> -> memref<!tpu.dma_semaphore, #tpu.memory_space<semaphore_mem>>
      %dma_wait3A_200 = arith.constant 0 : i32
      %dma_wait3A_201 = arith.constant 0 : i32
      %dma_wait3A_202 = tpu.memref_slice %arg2[%dma_wait3A_200, %dma_wait3A, %dma_wait3A_201] : memref<50000x2x128xi32, #tpu.memory_space<hbm>> -> memref<50x1x128xi32, #tpu.memory_space<hbm>>
      %dma_wait3A_203 = tpu.memref_squeeze %dma_wait3A_202 : memref<50x1x128xi32, #tpu.memory_space<hbm>> -> memref<50x128xi32, #tpu.memory_space<hbm>>
      tpu.wait_dma2 semaphore(%dma_wait3A_199 : memref<!tpu.dma_semaphore, #tpu.memory_space<semaphore_mem>>) src(%dma_wait3A_203 : memref<50x128xi32, #tpu.memory_space<hbm>>) dst(%arg6 : memref<50x128xi32, #tpu.memory_space<vmem>>)
      %dma_wait3A_204 = arith.constant 0 : i32
      %dma_wait3A_205 = arith.constant 0 : i32
      %dma_wait3A_206 = tpu.memref_slice %arg3[%dma_wait3A_205] : memref<6400000xf32, #tpu.memory_space<hbm>> -> memref<6400xf32, #tpu.memory_space<hbm>>
      %dma_wait3A_207 = tpu.memref_slice %arg11[%dma_wait3A_204] : memref<2x!tpu.dma_semaphore, #tpu.memory_space<semaphore_mem>> -> memref<1x!tpu.dma_semaphore, #tpu.memory_space<semaphore_mem>>
      %dma_wait3A_208 = tpu.memref_squeeze %dma_wait3A_207 : memref<1x!tpu.dma_semaphore, #tpu.memory_space<semaphore_mem>> -> memref<!tpu.dma_semaphore, #tpu.memory_space<semaphore_mem>>
      %dma_wait3A_209 = arith.constant 0 : i32
      %dma_wait3A_210 = tpu.memref_slice %arg3[%dma_wait3A_209] : memref<6400000xf32, #tpu.memory_space<hbm>> -> memref<6400xf32, #tpu.memory_space<hbm>>
      tpu.wait_dma2 semaphore(%dma_wait3A_208 : memref<!tpu.dma_semaphore, #tpu.memory_space<semaphore_mem>>) src(%dma_wait3A_210 : memref<6400xf32, #tpu.memory_space<hbm>>) dst(%arg8 : memref<6400xf32, #tpu.memory_space<vmem>>)
      %parallel_loop3A_211 = arith.constant 0 : i32
      %parallel_loop3A_212 = arith.constant 50 : i32
      %parallel_loop3A_213 = arith.constant 1 : i32
      scf.for %parallel_loop3A_248 = %parallel_loop3A_211 to %parallel_loop3A_212 step %parallel_loop3A_213  : i32 {
        %parallel_loop3A_249 = arith.index_cast %parallel_loop3A_248 : i32 to index
        %parallel_loop3A_250 = arith.constant 0 : index
        %parallel_loop3A_251 = tpu.vector_load %arg6[%parallel_loop3A_249, %parallel_loop3A_250] {strides = array<i32>} : memref<50x128xi32, #tpu.memory_space<vmem>>, vector<16xi32>,
        %parallel_loop3A_252 = arith.constant 128 : i32
        %parallel_loop3A_253 = arith.muli %parallel_loop3A_248, %parallel_loop3A_252 : i32
        %parallel_loop3A_254 = arith.constant 0 : i32
        %parallel_loop3A_255 = arith.addi %parallel_loop3A_253, %parallel_loop3A_254 : i32
        %parallel_loop3A_256 = arith.index_cast %parallel_loop3A_255 : i32 to index
        %parallel_loop3A_257 = tpu.vector_load %arg8[%parallel_loop3A_256] {strides = array<i32>} : memref<6400xf32, #tpu.memory_space<vmem>>, vector<16xf32>,
        tpu.vector_store_idx %arg10[%parallel_loop3A_251], %parallel_loop3A_257 {add = true} : memref<100352xf32, #tpu.memory_space<vmem>>[vector<16xi32>], vector<16xf32>,
        %parallel_loop3A_258 = arith.index_cast %parallel_loop3A_248 : i32 to index
        %parallel_loop3A_259 = arith.constant 16 : index
        %parallel_loop3A_260 = tpu.vector_load %arg6[%parallel_loop3A_258, %parallel_loop3A_259] {strides = array<i32>} : memref<50x128xi32, #tpu.memory_space<vmem>>, vector<16xi32>,
        %parallel_loop3A_261 = arith.constant 128 : i32
        %parallel_loop3A_262 = arith.muli %parallel_loop3A_248, %parallel_loop3A_261 : i32
        %parallel_loop3A_263 = arith.constant 16 : i32
        %parallel_loop3A_264 = arith.addi %parallel_loop3A_262, %parallel_loop3A_263 : i32
        %parallel_loop3A_265 = arith.index_cast %parallel_loop3A_264 : i32 to index
        %parallel_loop3A_266 = tpu.vector_load %arg8[%parallel_loop3A_265] {strides = array<i32>} : memref<6400xf32, #tpu.memory_space<vmem>>, vector<16xf32>,
        tpu.vector_store_idx %arg10[%parallel_loop3A_260], %parallel_loop3A_266 {add = true} : memref<100352xf32, #tpu.memory_space<vmem>>[vector<16xi32>], vector<16xf32>,
        %parallel_loop3A_267 = arith.index_cast %parallel_loop3A_248 : i32 to index
        %parallel_loop3A_268 = arith.constant 32 : index
        %parallel_loop3A_269 = tpu.vector_load %arg6[%parallel_loop3A_267, %parallel_loop3A_268] {strides = array<i32>} : memref<50x128xi32, #tpu.memory_space<vmem>>, vector<16xi32>,
        %parallel_loop3A_270 = arith.constant 128 : i32
        %parallel_loop3A_271 = arith.muli %parallel_loop3A_248, %parallel_loop3A_270 : i32
        %parallel_loop3A_272 = arith.constant 32 : i32
        %parallel_loop3A_273 = arith.addi %parallel_loop3A_271, %parallel_loop3A_272 : i32
        %parallel_loop3A_274 = arith.index_cast %parallel_loop3A_273 : i32 to index
        %parallel_loop3A_275 = tpu.vector_load %arg8[%parallel_loop3A_274] {strides = array<i32>} : memref<6400xf32, #tpu.memory_space<vmem>>, vector<16xf32>,
        tpu.vector_store_idx %arg10[%parallel_loop3A_269], %parallel_loop3A_275 {add = true} : memref<100352xf32, #tpu.memory_space<vmem>>[vector<16xi32>], vector<16xf32>,
        %parallel_loop3A_276 = arith.index_cast %parallel_loop3A_248 : i32 to index
        %parallel_loop3A_277 = arith.constant 48 : index
        %parallel_loop3A_278 = tpu.vector_load %arg6[%parallel_loop3A_276, %parallel_loop3A_277] {strides = array<i32>} : memref<50x128xi32, #tpu.memory_space<vmem>>, vector<16xi32>,
        %parallel_loop3A_279 = arith.constant 128 : i32
        %parallel_loop3A_280 = arith.muli %parallel_loop3A_248, %parallel_loop3A_279 : i32
        %parallel_loop3A_281 = arith.constant 48 : i32
        %parallel_loop3A_282 = arith.addi %parallel_loop3A_280, %parallel_loop3A_281 : i32
        %parallel_loop3A_283 = arith.index_cast %parallel_loop3A_282 : i32 to index
        %parallel_loop3A_284 = tpu.vector_load %arg8[%parallel_loop3A_283] {strides = array<i32>} : memref<6400xf32, #tpu.memory_space<vmem>>, vector<16xf32>,
        tpu.vector_store_idx %arg10[%parallel_loop3A_278], %parallel_loop3A_284 {add = true} : memref<100352xf32, #tpu.memory_space<vmem>>[vector<16xi32>], vector<16xf32>,
        %parallel_loop3A_285 = arith.index_cast %parallel_loop3A_248 : i32 to index
        %parallel_loop3A_286 = arith.constant 64 : index
        %parallel_loop3A_287 = tpu.vector_load %arg6[%parallel_loop3A_285, %parallel_loop3A_286] {strides = array<i32>} : memref<50x128xi32, #tpu.memory_space<vmem>>, vector<16xi32>,
        %parallel_loop3A_288 = arith.constant 128 : i32
        %parallel_loop3A_289 = arith.muli %parallel_loop3A_248, %parallel_loop3A_288 : i32
        %parallel_loop3A_290 = arith.constant 64 : i32
        %parallel_loop3A_291 = arith.addi %parallel_loop3A_289, %parallel_loop3A_290 : i32
        %parallel_loop3A_292 = arith.index_cast %parallel_loop3A_291 : i32 to index
        %parallel_loop3A_293 = tpu.vector_load %arg8[%parallel_loop3A_292] {strides = array<i32>} : memref<6400xf32, #tpu.memory_space<vmem>>, vector<16xf32>,
        tpu.vector_store_idx %arg10[%parallel_loop3A_287], %parallel_loop3A_293 {add = true} : memref<100352xf32, #tpu.memory_space<vmem>>[vector<16xi32>], vector<16xf32>,
        %parallel_loop3A_294 = arith.index_cast %parallel_loop3A_248 : i32 to index
        %parallel_loop3A_295 = arith.constant 80 : index
        %parallel_loop3A_296 = tpu.vector_load %arg6[%parallel_loop3A_294, %parallel_loop3A_295] {strides = array<i32>} : memref<50x128xi32, #tpu.memory_space<vmem>>, vector<16xi32>,
        %parallel_loop3A_297 = arith.constant 128 : i32
        %parallel_loop3A_298 = arith.muli %parallel_loop3A_248, %parallel_loop3A_297 : i32
        %parallel_loop3A_299 = arith.constant 80 : i32
        %parallel_loop3A_300 = arith.addi %parallel_loop3A_298, %parallel_loop3A_299 : i32
        %parallel_loop3A_301 = arith.index_cast %parallel_loop3A_300 : i32 to index
        %parallel_loop3A_302 = tpu.vector_load %arg8[%parallel_loop3A_301] {strides = array<i32>} : memref<6400xf32, #tpu.memory_space<vmem>>, vector<16xf32>,
        tpu.vector_store_idx %arg10[%parallel_loop3A_296], %parallel_loop3A_302 {add = true} : memref<100352xf32, #tpu.memory_space<vmem>>[vector<16xi32>], vector<16xf32>,
        %parallel_loop3A_303 = arith.index_cast %parallel_loop3A_248 : i32 to index
        %parallel_loop3A_304 = arith.constant 96 : index
        %parallel_loop3A_305 = tpu.vector_load %arg6[%parallel_loop3A_303, %parallel_loop3A_304] {strides = array<i32>} : memref<50x128xi32, #tpu.memory_space<vmem>>, vector<16xi32>,
        %parallel_loop3A_306 = arith.constant 128 : i32
        %parallel_loop3A_307 = arith.muli %parallel_loop3A_248, %parallel_loop3A_306 : i32
        %parallel_loop3A_308 = arith.constant 96 : i32
        %parallel_loop3A_309 = arith.addi %parallel_loop3A_307, %parallel_loop3A_308 : i32
        %parallel_loop3A_310 = arith.index_cast %parallel_loop3A_309 : i32 to index
        %parallel_loop3A_311 = tpu.vector_load %arg8[%parallel_loop3A_310] {strides = array<i32>} : memref<6400xf32, #tpu.memory_space<vmem>>, vector<16xf32>,
        tpu.vector_store_idx %arg10[%parallel_loop3A_305], %parallel_loop3A_311 {add = true} : memref<100352xf32, #tpu.memory_space<vmem>>[vector<16xi32>], vector<16xf32>,
        %parallel_loop3A_312 = arith.index_cast %parallel_loop3A_248 : i32 to index
        %parallel_loop3A_313 = arith.constant 112 : index
        %parallel_loop3A_314 = tpu.vector_load %arg6[%parallel_loop3A_312, %parallel_loop3A_313] {strides = array<i32>} : memref<50x128xi32, #tpu.memory_space<vmem>>, vector<16xi32>,
        %parallel_loop3A_315 = arith.constant 128 : i32
        %parallel_loop3A_316 = arith.muli %parallel_loop3A_248, %parallel_loop3A_315 : i32
        %parallel_loop3A_317 = arith.constant 112 : i32
        %parallel_loop3A_318 = arith.addi %parallel_loop3A_316, %parallel_loop3A_317 : i32
        %parallel_loop3A_319 = arith.index_cast %parallel_loop3A_318 : i32 to index
        %parallel_loop3A_320 = tpu.vector_load %arg8[%parallel_loop3A_319] {strides = array<i32>} : memref<6400xf32, #tpu.memory_space<vmem>>, vector<16xf32>,
        tpu.vector_store_idx %arg10[%parallel_loop3A_314], %parallel_loop3A_320 {add = true} : memref<100352xf32, #tpu.memory_space<vmem>>[vector<16xi32>], vector<16xf32>,
      } {sc.loop_unroll_factor = 2 : i64, sc.parallel_access}
      %add3A_214 = arith.constant 2 : i32
      %add3A_215 = arith.addi %mul3A_192, %add3A_214 : i32
      %lt3A_216 = arith.cmpi slt, %add3A_215, %select_n3A : i32
      %convert_element_type3A_217 = arith.extui %lt3A_216 : i1 to i32
      %cond3A_218 = arith.constant 0 : i32
      %cond3A_219 = arith.cmpi ne, %convert_element_type3A_217, %cond3A_218 : i32
      scf.if %cond3A_219 {
        %add3A_248 = arith.constant 2 : i32
        %add3A_249 = arith.addi %mul3A_192, %add3A_248 : i32
        %mul3A_250 = arith.constant 50 : i32
        %mul3A_251 = arith.muli %add3A_249, %mul3A_250 : i32
        %add3A_252 = arith.addi %mul3A_9, %mul3A_251 : i32
        %dma_start3A_253 = arith.constant 0 : i32
        %dma_start3A_254 = arith.constant 0 : i32
        %dma_start3A_255 = arith.constant 0 : i32
        %dma_start3A_256 = tpu.memref_slice %arg2[%add3A_252, %dma_start3A_253, %dma_start3A_255] : memref<50000x2x128xi32, #tpu.memory_space<hbm>> -> memref<50x1x128xi32, #tpu.memory_space<hbm>>
        %dma_start3A_257 = tpu.memref_squeeze %dma_start3A_256 : memref<50x1x128xi32, #tpu.memory_space<hbm>> -> memref<50x128xi32, #tpu.memory_space<hbm>>
        %dma_start3A_258 = tpu.memref_slice %arg11[%dma_start3A_254] : memref<2x!tpu.dma_semaphore, #tpu.memory_space<semaphore_mem>> -> memref<1x!tpu.dma_semaphore, #tpu.memory_space<semaphore_mem>>
        %dma_start3A_259 = tpu.memref_squeeze %dma_start3A_258 : memref<1x!tpu.dma_semaphore, #tpu.memory_space<semaphore_mem>> -> memref<!tpu.dma_semaphore, #tpu.memory_space<semaphore_mem>>
        %dma_start3A_260 = arith.constant 0 : i32
        %dma_start3A_261 = tpu.memref_slice %arg2[%add3A_252, %dma_start3A_253, %dma_start3A_260] : memref<50000x2x128xi32, #tpu.memory_space<hbm>> -> memref<50x1x128xi32, #tpu.memory_space<hbm>>
        %dma_start3A_262 = tpu.memref_squeeze %dma_start3A_261 : memref<50x1x128xi32, #tpu.memory_space<hbm>> -> memref<50x128xi32, #tpu.memory_space<hbm>>
        tpu.enqueue_dma source(%dma_start3A_262 : memref<50x128xi32, #tpu.memory_space<hbm>>) target(%arg6 : memref<50x128xi32, #tpu.memory_space<vmem>>) target_semaphore(%dma_start3A_259 : memref<!tpu.dma_semaphore, #tpu.memory_space<semaphore_mem>>)
        %mul3A_263 = arith.constant 128 : i32
        %mul3A_264 = arith.muli %add3A_252, %mul3A_263 : i32
        %dma_start3A_265 = arith.constant 0 : i32
        %dma_start3A_266 = tpu.memref_slice %arg3[%mul3A_264] : memref<6400000xf32, #tpu.memory_space<hbm>> -> memref<6400xf32, #tpu.memory_space<hbm>>
        %dma_start3A_267 = tpu.memref_slice %arg11[%dma_start3A_265] : memref<2x!tpu.dma_semaphore, #tpu.memory_space<semaphore_mem>> -> memref<1x!tpu.dma_semaphore, #tpu.memory_space<semaphore_mem>>
        %dma_start3A_268 = tpu.memref_squeeze %dma_start3A_267 : memref<1x!tpu.dma_semaphore, #tpu.memory_space<semaphore_mem>> -> memref<!tpu.dma_semaphore, #tpu.memory_space<semaphore_mem>>
        %dma_start3A_269 = tpu.memref_slice %arg3[%mul3A_264] : memref<6400000xf32, #tpu.memory_space<hbm>> -> memref<6400xf32, #tpu.memory_space<hbm>>
        tpu.enqueue_dma source(%dma_start3A_269 : memref<6400xf32, #tpu.memory_space<hbm>>) target(%arg8 : memref<6400xf32, #tpu.memory_space<vmem>>) target_semaphore(%dma_start3A_268 : memref<!tpu.dma_semaphore, #tpu.memory_space<semaphore_mem>>)
      } else {
      }
      %dma_wait3A_220 = arith.constant 0 : i32
      %dma_wait3A_221 = arith.constant 1 : i32
      %dma_wait3A_222 = arith.constant 0 : i32
      %dma_wait3A_223 = arith.constant 0 : i32
      %dma_wait3A_224 = tpu.memref_slice %arg2[%dma_wait3A_222, %dma_wait3A_220, %dma_wait3A_223] : memref<50000x2x128xi32, #tpu.memory_space<hbm>> -> memref<50x1x128xi32, #tpu.memory_space<hbm>>
      %dma_wait3A_225 = tpu.memref_squeeze %dma_wait3A_224 : memref<50x1x128xi32, #tpu.memory_space<hbm>> -> memref<50x128xi32, #tpu.memory_space<hbm>>
      %dma_wait3A_226 = tpu.memref_slice %arg11[%dma_wait3A_221] : memref<2x!tpu.dma_semaphore, #tpu.memory_space<semaphore_mem>> -> memref<1x!tpu.dma_semaphore, #tpu.memory_space<semaphore_mem>>
      %dma_wait3A_227 = tpu.memref_squeeze %dma_wait3A_226 : memref<1x!tpu.dma_semaphore, #tpu.memory_space<semaphore_mem>> -> memref<!tpu.dma_semaphore, #tpu.memory_space<semaphore_mem>>
      %dma_wait3A_228 = arith.constant 0 : i32
      %dma_wait3A_229 = arith.constant 0 : i32
      %dma_wait3A_230 = tpu.memref_slice %arg2[%dma_wait3A_228, %dma_wait3A_220, %dma_wait3A_229] : memref<50000x2x128xi32, #tpu.memory_space<hbm>> -> memref<50x1x128xi32, #tpu.memory_space<hbm>>
      %dma_wait3A_231 = tpu.memref_squeeze %dma_wait3A_230 : memref<50x1x128xi32, #tpu.memory_space<hbm>> -> memref<50x128xi32, #tpu.memory_space<hbm>>
      tpu.wait_dma2 semaphore(%dma_wait3A_227 : memref<!tpu.dma_semaphore, #tpu.memory_space<semaphore_mem>>) src(%dma_wait3A_231 : memref<50x128xi32, #tpu.memory_space<hbm>>) dst(%arg7 : memref<50x128xi32, #tpu.memory_space<vmem>>)
      %dma_wait3A_232 = arith.constant 1 : i32
      %dma_wait3A_233 = arith.constant 0 : i32
      %dma_wait3A_234 = tpu.memref_slice %arg3[%dma_wait3A_233] : memref<6400000xf32, #tpu.memory_space<hbm>> -> memref<6400xf32, #tpu.memory_space<hbm>>
      %dma_wait3A_235 = tpu.memref_slice %arg11[%dma_wait3A_232] : memref<2x!tpu.dma_semaphore, #tpu.memory_space<semaphore_mem>> -> memref<1x!tpu.dma_semaphore, #tpu.memory_space<semaphore_mem>>
      %dma_wait3A_236 = tpu.memref_squeeze %dma_wait3A_235 : memref<1x!tpu.dma_semaphore, #tpu.memory_space<semaphore_mem>> -> memref<!tpu.dma_semaphore, #tpu.memory_space<semaphore_mem>>
      %dma_wait3A_237 = arith.constant 0 : i32
      %dma_wait3A_238 = tpu.memref_slice %arg3[%dma_wait3A_237] : memref<6400000xf32, #tpu.memory_space<hbm>> -> memref<6400xf32, #tpu.memory_space<hbm>>
      tpu.wait_dma2 semaphore(%dma_wait3A_236 : memref<!tpu.dma_semaphore, #tpu.memory_space<semaphore_mem>>) src(%dma_wait3A_238 : memref<6400xf32, #tpu.memory_space<hbm>>) dst(%arg9 : memref<6400xf32, #tpu.memory_space<vmem>>)
      %parallel_loop3A_239 = arith.constant 0 : i32
      %parallel_loop3A_240 = arith.constant 50 : i32
      %parallel_loop3A_241 = arith.constant 1 : i32
      scf.for %parallel_loop3A_248 = %parallel_loop3A_239 to %parallel_loop3A_240 step %parallel_loop3A_241  : i32 {
        %parallel_loop3A_249 = arith.index_cast %parallel_loop3A_248 : i32 to index
        %parallel_loop3A_250 = arith.constant 0 : index
        %parallel_loop3A_251 = tpu.vector_load %arg7[%parallel_loop3A_249, %parallel_loop3A_250] {strides = array<i32>} : memref<50x128xi32, #tpu.memory_space<vmem>>, vector<16xi32>,
        %parallel_loop3A_252 = arith.constant 128 : i32
        %parallel_loop3A_253 = arith.muli %parallel_loop3A_248, %parallel_loop3A_252 : i32
        %parallel_loop3A_254 = arith.constant 0 : i32
        %parallel_loop3A_255 = arith.addi %parallel_loop3A_253, %parallel_loop3A_254 : i32
        %parallel_loop3A_256 = arith.index_cast %parallel_loop3A_255 : i32 to index
        %parallel_loop3A_257 = tpu.vector_load %arg9[%parallel_loop3A_256] {strides = array<i32>} : memref<6400xf32, #tpu.memory_space<vmem>>, vector<16xf32>,
        tpu.vector_store_idx %arg10[%parallel_loop3A_251], %parallel_loop3A_257 {add = true} : memref<100352xf32, #tpu.memory_space<vmem>>[vector<16xi32>], vector<16xf32>,
        %parallel_loop3A_258 = arith.index_cast %parallel_loop3A_248 : i32 to index
        %parallel_loop3A_259 = arith.constant 16 : index
        %parallel_loop3A_260 = tpu.vector_load %arg7[%parallel_loop3A_258, %parallel_loop3A_259] {strides = array<i32>} : memref<50x128xi32, #tpu.memory_space<vmem>>, vector<16xi32>,
        %parallel_loop3A_261 = arith.constant 128 : i32
        %parallel_loop3A_262 = arith.muli %parallel_loop3A_248, %parallel_loop3A_261 : i32
        %parallel_loop3A_263 = arith.constant 16 : i32
        %parallel_loop3A_264 = arith.addi %parallel_loop3A_262, %parallel_loop3A_263 : i32
        %parallel_loop3A_265 = arith.index_cast %parallel_loop3A_264 : i32 to index
        %parallel_loop3A_266 = tpu.vector_load %arg9[%parallel_loop3A_265] {strides = array<i32>} : memref<6400xf32, #tpu.memory_space<vmem>>, vector<16xf32>,
        tpu.vector_store_idx %arg10[%parallel_loop3A_260], %parallel_loop3A_266 {add = true} : memref<100352xf32, #tpu.memory_space<vmem>>[vector<16xi32>], vector<16xf32>,
        %parallel_loop3A_267 = arith.index_cast %parallel_loop3A_248 : i32 to index
        %parallel_loop3A_268 = arith.constant 32 : index
        %parallel_loop3A_269 = tpu.vector_load %arg7[%parallel_loop3A_267, %parallel_loop3A_268] {strides = array<i32>} : memref<50x128xi32, #tpu.memory_space<vmem>>, vector<16xi32>,
        %parallel_loop3A_270 = arith.constant 128 : i32
        %parallel_loop3A_271 = arith.muli %parallel_loop3A_248, %parallel_loop3A_270 : i32
        %parallel_loop3A_272 = arith.constant 32 : i32
        %parallel_loop3A_273 = arith.addi %parallel_loop3A_271, %parallel_loop3A_272 : i32
        %parallel_loop3A_274 = arith.index_cast %parallel_loop3A_273 : i32 to index
        %parallel_loop3A_275 = tpu.vector_load %arg9[%parallel_loop3A_274] {strides = array<i32>} : memref<6400xf32, #tpu.memory_space<vmem>>, vector<16xf32>,
        tpu.vector_store_idx %arg10[%parallel_loop3A_269], %parallel_loop3A_275 {add = true} : memref<100352xf32, #tpu.memory_space<vmem>>[vector<16xi32>], vector<16xf32>,
        %parallel_loop3A_276 = arith.index_cast %parallel_loop3A_248 : i32 to index
        %parallel_loop3A_277 = arith.constant 48 : index
        %parallel_loop3A_278 = tpu.vector_load %arg7[%parallel_loop3A_276, %parallel_loop3A_277] {strides = array<i32>} : memref<50x128xi32, #tpu.memory_space<vmem>>, vector<16xi32>,
        %parallel_loop3A_279 = arith.constant 128 : i32
        %parallel_loop3A_280 = arith.muli %parallel_loop3A_248, %parallel_loop3A_279 : i32
        %parallel_loop3A_281 = arith.constant 48 : i32
        %parallel_loop3A_282 = arith.addi %parallel_loop3A_280, %parallel_loop3A_281 : i32
        %parallel_loop3A_283 = arith.index_cast %parallel_loop3A_282 : i32 to index
        %parallel_loop3A_284 = tpu.vector_load %arg9[%parallel_loop3A_283] {strides = array<i32>} : memref<6400xf32, #tpu.memory_space<vmem>>, vector<16xf32>,
        tpu.vector_store_idx %arg10[%parallel_loop3A_278], %parallel_loop3A_284 {add = true} : memref<100352xf32, #tpu.memory_space<vmem>>[vector<16xi32>], vector<16xf32>,
        %parallel_loop3A_285 = arith.index_cast %parallel_loop3A_248 : i32 to index
        %parallel_loop3A_286 = arith.constant 64 : index
        %parallel_loop3A_287 = tpu.vector_load %arg7[%parallel_loop3A_285, %parallel_loop3A_286] {strides = array<i32>} : memref<50x128xi32, #tpu.memory_space<vmem>>, vector<16xi32>,
        %parallel_loop3A_288 = arith.constant 128 : i32
        %parallel_loop3A_289 = arith.muli %parallel_loop3A_248, %parallel_loop3A_288 : i32
        %parallel_loop3A_290 = arith.constant 64 : i32
        %parallel_loop3A_291 = arith.addi %parallel_loop3A_289, %parallel_loop3A_290 : i32
        %parallel_loop3A_292 = arith.index_cast %parallel_loop3A_291 : i32 to index
        %parallel_loop3A_293 = tpu.vector_load %arg9[%parallel_loop3A_292] {strides = array<i32>} : memref<6400xf32, #tpu.memory_space<vmem>>, vector<16xf32>,
        tpu.vector_store_idx %arg10[%parallel_loop3A_287], %parallel_loop3A_293 {add = true} : memref<100352xf32, #tpu.memory_space<vmem>>[vector<16xi32>], vector<16xf32>,
        %parallel_loop3A_294 = arith.index_cast %parallel_loop3A_248 : i32 to index
        %parallel_loop3A_295 = arith.constant 80 : index
        %parallel_loop3A_296 = tpu.vector_load %arg7[%parallel_loop3A_294, %parallel_loop3A_295] {strides = array<i32>} : memref<50x128xi32, #tpu.memory_space<vmem>>, vector<16xi32>,
        %parallel_loop3A_297 = arith.constant 128 : i32
        %parallel_loop3A_298 = arith.muli %parallel_loop3A_248, %parallel_loop3A_297 : i32
        %parallel_loop3A_299 = arith.constant 80 : i32
        %parallel_loop3A_300 = arith.addi %parallel_loop3A_298, %parallel_loop3A_299 : i32
        %parallel_loop3A_301 = arith.index_cast %parallel_loop3A_300 : i32 to index
        %parallel_loop3A_302 = tpu.vector_load %arg9[%parallel_loop3A_301] {strides = array<i32>} : memref<6400xf32, #tpu.memory_space<vmem>>, vector<16xf32>,
        tpu.vector_store_idx %arg10[%parallel_loop3A_296], %parallel_loop3A_302 {add = true} : memref<100352xf32, #tpu.memory_space<vmem>>[vector<16xi32>], vector<16xf32>,
        %parallel_loop3A_303 = arith.index_cast %parallel_loop3A_248 : i32 to index
        %parallel_loop3A_304 = arith.constant 96 : index
        %parallel_loop3A_305 = tpu.vector_load %arg7[%parallel_loop3A_303, %parallel_loop3A_304] {strides = array<i32>} : memref<50x128xi32, #tpu.memory_space<vmem>>, vector<16xi32>,
        %parallel_loop3A_306 = arith.constant 128 : i32
        %parallel_loop3A_307 = arith.muli %parallel_loop3A_248, %parallel_loop3A_306 : i32
        %parallel_loop3A_308 = arith.constant 96 : i32
        %parallel_loop3A_309 = arith.addi %parallel_loop3A_307, %parallel_loop3A_308 : i32
        %parallel_loop3A_310 = arith.index_cast %parallel_loop3A_309 : i32 to index
        %parallel_loop3A_311 = tpu.vector_load %arg9[%parallel_loop3A_310] {strides = array<i32>} : memref<6400xf32, #tpu.memory_space<vmem>>, vector<16xf32>,
        tpu.vector_store_idx %arg10[%parallel_loop3A_305], %parallel_loop3A_311 {add = true} : memref<100352xf32, #tpu.memory_space<vmem>>[vector<16xi32>], vector<16xf32>,
        %parallel_loop3A_312 = arith.index_cast %parallel_loop3A_248 : i32 to index
        %parallel_loop3A_313 = arith.constant 112 : index
        %parallel_loop3A_314 = tpu.vector_load %arg7[%parallel_loop3A_312, %parallel_loop3A_313] {strides = array<i32>} : memref<50x128xi32, #tpu.memory_space<vmem>>, vector<16xi32>,
        %parallel_loop3A_315 = arith.constant 128 : i32
        %parallel_loop3A_316 = arith.muli %parallel_loop3A_248, %parallel_loop3A_315 : i32
        %parallel_loop3A_317 = arith.constant 112 : i32
        %parallel_loop3A_318 = arith.addi %parallel_loop3A_316, %parallel_loop3A_317 : i32
        %parallel_loop3A_319 = arith.index_cast %parallel_loop3A_318 : i32 to index
        %parallel_loop3A_320 = tpu.vector_load %arg9[%parallel_loop3A_319] {strides = array<i32>} : memref<6400xf32, #tpu.memory_space<vmem>>, vector<16xf32>,
        tpu.vector_store_idx %arg10[%parallel_loop3A_314], %parallel_loop3A_320 {add = true} : memref<100352xf32, #tpu.memory_space<vmem>>[vector<16xi32>], vector<16xf32>,
      } {sc.loop_unroll_factor = 2 : i64, sc.parallel_access}
      %add3A_242 = arith.constant 3 : i32
      %add3A_243 = arith.addi %mul3A_192, %add3A_242 : i32
      %lt3A_244 = arith.cmpi slt, %add3A_243, %select_n3A : i32
      %convert_element_type3A_245 = arith.extui %lt3A_244 : i1 to i32
      %cond3A_246 = arith.constant 0 : i32
      %cond3A_247 = arith.cmpi ne, %convert_element_type3A_245, %cond3A_246 : i32
      scf.if %cond3A_247 {
        %add3A_248 = arith.constant 3 : i32
        %add3A_249 = arith.addi %mul3A_192, %add3A_248 : i32
        %mul3A_250 = arith.constant 50 : i32
        %mul3A_251 = arith.muli %add3A_249, %mul3A_250 : i32
        %add3A_252 = arith.addi %mul3A_9, %mul3A_251 : i32
        %dma_start3A_253 = arith.constant 0 : i32
        %dma_start3A_254 = arith.constant 1 : i32
        %dma_start3A_255 = arith.constant 0 : i32
        %dma_start3A_256 = tpu.memref_slice %arg2[%add3A_252, %dma_start3A_253, %dma_start3A_255] : memref<50000x2x128xi32, #tpu.memory_space<hbm>> -> memref<50x1x128xi32, #tpu.memory_space<hbm>>
        %dma_start3A_257 = tpu.memref_squeeze %dma_start3A_256 : memref<50x1x128xi32, #tpu.memory_space<hbm>> -> memref<50x128xi32, #tpu.memory_space<hbm>>
        %dma_start3A_258 = tpu.memref_slice %arg11[%dma_start3A_254] : memref<2x!tpu.dma_semaphore, #tpu.memory_space<semaphore_mem>> -> memref<1x!tpu.dma_semaphore, #tpu.memory_space<semaphore_mem>>
        %dma_start3A_259 = tpu.memref_squeeze %dma_start3A_258 : memref<1x!tpu.dma_semaphore, #tpu.memory_space<semaphore_mem>> -> memref<!tpu.dma_semaphore, #tpu.memory_space<semaphore_mem>>
        %dma_start3A_260 = arith.constant 0 : i32
        %dma_start3A_261 = tpu.memref_slice %arg2[%add3A_252, %dma_start3A_253, %dma_start3A_260] : memref<50000x2x128xi32, #tpu.memory_space<hbm>> -> memref<50x1x128xi32, #tpu.memory_space<hbm>>
        %dma_start3A_262 = tpu.memref_squeeze %dma_start3A_261 : memref<50x1x128xi32, #tpu.memory_space<hbm>> -> memref<50x128xi32, #tpu.memory_space<hbm>>
        tpu.enqueue_dma source(%dma_start3A_262 : memref<50x128xi32, #tpu.memory_space<hbm>>) target(%arg7 : memref<50x128xi32, #tpu.memory_space<vmem>>) target_semaphore(%dma_start3A_259 : memref<!tpu.dma_semaphore, #tpu.memory_space<semaphore_mem>>)
        %mul3A_263 = arith.constant 128 : i32
        %mul3A_264 = arith.muli %add3A_252, %mul3A_263 : i32
        %dma_start3A_265 = arith.constant 1 : i32
        %dma_start3A_266 = tpu.memref_slice %arg3[%mul3A_264] : memref<6400000xf32, #tpu.memory_space<hbm>> -> memref<6400xf32, #tpu.memory_space<hbm>>
        %dma_start3A_267 = tpu.memref_slice %arg11[%dma_start3A_265] : memref<2x!tpu.dma_semaphore, #tpu.memory_space<semaphore_mem>> -> memref<1x!tpu.dma_semaphore, #tpu.memory_space<semaphore_mem>>
        %dma_start3A_268 = tpu.memref_squeeze %dma_start3A_267 : memref<1x!tpu.dma_semaphore, #tpu.memory_space<semaphore_mem>> -> memref<!tpu.dma_semaphore, #tpu.memory_space<semaphore_mem>>
        %dma_start3A_269 = tpu.memref_slice %arg3[%mul3A_264] : memref<6400000xf32, #tpu.memory_space<hbm>> -> memref<6400xf32, #tpu.memory_space<hbm>>
        tpu.enqueue_dma source(%dma_start3A_269 : memref<6400xf32, #tpu.memory_space<hbm>>) target(%arg9 : memref<6400xf32, #tpu.memory_space<vmem>>) target_semaphore(%dma_start3A_268 : memref<!tpu.dma_semaphore, #tpu.memory_space<semaphore_mem>>)
      } else {
      }
    }
    %while3A_75 = arith.constant 1 : i32
    scf.for %while3A_190 = %while3A_73 to %while3A_69 step %while3A_75  : i32 {
      %mul3A_191 = arith.constant 2 : i32
      %mul3A_192 = arith.muli %while3A_190, %mul3A_191 : i32
      %dma_wait3A = arith.constant 0 : i32
      %dma_wait3A_193 = arith.constant 0 : i32
      %dma_wait3A_194 = arith.constant 0 : i32
      %dma_wait3A_195 = arith.constant 0 : i32
      %dma_wait3A_196 = tpu.memref_slice %arg2[%dma_wait3A_194, %dma_wait3A, %dma_wait3A_195] : memref<50000x2x128xi32, #tpu.memory_space<hbm>> -> memref<50x1x128xi32, #tpu.memory_space<hbm>>
      %dma_wait3A_197 = tpu.memref_squeeze %dma_wait3A_196 : memref<50x1x128xi32, #tpu.memory_space<hbm>> -> memref<50x128xi32, #tpu.memory_space<hbm>>
      %dma_wait3A_198 = tpu.memref_slice %arg11[%dma_wait3A_193] : memref<2x!tpu.dma_semaphore, #tpu.memory_space<semaphore_mem>> -> memref<1x!tpu.dma_semaphore, #tpu.memory_space<semaphore_mem>>
      %dma_wait3A_199 = tpu.memref_squeeze %dma_wait3A_198 : memref<1x!tpu.dma_semaphore, #tpu.memory_space<semaphore_mem>> -> memref<!tpu.dma_semaphore, #tpu.memory_space<semaphore_mem>>
      %dma_wait3A_200 = arith.constant 0 : i32
      %dma_wait3A_201 = arith.constant 0 : i32
      %dma_wait3A_202 = tpu.memref_slice %arg2[%dma_wait3A_200, %dma_wait3A, %dma_wait3A_201] : memref<50000x2x128xi32, #tpu.memory_space<hbm>> -> memref<50x1x128xi32, #tpu.memory_space<hbm>>
      %dma_wait3A_203 = tpu.memref_squeeze %dma_wait3A_202 : memref<50x1x128xi32, #tpu.memory_space<hbm>> -> memref<50x128xi32, #tpu.memory_space<hbm>>
      tpu.wait_dma2 semaphore(%dma_wait3A_199 : memref<!tpu.dma_semaphore, #tpu.memory_space<semaphore_mem>>) src(%dma_wait3A_203 : memref<50x128xi32, #tpu.memory_space<hbm>>) dst(%arg6 : memref<50x128xi32, #tpu.memory_space<vmem>>)
      %dma_wait3A_204 = arith.constant 0 : i32
      %dma_wait3A_205 = arith.constant 0 : i32
      %dma_wait3A_206 = tpu.memref_slice %arg3[%dma_wait3A_205] : memref<6400000xf32, #tpu.memory_space<hbm>> -> memref<6400xf32, #tpu.memory_space<hbm>>
      %dma_wait3A_207 = tpu.memref_slice %arg11[%dma_wait3A_204] : memref<2x!tpu.dma_semaphore, #tpu.memory_space<semaphore_mem>> -> memref<1x!tpu.dma_semaphore, #tpu.memory_space<semaphore_mem>>
      %dma_wait3A_208 = tpu.memref_squeeze %dma_wait3A_207 : memref<1x!tpu.dma_semaphore, #tpu.memory_space<semaphore_mem>> -> memref<!tpu.dma_semaphore, #tpu.memory_space<semaphore_mem>>
      %dma_wait3A_209 = arith.constant 0 : i32
      %dma_wait3A_210 = tpu.memref_slice %arg3[%dma_wait3A_209] : memref<6400000xf32, #tpu.memory_space<hbm>> -> memref<6400xf32, #tpu.memory_space<hbm>>
      tpu.wait_dma2 semaphore(%dma_wait3A_208 : memref<!tpu.dma_semaphore, #tpu.memory_space<semaphore_mem>>) src(%dma_wait3A_210 : memref<6400xf32, #tpu.memory_space<hbm>>) dst(%arg8 : memref<6400xf32, #tpu.memory_space<vmem>>)
      %parallel_loop3A_211 = arith.constant 0 : i32
      %parallel_loop3A_212 = arith.constant 50 : i32
      %parallel_loop3A_213 = arith.constant 1 : i32
      scf.for %parallel_loop3A_248 = %parallel_loop3A_211 to %parallel_loop3A_212 step %parallel_loop3A_213  : i32 {
        %parallel_loop3A_249 = arith.index_cast %parallel_loop3A_248 : i32 to index
        %parallel_loop3A_250 = arith.constant 0 : index
        %parallel_loop3A_251 = tpu.vector_load %arg6[%parallel_loop3A_249, %parallel_loop3A_250] {strides = array<i32>} : memref<50x128xi32, #tpu.memory_space<vmem>>, vector<16xi32>,
        %parallel_loop3A_252 = arith.constant 128 : i32
        %parallel_loop3A_253 = arith.muli %parallel_loop3A_248, %parallel_loop3A_252 : i32
        %parallel_loop3A_254 = arith.constant 0 : i32
        %parallel_loop3A_255 = arith.addi %parallel_loop3A_253, %parallel_loop3A_254 : i32
        %parallel_loop3A_256 = arith.index_cast %parallel_loop3A_255 : i32 to index
        %parallel_loop3A_257 = tpu.vector_load %arg8[%parallel_loop3A_256] {strides = array<i32>} : memref<6400xf32, #tpu.memory_space<vmem>>, vector<16xf32>,
        tpu.vector_store_idx %arg10[%parallel_loop3A_251], %parallel_loop3A_257 {add = true} : memref<100352xf32, #tpu.memory_space<vmem>>[vector<16xi32>], vector<16xf32>,
        %parallel_loop3A_258 = arith.index_cast %parallel_loop3A_248 : i32 to index
        %parallel_loop3A_259 = arith.constant 16 : index
        %parallel_loop3A_260 = tpu.vector_load %arg6[%parallel_loop3A_258, %parallel_loop3A_259] {strides = array<i32>} : memref<50x128xi32, #tpu.memory_space<vmem>>, vector<16xi32>,
        %parallel_loop3A_261 = arith.constant 128 : i32
        %parallel_loop3A_262 = arith.muli %parallel_loop3A_248, %parallel_loop3A_261 : i32
        %parallel_loop3A_263 = arith.constant 16 : i32
        %parallel_loop3A_264 = arith.addi %parallel_loop3A_262, %parallel_loop3A_263 : i32
        %parallel_loop3A_265 = arith.index_cast %parallel_loop3A_264 : i32 to index
        %parallel_loop3A_266 = tpu.vector_load %arg8[%parallel_loop3A_265] {strides = array<i32>} : memref<6400xf32, #tpu.memory_space<vmem>>, vector<16xf32>,
        tpu.vector_store_idx %arg10[%parallel_loop3A_260], %parallel_loop3A_266 {add = true} : memref<100352xf32, #tpu.memory_space<vmem>>[vector<16xi32>], vector<16xf32>,
        %parallel_loop3A_267 = arith.index_cast %parallel_loop3A_248 : i32 to index
        %parallel_loop3A_268 = arith.constant 32 : index
        %parallel_loop3A_269 = tpu.vector_load %arg6[%parallel_loop3A_267, %parallel_loop3A_268] {strides = array<i32>} : memref<50x128xi32, #tpu.memory_space<vmem>>, vector<16xi32>,
        %parallel_loop3A_270 = arith.constant 128 : i32
        %parallel_loop3A_271 = arith.muli %parallel_loop3A_248, %parallel_loop3A_270 : i32
        %parallel_loop3A_272 = arith.constant 32 : i32
        %parallel_loop3A_273 = arith.addi %parallel_loop3A_271, %parallel_loop3A_272 : i32
        %parallel_loop3A_274 = arith.index_cast %parallel_loop3A_273 : i32 to index
        %parallel_loop3A_275 = tpu.vector_load %arg8[%parallel_loop3A_274] {strides = array<i32>} : memref<6400xf32, #tpu.memory_space<vmem>>, vector<16xf32>,
        tpu.vector_store_idx %arg10[%parallel_loop3A_269], %parallel_loop3A_275 {add = true} : memref<100352xf32, #tpu.memory_space<vmem>>[vector<16xi32>], vector<16xf32>,
        %parallel_loop3A_276 = arith.index_cast %parallel_loop3A_248 : i32 to index
        %parallel_loop3A_277 = arith.constant 48 : index
        %parallel_loop3A_278 = tpu.vector_load %arg6[%parallel_loop3A_276, %parallel_loop3A_277] {strides = array<i32>} : memref<50x128xi32, #tpu.memory_space<vmem>>, vector<16xi32>,
        %parallel_loop3A_279 = arith.constant 128 : i32
        %parallel_loop3A_280 = arith.muli %parallel_loop3A_248, %parallel_loop3A_279 : i32
        %parallel_loop3A_281 = arith.constant 48 : i32
        %parallel_loop3A_282 = arith.addi %parallel_loop3A_280, %parallel_loop3A_281 : i32
        %parallel_loop3A_283 = arith.index_cast %parallel_loop3A_282 : i32 to index
        %parallel_loop3A_284 = tpu.vector_load %arg8[%parallel_loop3A_283] {strides = array<i32>} : memref<6400xf32, #tpu.memory_space<vmem>>, vector<16xf32>,
        tpu.vector_store_idx %arg10[%parallel_loop3A_278], %parallel_loop3A_284 {add = true} : memref<100352xf32, #tpu.memory_space<vmem>>[vector<16xi32>], vector<16xf32>,
        %parallel_loop3A_285 = arith.index_cast %parallel_loop3A_248 : i32 to index
        %parallel_loop3A_286 = arith.constant 64 : index
        %parallel_loop3A_287 = tpu.vector_load %arg6[%parallel_loop3A_285, %parallel_loop3A_286] {strides = array<i32>} : memref<50x128xi32, #tpu.memory_space<vmem>>, vector<16xi32>,
        %parallel_loop3A_288 = arith.constant 128 : i32
        %parallel_loop3A_289 = arith.muli %parallel_loop3A_248, %parallel_loop3A_288 : i32
        %parallel_loop3A_290 = arith.constant 64 : i32
        %parallel_loop3A_291 = arith.addi %parallel_loop3A_289, %parallel_loop3A_290 : i32
        %parallel_loop3A_292 = arith.index_cast %parallel_loop3A_291 : i32 to index
        %parallel_loop3A_293 = tpu.vector_load %arg8[%parallel_loop3A_292] {strides = array<i32>} : memref<6400xf32, #tpu.memory_space<vmem>>, vector<16xf32>,
        tpu.vector_store_idx %arg10[%parallel_loop3A_287], %parallel_loop3A_293 {add = true} : memref<100352xf32, #tpu.memory_space<vmem>>[vector<16xi32>], vector<16xf32>,
        %parallel_loop3A_294 = arith.index_cast %parallel_loop3A_248 : i32 to index
        %parallel_loop3A_295 = arith.constant 80 : index
        %parallel_loop3A_296 = tpu.vector_load %arg6[%parallel_loop3A_294, %parallel_loop3A_295] {strides = array<i32>} : memref<50x128xi32, #tpu.memory_space<vmem>>, vector<16xi32>,
        %parallel_loop3A_297 = arith.constant 128 : i32
        %parallel_loop3A_298 = arith.muli %parallel_loop3A_248, %parallel_loop3A_297 : i32
        %parallel_loop3A_299 = arith.constant 80 : i32
        %parallel_loop3A_300 = arith.addi %parallel_loop3A_298, %parallel_loop3A_299 : i32
        %parallel_loop3A_301 = arith.index_cast %parallel_loop3A_300 : i32 to index
        %parallel_loop3A_302 = tpu.vector_load %arg8[%parallel_loop3A_301] {strides = array<i32>} : memref<6400xf32, #tpu.memory_space<vmem>>, vector<16xf32>,
        tpu.vector_store_idx %arg10[%parallel_loop3A_296], %parallel_loop3A_302 {add = true} : memref<100352xf32, #tpu.memory_space<vmem>>[vector<16xi32>], vector<16xf32>,
        %parallel_loop3A_303 = arith.index_cast %parallel_loop3A_248 : i32 to index
        %parallel_loop3A_304 = arith.constant 96 : index
        %parallel_loop3A_305 = tpu.vector_load %arg6[%parallel_loop3A_303, %parallel_loop3A_304] {strides = array<i32>} : memref<50x128xi32, #tpu.memory_space<vmem>>, vector<16xi32>,
        %parallel_loop3A_306 = arith.constant 128 : i32
        %parallel_loop3A_307 = arith.muli %parallel_loop3A_248, %parallel_loop3A_306 : i32
        %parallel_loop3A_308 = arith.constant 96 : i32
        %parallel_loop3A_309 = arith.addi %parallel_loop3A_307, %parallel_loop3A_308 : i32
        %parallel_loop3A_310 = arith.index_cast %parallel_loop3A_309 : i32 to index
        %parallel_loop3A_311 = tpu.vector_load %arg8[%parallel_loop3A_310] {strides = array<i32>} : memref<6400xf32, #tpu.memory_space<vmem>>, vector<16xf32>,
        tpu.vector_store_idx %arg10[%parallel_loop3A_305], %parallel_loop3A_311 {add = true} : memref<100352xf32, #tpu.memory_space<vmem>>[vector<16xi32>], vector<16xf32>,
        %parallel_loop3A_312 = arith.index_cast %parallel_loop3A_248 : i32 to index
        %parallel_loop3A_313 = arith.constant 112 : index
        %parallel_loop3A_314 = tpu.vector_load %arg6[%parallel_loop3A_312, %parallel_loop3A_313] {strides = array<i32>} : memref<50x128xi32, #tpu.memory_space<vmem>>, vector<16xi32>,
        %parallel_loop3A_315 = arith.constant 128 : i32
        %parallel_loop3A_316 = arith.muli %parallel_loop3A_248, %parallel_loop3A_315 : i32
        %parallel_loop3A_317 = arith.constant 112 : i32
        %parallel_loop3A_318 = arith.addi %parallel_loop3A_316, %parallel_loop3A_317 : i32
        %parallel_loop3A_319 = arith.index_cast %parallel_loop3A_318 : i32 to index
        %parallel_loop3A_320 = tpu.vector_load %arg8[%parallel_loop3A_319] {strides = array<i32>} : memref<6400xf32, #tpu.memory_space<vmem>>, vector<16xf32>,
        tpu.vector_store_idx %arg10[%parallel_loop3A_314], %parallel_loop3A_320 {add = true} : memref<100352xf32, #tpu.memory_space<vmem>>[vector<16xi32>], vector<16xf32>,
      } {sc.loop_unroll_factor = 2 : i64, sc.parallel_access}
      %add3A_214 = arith.constant 2 : i32
      %add3A_215 = arith.addi %mul3A_192, %add3A_214 : i32
      %lt3A_216 = arith.cmpi slt, %add3A_215, %select_n3A : i32
      %convert_element_type3A_217 = arith.extui %lt3A_216 : i1 to i32
      %cond3A_218 = arith.constant 0 : i32
      %cond3A_219 = arith.cmpi ne, %convert_element_type3A_217, %cond3A_218 : i32
      scf.if %cond3A_219 {
        %add3A_248 = arith.constant 2 : i32
        %add3A_249 = arith.addi %mul3A_192, %add3A_248 : i32
        %mul3A_250 = arith.constant 50 : i32
        %mul3A_251 = arith.muli %add3A_249, %mul3A_250 : i32
        %add3A_252 = arith.addi %mul3A_9, %mul3A_251 : i32
        %dma_start3A_253 = arith.constant 0 : i32
        %dma_start3A_254 = arith.constant 0 : i32
        %dma_start3A_255 = arith.constant 0 : i32
        %dma_start3A_256 = tpu.memref_slice %arg2[%add3A_252, %dma_start3A_253, %dma_start3A_255] : memref<50000x2x128xi32, #tpu.memory_space<hbm>> -> memref<50x1x128xi32, #tpu.memory_space<hbm>>
        %dma_start3A_257 = tpu.memref_squeeze %dma_start3A_256 : memref<50x1x128xi32, #tpu.memory_space<hbm>> -> memref<50x128xi32, #tpu.memory_space<hbm>>
        %dma_start3A_258 = tpu.memref_slice %arg11[%dma_start3A_254] : memref<2x!tpu.dma_semaphore, #tpu.memory_space<semaphore_mem>> -> memref<1x!tpu.dma_semaphore, #tpu.memory_space<semaphore_mem>>
        %dma_start3A_259 = tpu.memref_squeeze %dma_start3A_258 : memref<1x!tpu.dma_semaphore, #tpu.memory_space<semaphore_mem>> -> memref<!tpu.dma_semaphore, #tpu.memory_space<semaphore_mem>>
        %dma_start3A_260 = arith.constant 0 : i32
        %dma_start3A_261 = tpu.memref_slice %arg2[%add3A_252, %dma_start3A_253, %dma_start3A_260] : memref<50000x2x128xi32, #tpu.memory_space<hbm>> -> memref<50x1x128xi32, #tpu.memory_space<hbm>>
        %dma_start3A_262 = tpu.memref_squeeze %dma_start3A_261 : memref<50x1x128xi32, #tpu.memory_space<hbm>> -> memref<50x128xi32, #tpu.memory_space<hbm>>
        tpu.enqueue_dma source(%dma_start3A_262 : memref<50x128xi32, #tpu.memory_space<hbm>>) target(%arg6 : memref<50x128xi32, #tpu.memory_space<vmem>>) target_semaphore(%dma_start3A_259 : memref<!tpu.dma_semaphore, #tpu.memory_space<semaphore_mem>>)
        %mul3A_263 = arith.constant 128 : i32
        %mul3A_264 = arith.muli %add3A_252, %mul3A_263 : i32
        %dma_start3A_265 = arith.constant 0 : i32
        %dma_start3A_266 = tpu.memref_slice %arg3[%mul3A_264] : memref<6400000xf32, #tpu.memory_space<hbm>> -> memref<6400xf32, #tpu.memory_space<hbm>>
        %dma_start3A_267 = tpu.memref_slice %arg11[%dma_start3A_265] : memref<2x!tpu.dma_semaphore, #tpu.memory_space<semaphore_mem>> -> memref<1x!tpu.dma_semaphore, #tpu.memory_space<semaphore_mem>>
        %dma_start3A_268 = tpu.memref_squeeze %dma_start3A_267 : memref<1x!tpu.dma_semaphore, #tpu.memory_space<semaphore_mem>> -> memref<!tpu.dma_semaphore, #tpu.memory_space<semaphore_mem>>
        %dma_start3A_269 = tpu.memref_slice %arg3[%mul3A_264] : memref<6400000xf32, #tpu.memory_space<hbm>> -> memref<6400xf32, #tpu.memory_space<hbm>>
        tpu.enqueue_dma source(%dma_start3A_269 : memref<6400xf32, #tpu.memory_space<hbm>>) target(%arg8 : memref<6400xf32, #tpu.memory_space<vmem>>) target_semaphore(%dma_start3A_268 : memref<!tpu.dma_semaphore, #tpu.memory_space<semaphore_mem>>)
      } else {
      }
      %dma_wait3A_220 = arith.constant 0 : i32
      %dma_wait3A_221 = arith.constant 1 : i32
      %dma_wait3A_222 = arith.constant 0 : i32
      %dma_wait3A_223 = arith.constant 0 : i32
      %dma_wait3A_224 = tpu.memref_slice %arg2[%dma_wait3A_222, %dma_wait3A_220, %dma_wait3A_223] : memref<50000x2x128xi32, #tpu.memory_space<hbm>> -> memref<50x1x128xi32, #tpu.memory_space<hbm>>
      %dma_wait3A_225 = tpu.memref_squeeze %dma_wait3A_224 : memref<50x1x128xi32, #tpu.memory_space<hbm>> -> memref<50x128xi32, #tpu.memory_space<hbm>>
      %dma_wait3A_226 = tpu.memref_slice %arg11[%dma_wait3A_221] : memref<2x!tpu.dma_semaphore, #tpu.memory_space<semaphore_mem>> -> memref<1x!tpu.dma_semaphore, #tpu.memory_space<semaphore_mem>>
      %dma_wait3A_227 = tpu.memref_squeeze %dma_wait3A_226 : memref<1x!tpu.dma_semaphore, #tpu.memory_space<semaphore_mem>> -> memref<!tpu.dma_semaphore, #tpu.memory_space<semaphore_mem>>
      %dma_wait3A_228 = arith.constant 0 : i32
      %dma_wait3A_229 = arith.constant 0 : i32
      %dma_wait3A_230 = tpu.memref_slice %arg2[%dma_wait3A_228, %dma_wait3A_220, %dma_wait3A_229] : memref<50000x2x128xi32, #tpu.memory_space<hbm>> -> memref<50x1x128xi32, #tpu.memory_space<hbm>>
      %dma_wait3A_231 = tpu.memref_squeeze %dma_wait3A_230 : memref<50x1x128xi32, #tpu.memory_space<hbm>> -> memref<50x128xi32, #tpu.memory_space<hbm>>
      tpu.wait_dma2 semaphore(%dma_wait3A_227 : memref<!tpu.dma_semaphore, #tpu.memory_space<semaphore_mem>>) src(%dma_wait3A_231 : memref<50x128xi32, #tpu.memory_space<hbm>>) dst(%arg7 : memref<50x128xi32, #tpu.memory_space<vmem>>)
      %dma_wait3A_232 = arith.constant 1 : i32
      %dma_wait3A_233 = arith.constant 0 : i32
      %dma_wait3A_234 = tpu.memref_slice %arg3[%dma_wait3A_233] : memref<6400000xf32, #tpu.memory_space<hbm>> -> memref<6400xf32, #tpu.memory_space<hbm>>
      %dma_wait3A_235 = tpu.memref_slice %arg11[%dma_wait3A_232] : memref<2x!tpu.dma_semaphore, #tpu.memory_space<semaphore_mem>> -> memref<1x!tpu.dma_semaphore, #tpu.memory_space<semaphore_mem>>
      %dma_wait3A_236 = tpu.memref_squeeze %dma_wait3A_235 : memref<1x!tpu.dma_semaphore, #tpu.memory_space<semaphore_mem>> -> memref<!tpu.dma_semaphore, #tpu.memory_space<semaphore_mem>>
      %dma_wait3A_237 = arith.constant 0 : i32
      %dma_wait3A_238 = tpu.memref_slice %arg3[%dma_wait3A_237] : memref<6400000xf32, #tpu.memory_space<hbm>> -> memref<6400xf32, #tpu.memory_space<hbm>>
      tpu.wait_dma2 semaphore(%dma_wait3A_236 : memref<!tpu.dma_semaphore, #tpu.memory_space<semaphore_mem>>) src(%dma_wait3A_238 : memref<6400xf32, #tpu.memory_space<hbm>>) dst(%arg9 : memref<6400xf32, #tpu.memory_space<vmem>>)
      %parallel_loop3A_239 = arith.constant 0 : i32
      %parallel_loop3A_240 = arith.constant 50 : i32
      %parallel_loop3A_241 = arith.constant 1 : i32
      scf.for %parallel_loop3A_248 = %parallel_loop3A_239 to %parallel_loop3A_240 step %parallel_loop3A_241  : i32 {
        %parallel_loop3A_249 = arith.index_cast %parallel_loop3A_248 : i32 to index
        %parallel_loop3A_250 = arith.constant 0 : index
        %parallel_loop3A_251 = tpu.vector_load %arg7[%parallel_loop3A_249, %parallel_loop3A_250] {strides = array<i32>} : memref<50x128xi32, #tpu.memory_space<vmem>>, vector<16xi32>,
        %parallel_loop3A_252 = arith.constant 128 : i32
        %parallel_loop3A_253 = arith.muli %parallel_loop3A_248, %parallel_loop3A_252 : i32
        %parallel_loop3A_254 = arith.constant 0 : i32
        %parallel_loop3A_255 = arith.addi %parallel_loop3A_253, %parallel_loop3A_254 : i32
        %parallel_loop3A_256 = arith.index_cast %parallel_loop3A_255 : i32 to index
        %parallel_loop3A_257 = tpu.vector_load %arg9[%parallel_loop3A_256] {strides = array<i32>} : memref<6400xf32, #tpu.memory_space<vmem>>, vector<16xf32>,
        tpu.vector_store_idx %arg10[%parallel_loop3A_251], %parallel_loop3A_257 {add = true} : memref<100352xf32, #tpu.memory_space<vmem>>[vector<16xi32>], vector<16xf32>,
        %parallel_loop3A_258 = arith.index_cast %parallel_loop3A_248 : i32 to index
        %parallel_loop3A_259 = arith.constant 16 : index
        %parallel_loop3A_260 = tpu.vector_load %arg7[%parallel_loop3A_258, %parallel_loop3A_259] {strides = array<i32>} : memref<50x128xi32, #tpu.memory_space<vmem>>, vector<16xi32>,
        %parallel_loop3A_261 = arith.constant 128 : i32
        %parallel_loop3A_262 = arith.muli %parallel_loop3A_248, %parallel_loop3A_261 : i32
        %parallel_loop3A_263 = arith.constant 16 : i32
        %parallel_loop3A_264 = arith.addi %parallel_loop3A_262, %parallel_loop3A_263 : i32
        %parallel_loop3A_265 = arith.index_cast %parallel_loop3A_264 : i32 to index
        %parallel_loop3A_266 = tpu.vector_load %arg9[%parallel_loop3A_265] {strides = array<i32>} : memref<6400xf32, #tpu.memory_space<vmem>>, vector<16xf32>,
        tpu.vector_store_idx %arg10[%parallel_loop3A_260], %parallel_loop3A_266 {add = true} : memref<100352xf32, #tpu.memory_space<vmem>>[vector<16xi32>], vector<16xf32>,
        %parallel_loop3A_267 = arith.index_cast %parallel_loop3A_248 : i32 to index
        %parallel_loop3A_268 = arith.constant 32 : index
        %parallel_loop3A_269 = tpu.vector_load %arg7[%parallel_loop3A_267, %parallel_loop3A_268] {strides = array<i32>} : memref<50x128xi32, #tpu.memory_space<vmem>>, vector<16xi32>,
        %parallel_loop3A_270 = arith.constant 128 : i32
        %parallel_loop3A_271 = arith.muli %parallel_loop3A_248, %parallel_loop3A_270 : i32
        %parallel_loop3A_272 = arith.constant 32 : i32
        %parallel_loop3A_273 = arith.addi %parallel_loop3A_271, %parallel_loop3A_272 : i32
        %parallel_loop3A_274 = arith.index_cast %parallel_loop3A_273 : i32 to index
        %parallel_loop3A_275 = tpu.vector_load %arg9[%parallel_loop3A_274] {strides = array<i32>} : memref<6400xf32, #tpu.memory_space<vmem>>, vector<16xf32>,
        tpu.vector_store_idx %arg10[%parallel_loop3A_269], %parallel_loop3A_275 {add = true} : memref<100352xf32, #tpu.memory_space<vmem>>[vector<16xi32>], vector<16xf32>,
        %parallel_loop3A_276 = arith.index_cast %parallel_loop3A_248 : i32 to index
        %parallel_loop3A_277 = arith.constant 48 : index
        %parallel_loop3A_278 = tpu.vector_load %arg7[%parallel_loop3A_276, %parallel_loop3A_277] {strides = array<i32>} : memref<50x128xi32, #tpu.memory_space<vmem>>, vector<16xi32>,
        %parallel_loop3A_279 = arith.constant 128 : i32
        %parallel_loop3A_280 = arith.muli %parallel_loop3A_248, %parallel_loop3A_279 : i32
        %parallel_loop3A_281 = arith.constant 48 : i32
        %parallel_loop3A_282 = arith.addi %parallel_loop3A_280, %parallel_loop3A_281 : i32
        %parallel_loop3A_283 = arith.index_cast %parallel_loop3A_282 : i32 to index
        %parallel_loop3A_284 = tpu.vector_load %arg9[%parallel_loop3A_283] {strides = array<i32>} : memref<6400xf32, #tpu.memory_space<vmem>>, vector<16xf32>,
        tpu.vector_store_idx %arg10[%parallel_loop3A_278], %parallel_loop3A_284 {add = true} : memref<100352xf32, #tpu.memory_space<vmem>>[vector<16xi32>], vector<16xf32>,
        %parallel_loop3A_285 = arith.index_cast %parallel_loop3A_248 : i32 to index
        %parallel_loop3A_286 = arith.constant 64 : index
        %parallel_loop3A_287 = tpu.vector_load %arg7[%parallel_loop3A_285, %parallel_loop3A_286] {strides = array<i32>} : memref<50x128xi32, #tpu.memory_space<vmem>>, vector<16xi32>,
        %parallel_loop3A_288 = arith.constant 128 : i32
        %parallel_loop3A_289 = arith.muli %parallel_loop3A_248, %parallel_loop3A_288 : i32
        %parallel_loop3A_290 = arith.constant 64 : i32
        %parallel_loop3A_291 = arith.addi %parallel_loop3A_289, %parallel_loop3A_290 : i32
        %parallel_loop3A_292 = arith.index_cast %parallel_loop3A_291 : i32 to index
        %parallel_loop3A_293 = tpu.vector_load %arg9[%parallel_loop3A_292] {strides = array<i32>} : memref<6400xf32, #tpu.memory_space<vmem>>, vector<16xf32>,
        tpu.vector_store_idx %arg10[%parallel_loop3A_287], %parallel_loop3A_293 {add = true} : memref<100352xf32, #tpu.memory_space<vmem>>[vector<16xi32>], vector<16xf32>,
        %parallel_loop3A_294 = arith.index_cast %parallel_loop3A_248 : i32 to index
        %parallel_loop3A_295 = arith.constant 80 : index
        %parallel_loop3A_296 = tpu.vector_load %arg7[%parallel_loop3A_294, %parallel_loop3A_295] {strides = array<i32>} : memref<50x128xi32, #tpu.memory_space<vmem>>, vector<16xi32>,
        %parallel_loop3A_297 = arith.constant 128 : i32
        %parallel_loop3A_298 = arith.muli %parallel_loop3A_248, %parallel_loop3A_297 : i32
        %parallel_loop3A_299 = arith.constant 80 : i32
        %parallel_loop3A_300 = arith.addi %parallel_loop3A_298, %parallel_loop3A_299 : i32
        %parallel_loop3A_301 = arith.index_cast %parallel_loop3A_300 : i32 to index
        %parallel_loop3A_302 = tpu.vector_load %arg9[%parallel_loop3A_301] {strides = array<i32>} : memref<6400xf32, #tpu.memory_space<vmem>>, vector<16xf32>,
        tpu.vector_store_idx %arg10[%parallel_loop3A_296], %parallel_loop3A_302 {add = true} : memref<100352xf32, #tpu.memory_space<vmem>>[vector<16xi32>], vector<16xf32>,
        %parallel_loop3A_303 = arith.index_cast %parallel_loop3A_248 : i32 to index
        %parallel_loop3A_304 = arith.constant 96 : index
        %parallel_loop3A_305 = tpu.vector_load %arg7[%parallel_loop3A_303, %parallel_loop3A_304] {strides = array<i32>} : memref<50x128xi32, #tpu.memory_space<vmem>>, vector<16xi32>,
        %parallel_loop3A_306 = arith.constant 128 : i32
        %parallel_loop3A_307 = arith.muli %parallel_loop3A_248, %parallel_loop3A_306 : i32
        %parallel_loop3A_308 = arith.constant 96 : i32
        %parallel_loop3A_309 = arith.addi %parallel_loop3A_307, %parallel_loop3A_308 : i32
        %parallel_loop3A_310 = arith.index_cast %parallel_loop3A_309 : i32 to index
        %parallel_loop3A_311 = tpu.vector_load %arg9[%parallel_loop3A_310] {strides = array<i32>} : memref<6400xf32, #tpu.memory_space<vmem>>, vector<16xf32>,
        tpu.vector_store_idx %arg10[%parallel_loop3A_305], %parallel_loop3A_311 {add = true} : memref<100352xf32, #tpu.memory_space<vmem>>[vector<16xi32>], vector<16xf32>,
        %parallel_loop3A_312 = arith.index_cast %parallel_loop3A_248 : i32 to index
        %parallel_loop3A_313 = arith.constant 112 : index
        %parallel_loop3A_314 = tpu.vector_load %arg7[%parallel_loop3A_312, %parallel_loop3A_313] {strides = array<i32>} : memref<50x128xi32, #tpu.memory_space<vmem>>, vector<16xi32>,
        %parallel_loop3A_315 = arith.constant 128 : i32
        %parallel_loop3A_316 = arith.muli %parallel_loop3A_248, %parallel_loop3A_315 : i32
        %parallel_loop3A_317 = arith.constant 112 : i32
        %parallel_loop3A_318 = arith.addi %parallel_loop3A_316, %parallel_loop3A_317 : i32
        %parallel_loop3A_319 = arith.index_cast %parallel_loop3A_318 : i32 to index
        %parallel_loop3A_320 = tpu.vector_load %arg9[%parallel_loop3A_319] {strides = array<i32>} : memref<6400xf32, #tpu.memory_space<vmem>>, vector<16xf32>,
        tpu.vector_store_idx %arg10[%parallel_loop3A_314], %parallel_loop3A_320 {add = true} : memref<100352xf32, #tpu.memory_space<vmem>>[vector<16xi32>], vector<16xf32>,
      } {sc.loop_unroll_factor = 2 : i64, sc.parallel_access}
      %add3A_242 = arith.constant 3 : i32
      %add3A_243 = arith.addi %mul3A_192, %add3A_242 : i32
      %lt3A_244 = arith.cmpi slt, %add3A_243, %select_n3A : i32
      %convert_element_type3A_245 = arith.extui %lt3A_244 : i1 to i32
      %cond3A_246 = arith.constant 0 : i32
      %cond3A_247 = arith.cmpi ne, %convert_element_type3A_245, %cond3A_246 : i32
      scf.if %cond3A_247 {
        %add3A_248 = arith.constant 3 : i32
        %add3A_249 = arith.addi %mul3A_192, %add3A_248 : i32
        %mul3A_250 = arith.constant 50 : i32
        %mul3A_251 = arith.muli %add3A_249, %mul3A_250 : i32
        %add3A_252 = arith.addi %mul3A_9, %mul3A_251 : i32
        %dma_start3A_253 = arith.constant 0 : i32
        %dma_start3A_254 = arith.constant 1 : i32
        %dma_start3A_255 = arith.constant 0 : i32
        %dma_start3A_256 = tpu.memref_slice %arg2[%add3A_252, %dma_start3A_253, %dma_start3A_255] : memref<50000x2x128xi32, #tpu.memory_space<hbm>> -> memref<50x1x128xi32, #tpu.memory_space<hbm>>
        %dma_start3A_257 = tpu.memref_squeeze %dma_start3A_256 : memref<50x1x128xi32, #tpu.memory_space<hbm>> -> memref<50x128xi32, #tpu.memory_space<hbm>>
        %dma_start3A_258 = tpu.memref_slice %arg11[%dma_start3A_254] : memref<2x!tpu.dma_semaphore, #tpu.memory_space<semaphore_mem>> -> memref<1x!tpu.dma_semaphore, #tpu.memory_space<semaphore_mem>>
        %dma_start3A_259 = tpu.memref_squeeze %dma_start3A_258 : memref<1x!tpu.dma_semaphore, #tpu.memory_space<semaphore_mem>> -> memref<!tpu.dma_semaphore, #tpu.memory_space<semaphore_mem>>
        %dma_start3A_260 = arith.constant 0 : i32
        %dma_start3A_261 = tpu.memref_slice %arg2[%add3A_252, %dma_start3A_253, %dma_start3A_260] : memref<50000x2x128xi32, #tpu.memory_space<hbm>> -> memref<50x1x128xi32, #tpu.memory_space<hbm>>
        %dma_start3A_262 = tpu.memref_squeeze %dma_start3A_261 : memref<50x1x128xi32, #tpu.memory_space<hbm>> -> memref<50x128xi32, #tpu.memory_space<hbm>>
        tpu.enqueue_dma source(%dma_start3A_262 : memref<50x128xi32, #tpu.memory_space<hbm>>) target(%arg7 : memref<50x128xi32, #tpu.memory_space<vmem>>) target_semaphore(%dma_start3A_259 : memref<!tpu.dma_semaphore, #tpu.memory_space<semaphore_mem>>)
        %mul3A_263 = arith.constant 128 : i32
        %mul3A_264 = arith.muli %add3A_252, %mul3A_263 : i32
        %dma_start3A_265 = arith.constant 1 : i32
        %dma_start3A_266 = tpu.memref_slice %arg3[%mul3A_264] : memref<6400000xf32, #tpu.memory_space<hbm>> -> memref<6400xf32, #tpu.memory_space<hbm>>
        %dma_start3A_267 = tpu.memref_slice %arg11[%dma_start3A_265] : memref<2x!tpu.dma_semaphore, #tpu.memory_space<semaphore_mem>> -> memref<1x!tpu.dma_semaphore, #tpu.memory_space<semaphore_mem>>
        %dma_start3A_268 = tpu.memref_squeeze %dma_start3A_267 : memref<1x!tpu.dma_semaphore, #tpu.memory_space<semaphore_mem>> -> memref<!tpu.dma_semaphore, #tpu.memory_space<semaphore_mem>>
        %dma_start3A_269 = tpu.memref_slice %arg3[%mul3A_264] : memref<6400000xf32, #tpu.memory_space<hbm>> -> memref<6400xf32, #tpu.memory_space<hbm>>
        tpu.enqueue_dma source(%dma_start3A_269 : memref<6400xf32, #tpu.memory_space<hbm>>) target(%arg9 : memref<6400xf32, #tpu.memory_space<vmem>>) target_semaphore(%dma_start3A_268 : memref<!tpu.dma_semaphore, #tpu.memory_space<semaphore_mem>>)
      } else {
      }
    }
    %jit3A_76 = arith.constant 2 : i32
    %eq3A = arith.constant 0 : i32
    %eq3A_77 = arith.cmpi eq, %jit3A_76, %eq3A : i32
    %jit3A_78 = arith.constant 1 : i32
    %select_n3A_79 = arith.select %eq3A_77, %jit3A_78, %jit3A_76 : i32
    %rem3A_80 = arith.remsi %select_n3A, %select_n3A_79 : i32
    %ne3A_81 = arith.constant 0 : i32
    %ne3A_82 = arith.cmpi ne, %rem3A_80, %ne3A_81 : i32
    %lt3A_83 = arith.constant 0 : i32
    %lt3A_84 = arith.cmpi slt, %rem3A_80, %lt3A_83 : i32
    %lt3A_85 = arith.constant 0 : i32
    %lt3A_86 = arith.cmpi slt, %select_n3A_79, %lt3A_85 : i32
    %ne3A_87 = arith.xori %lt3A_84, %lt3A_86 : i1
    %and3A_88 = arith.andi %ne3A_87, %ne3A_82 : i1
    %add3A_89 = arith.addi %rem3A_80, %select_n3A_79 : i32
    %select_n3A_90 = arith.select %and3A_88, %add3A_89, %rem3A_80 : i32
    %eq3A_91 = arith.constant 1 : i32
    %eq3A_92 = arith.cmpi eq, %select_n3A_90, %eq3A_91 : i32
    %convert_element_type3A = arith.extui %eq3A_92 : i1 to i32
    %cond3A = arith.constant 0 : i32
    %cond3A_93 = arith.cmpi ne, %convert_element_type3A, %cond3A : i32
    scf.if %cond3A_93 {
      %dma_wait3A = arith.constant 0 : i32
      %dma_wait3A_190 = arith.constant 0 : i32
      %dma_wait3A_191 = arith.constant 0 : i32
      %dma_wait3A_192 = arith.constant 0 : i32
      %dma_wait3A_193 = tpu.memref_slice %arg2[%dma_wait3A_191, %dma_wait3A, %dma_wait3A_192] : memref<50000x2x128xi32, #tpu.memory_space<hbm>> -> memref<50x1x128xi32, #tpu.memory_space<hbm>>
      %dma_wait3A_194 = tpu.memref_squeeze %dma_wait3A_193 : memref<50x1x128xi32, #tpu.memory_space<hbm>> -> memref<50x128xi32, #tpu.memory_space<hbm>>
      %dma_wait3A_195 = tpu.memref_slice %arg11[%dma_wait3A_190] : memref<2x!tpu.dma_semaphore, #tpu.memory_space<semaphore_mem>> -> memref<1x!tpu.dma_semaphore, #tpu.memory_space<semaphore_mem>>
      %dma_wait3A_196 = tpu.memref_squeeze %dma_wait3A_195 : memref<1x!tpu.dma_semaphore, #tpu.memory_space<semaphore_mem>> -> memref<!tpu.dma_semaphore, #tpu.memory_space<semaphore_mem>>
      %dma_wait3A_197 = arith.constant 0 : i32
      %dma_wait3A_198 = arith.constant 0 : i32
      %dma_wait3A_199 = tpu.memref_slice %arg2[%dma_wait3A_197, %dma_wait3A, %dma_wait3A_198] : memref<50000x2x128xi32, #tpu.memory_space<hbm>> -> memref<50x1x128xi32, #tpu.memory_space<hbm>>
      %dma_wait3A_200 = tpu.memref_squeeze %dma_wait3A_199 : memref<50x1x128xi32, #tpu.memory_space<hbm>> -> memref<50x128xi32, #tpu.memory_space<hbm>>
      tpu.wait_dma2 semaphore(%dma_wait3A_196 : memref<!tpu.dma_semaphore, #tpu.memory_space<semaphore_mem>>) src(%dma_wait3A_200 : memref<50x128xi32, #tpu.memory_space<hbm>>) dst(%arg6 : memref<50x128xi32, #tpu.memory_space<vmem>>)
      %dma_wait3A_201 = arith.constant 0 : i32
      %dma_wait3A_202 = arith.constant 0 : i32
      %dma_wait3A_203 = tpu.memref_slice %arg3[%dma_wait3A_202] : memref<6400000xf32, #tpu.memory_space<hbm>> -> memref<6400xf32, #tpu.memory_space<hbm>>
      %dma_wait3A_204 = tpu.memref_slice %arg11[%dma_wait3A_201] : memref<2x!tpu.dma_semaphore, #tpu.memory_space<semaphore_mem>> -> memref<1x!tpu.dma_semaphore, #tpu.memory_space<semaphore_mem>>
      %dma_wait3A_205 = tpu.memref_squeeze %dma_wait3A_204 : memref<1x!tpu.dma_semaphore, #tpu.memory_space<semaphore_mem>> -> memref<!tpu.dma_semaphore, #tpu.memory_space<semaphore_mem>>
      %dma_wait3A_206 = arith.constant 0 : i32
      %dma_wait3A_207 = tpu.memref_slice %arg3[%dma_wait3A_206] : memref<6400000xf32, #tpu.memory_space<hbm>> -> memref<6400xf32, #tpu.memory_space<hbm>>
      tpu.wait_dma2 semaphore(%dma_wait3A_205 : memref<!tpu.dma_semaphore, #tpu.memory_space<semaphore_mem>>) src(%dma_wait3A_207 : memref<6400xf32, #tpu.memory_space<hbm>>) dst(%arg8 : memref<6400xf32, #tpu.memory_space<vmem>>)
      %parallel_loop3A_208 = arith.constant 0 : i32
      %parallel_loop3A_209 = arith.constant 50 : i32
      %parallel_loop3A_210 = arith.constant 1 : i32
      scf.for %parallel_loop3A_211 = %parallel_loop3A_208 to %parallel_loop3A_209 step %parallel_loop3A_210  : i32 {
        %parallel_loop3A_212 = arith.index_cast %parallel_loop3A_211 : i32 to index
        %parallel_loop3A_213 = arith.constant 0 : index
        %parallel_loop3A_214 = tpu.vector_load %arg6[%parallel_loop3A_212, %parallel_loop3A_213] {strides = array<i32>} : memref<50x128xi32, #tpu.memory_space<vmem>>, vector<16xi32>,
        %parallel_loop3A_215 = arith.constant 128 : i32
        %parallel_loop3A_216 = arith.muli %parallel_loop3A_211, %parallel_loop3A_215 : i32
        %parallel_loop3A_217 = arith.constant 0 : i32
        %parallel_loop3A_218 = arith.addi %parallel_loop3A_216, %parallel_loop3A_217 : i32
        %parallel_loop3A_219 = arith.index_cast %parallel_loop3A_218 : i32 to index
        %parallel_loop3A_220 = tpu.vector_load %arg8[%parallel_loop3A_219] {strides = array<i32>} : memref<6400xf32, #tpu.memory_space<vmem>>, vector<16xf32>,
        tpu.vector_store_idx %arg10[%parallel_loop3A_214], %parallel_loop3A_220 {add = true} : memref<100352xf32, #tpu.memory_space<vmem>>[vector<16xi32>], vector<16xf32>,
        %parallel_loop3A_221 = arith.index_cast %parallel_loop3A_211 : i32 to index
        %parallel_loop3A_222 = arith.constant 16 : index
        %parallel_loop3A_223 = tpu.vector_load %arg6[%parallel_loop3A_221, %parallel_loop3A_222] {strides = array<i32>} : memref<50x128xi32, #tpu.memory_space<vmem>>, vector<16xi32>,
        %parallel_loop3A_224 = arith.constant 128 : i32
        %parallel_loop3A_225 = arith.muli %parallel_loop3A_211, %parallel_loop3A_224 : i32
        %parallel_loop3A_226 = arith.constant 16 : i32
        %parallel_loop3A_227 = arith.addi %parallel_loop3A_225, %parallel_loop3A_226 : i32
        %parallel_loop3A_228 = arith.index_cast %parallel_loop3A_227 : i32 to index
        %parallel_loop3A_229 = tpu.vector_load %arg8[%parallel_loop3A_228] {strides = array<i32>} : memref<6400xf32, #tpu.memory_space<vmem>>, vector<16xf32>,
        tpu.vector_store_idx %arg10[%parallel_loop3A_223], %parallel_loop3A_229 {add = true} : memref<100352xf32, #tpu.memory_space<vmem>>[vector<16xi32>], vector<16xf32>,
        %parallel_loop3A_230 = arith.index_cast %parallel_loop3A_211 : i32 to index
        %parallel_loop3A_231 = arith.constant 32 : index
        %parallel_loop3A_232 = tpu.vector_load %arg6[%parallel_loop3A_230, %parallel_loop3A_231] {strides = array<i32>} : memref<50x128xi32, #tpu.memory_space<vmem>>, vector<16xi32>,
        %parallel_loop3A_233 = arith.constant 128 : i32
        %parallel_loop3A_234 = arith.muli %parallel_loop3A_211, %parallel_loop3A_233 : i32
        %parallel_loop3A_235 = arith.constant 32 : i32
        %parallel_loop3A_236 = arith.addi %parallel_loop3A_234, %parallel_loop3A_235 : i32
        %parallel_loop3A_237 = arith.index_cast %parallel_loop3A_236 : i32 to index
        %parallel_loop3A_238 = tpu.vector_load %arg8[%parallel_loop3A_237] {strides = array<i32>} : memref<6400xf32, #tpu.memory_space<vmem>>, vector<16xf32>,
        tpu.vector_store_idx %arg10[%parallel_loop3A_232], %parallel_loop3A_238 {add = true} : memref<100352xf32, #tpu.memory_space<vmem>>[vector<16xi32>], vector<16xf32>,
        %parallel_loop3A_239 = arith.index_cast %parallel_loop3A_211 : i32 to index
        %parallel_loop3A_240 = arith.constant 48 : index
        %parallel_loop3A_241 = tpu.vector_load %arg6[%parallel_loop3A_239, %parallel_loop3A_240] {strides = array<i32>} : memref<50x128xi32, #tpu.memory_space<vmem>>, vector<16xi32>,
        %parallel_loop3A_242 = arith.constant 128 : i32
        %parallel_loop3A_243 = arith.muli %parallel_loop3A_211, %parallel_loop3A_242 : i32
        %parallel_loop3A_244 = arith.constant 48 : i32
        %parallel_loop3A_245 = arith.addi %parallel_loop3A_243, %parallel_loop3A_244 : i32
        %parallel_loop3A_246 = arith.index_cast %parallel_loop3A_245 : i32 to index
        %parallel_loop3A_247 = tpu.vector_load %arg8[%parallel_loop3A_246] {strides = array<i32>} : memref<6400xf32, #tpu.memory_space<vmem>>, vector<16xf32>,
        tpu.vector_store_idx %arg10[%parallel_loop3A_241], %parallel_loop3A_247 {add = true} : memref<100352xf32, #tpu.memory_space<vmem>>[vector<16xi32>], vector<16xf32>,
        %parallel_loop3A_248 = arith.index_cast %parallel_loop3A_211 : i32 to index
        %parallel_loop3A_249 = arith.constant 64 : index
        %parallel_loop3A_250 = tpu.vector_load %arg6[%parallel_loop3A_248, %parallel_loop3A_249] {strides = array<i32>} : memref<50x128xi32, #tpu.memory_space<vmem>>, vector<16xi32>,
        %parallel_loop3A_251 = arith.constant 128 : i32
        %parallel_loop3A_252 = arith.muli %parallel_loop3A_211, %parallel_loop3A_251 : i32
        %parallel_loop3A_253 = arith.constant 64 : i32
        %parallel_loop3A_254 = arith.addi %parallel_loop3A_252, %parallel_loop3A_253 : i32
        %parallel_loop3A_255 = arith.index_cast %parallel_loop3A_254 : i32 to index
        %parallel_loop3A_256 = tpu.vector_load %arg8[%parallel_loop3A_255] {strides = array<i32>} : memref<6400xf32, #tpu.memory_space<vmem>>, vector<16xf32>,
        tpu.vector_store_idx %arg10[%parallel_loop3A_250], %parallel_loop3A_256 {add = true} : memref<100352xf32, #tpu.memory_space<vmem>>[vector<16xi32>], vector<16xf32>,
        %parallel_loop3A_257 = arith.index_cast %parallel_loop3A_211 : i32 to index
        %parallel_loop3A_258 = arith.constant 80 : index
        %parallel_loop3A_259 = tpu.vector_load %arg6[%parallel_loop3A_257, %parallel_loop3A_258] {strides = array<i32>} : memref<50x128xi32, #tpu.memory_space<vmem>>, vector<16xi32>,
        %parallel_loop3A_260 = arith.constant 128 : i32
        %parallel_loop3A_261 = arith.muli %parallel_loop3A_211, %parallel_loop3A_260 : i32
        %parallel_loop3A_262 = arith.constant 80 : i32
        %parallel_loop3A_263 = arith.addi %parallel_loop3A_261, %parallel_loop3A_262 : i32
        %parallel_loop3A_264 = arith.index_cast %parallel_loop3A_263 : i32 to index
        %parallel_loop3A_265 = tpu.vector_load %arg8[%parallel_loop3A_264] {strides = array<i32>} : memref<6400xf32, #tpu.memory_space<vmem>>, vector<16xf32>,
        tpu.vector_store_idx %arg10[%parallel_loop3A_259], %parallel_loop3A_265 {add = true} : memref<100352xf32, #tpu.memory_space<vmem>>[vector<16xi32>], vector<16xf32>,
        %parallel_loop3A_266 = arith.index_cast %parallel_loop3A_211 : i32 to index
        %parallel_loop3A_267 = arith.constant 96 : index
        %parallel_loop3A_268 = tpu.vector_load %arg6[%parallel_loop3A_266, %parallel_loop3A_267] {strides = array<i32>} : memref<50x128xi32, #tpu.memory_space<vmem>>, vector<16xi32>,
        %parallel_loop3A_269 = arith.constant 128 : i32
        %parallel_loop3A_270 = arith.muli %parallel_loop3A_211, %parallel_loop3A_269 : i32
        %parallel_loop3A_271 = arith.constant 96 : i32
        %parallel_loop3A_272 = arith.addi %parallel_loop3A_270, %parallel_loop3A_271 : i32
        %parallel_loop3A_273 = arith.index_cast %parallel_loop3A_272 : i32 to index
        %parallel_loop3A_274 = tpu.vector_load %arg8[%parallel_loop3A_273] {strides = array<i32>} : memref<6400xf32, #tpu.memory_space<vmem>>, vector<16xf32>,
        tpu.vector_store_idx %arg10[%parallel_loop3A_268], %parallel_loop3A_274 {add = true} : memref<100352xf32, #tpu.memory_space<vmem>>[vector<16xi32>], vector<16xf32>,
        %parallel_loop3A_275 = arith.index_cast %parallel_loop3A_211 : i32 to index
        %parallel_loop3A_276 = arith.constant 112 : index
        %parallel_loop3A_277 = tpu.vector_load %arg6[%parallel_loop3A_275, %parallel_loop3A_276] {strides = array<i32>} : memref<50x128xi32, #tpu.memory_space<vmem>>, vector<16xi32>,
        %parallel_loop3A_278 = arith.constant 128 : i32
        %parallel_loop3A_279 = arith.muli %parallel_loop3A_211, %parallel_loop3A_278 : i32
        %parallel_loop3A_280 = arith.constant 112 : i32
        %parallel_loop3A_281 = arith.addi %parallel_loop3A_279, %parallel_loop3A_280 : i32
        %parallel_loop3A_282 = arith.index_cast %parallel_loop3A_281 : i32 to index
        %parallel_loop3A_283 = tpu.vector_load %arg8[%parallel_loop3A_282] {strides = array<i32>} : memref<6400xf32, #tpu.memory_space<vmem>>, vector<16xf32>,
        tpu.vector_store_idx %arg10[%parallel_loop3A_277], %parallel_loop3A_283 {add = true} : memref<100352xf32, #tpu.memory_space<vmem>>[vector<16xi32>], vector<16xf32>,
      } {sc.loop_unroll_factor = 2 : i64, sc.parallel_access}
    } else {
    }
    "tpu.region"() ({
      %run_scoped3A = tpu.sem_alloc : memref<!tpu.dma_semaphore, #tpu.memory_space<semaphore_mem>>
      %dma_start3A_190 = arith.constant 0 : i32
      %dma_start3A_191 = tpu.memref_slice %arg4[%add3A, %dma_start3A_190] : memref<32x100352xf32, #tpu.memory_space<hbm>> -> memref<1x100352xf32, #tpu.memory_space<hbm>>
      %dma_start3A_192 = tpu.memref_squeeze %dma_start3A_191 : memref<1x100352xf32, #tpu.memory_space<hbm>> -> memref<100352xf32, #tpu.memory_space<hbm>>
      %dma_start3A_193 = arith.constant 0 : i32
      %dma_start3A_194 = tpu.memref_slice %arg4[%add3A, %dma_start3A_193] : memref<32x100352xf32, #tpu.memory_space<hbm>> -> memref<1x100352xf32, #tpu.memory_space<hbm>>
      %dma_start3A_195 = tpu.memref_squeeze %dma_start3A_194 : memref<1x100352xf32, #tpu.memory_space<hbm>> -> memref<100352xf32, #tpu.memory_space<hbm>>
      tpu.enqueue_dma source(%arg10 : memref<100352xf32, #tpu.memory_space<vmem>>) target(%dma_start3A_195 : memref<100352xf32, #tpu.memory_space<hbm>>) target_semaphore(%run_scoped3A : memref<!tpu.dma_semaphore, #tpu.memory_space<semaphore_mem>>)
      %dma_wait3A = arith.constant 0 : i32
      %dma_wait3A_196 = tpu.memref_slice %arg4[%add3A, %dma_wait3A] : memref<32x100352xf32, #tpu.memory_space<hbm>> -> memref<1x100352xf32, #tpu.memory_space<hbm>>
      %dma_wait3A_197 = tpu.memref_squeeze %dma_wait3A_196 : memref<1x100352xf32, #tpu.memory_space<hbm>> -> memref<100352xf32, #tpu.memory_space<hbm>>
      %dma_wait3A_198 = arith.constant 0 : i32
      %dma_wait3A_199 = tpu.memref_slice %arg4[%add3A, %dma_wait3A_198] : memref<32x100352xf32, #tpu.memory_space<hbm>> -> memref<1x100352xf32, #tpu.memory_space<hbm>>
      %dma_wait3A_200 = tpu.memref_squeeze %dma_wait3A_199 : memref<1x100352xf32, #tpu.memory_space<hbm>> -> memref<100352xf32, #tpu.memory_space<hbm>>
      tpu.wait_dma2 semaphore(%run_scoped3A : memref<!tpu.dma_semaphore, #tpu.memory_space<semaphore_mem>>) src(%arg10 : memref<100352xf32, #tpu.memory_space<vmem>>) dst(%dma_wait3A_200 : memref<100352xf32, #tpu.memory_space<hbm>>)
      tpu.yield
    }) : () -> ()
    %parallel_loop3A_94 = arith.constant 0 : i32
    %parallel_loop3A_95 = arith.constant 6272 : i32
    %parallel_loop3A_96 = arith.constant 1 : i32
    scf.for %parallel_loop3A_190 = %parallel_loop3A_94 to %parallel_loop3A_95 step %parallel_loop3A_96  : i32 {
      %parallel_loop3A_191 = arith.constant 16 : i32
      %parallel_loop3A_192 = arith.muli %parallel_loop3A_190, %parallel_loop3A_191 : i32
      %parallel_loop3A_193 = arith.index_cast %parallel_loop3A_192 : i32 to index
      %parallel_loop3A_194 = tpu.vector_load %arg10[%parallel_loop3A_193] {strides = array<i32>} : memref<100352xf32, #tpu.memory_space<vmem>>, vector<16xf32>,
      tpu.vector_store %arg10[%parallel_loop3A_193], %broadcast_in_dim3A_1 {strides = array<i32>} : memref<100352xf32, #tpu.memory_space<vmem>>, vector<16xf32>,
    } {sc.loop_unroll_factor = 8 : i64, sc.parallel_access}
    %add3A_97 = arith.constant 0 : i32
    %add3A_98 = arith.addi %mul3A_9, %add3A_97 : i32
    %dma_start3A_99 = arith.constant 1 : i32
    %dma_start3A_100 = arith.constant 0 : i32
    %dma_start3A_101 = arith.constant 0 : i32
    %dma_start3A_102 = tpu.memref_slice %arg2[%add3A_98, %dma_start3A_99, %dma_start3A_101] : memref<50000x2x128xi32, #tpu.memory_space<hbm>> -> memref<50x1x128xi32, #tpu.memory_space<hbm>>
    %dma_start3A_103 = tpu.memref_squeeze %dma_start3A_102 : memref<50x1x128xi32, #tpu.memory_space<hbm>> -> memref<50x128xi32, #tpu.memory_space<hbm>>
    %dma_start3A_104 = tpu.memref_slice %arg11[%dma_start3A_100] : memref<2x!tpu.dma_semaphore, #tpu.memory_space<semaphore_mem>> -> memref<1x!tpu.dma_semaphore, #tpu.memory_space<semaphore_mem>>
    %dma_start3A_105 = tpu.memref_squeeze %dma_start3A_104 : memref<1x!tpu.dma_semaphore, #tpu.memory_space<semaphore_mem>> -> memref<!tpu.dma_semaphore, #tpu.memory_space<semaphore_mem>>
    %dma_start3A_106 = arith.constant 0 : i32
    %dma_start3A_107 = tpu.memref_slice %arg2[%add3A_98, %dma_start3A_99, %dma_start3A_106] : memref<50000x2x128xi32, #tpu.memory_space<hbm>> -> memref<50x1x128xi32, #tpu.memory_space<hbm>>
    %dma_start3A_108 = tpu.memref_squeeze %dma_start3A_107 : memref<50x1x128xi32, #tpu.memory_space<hbm>> -> memref<50x128xi32, #tpu.memory_space<hbm>>
    tpu.enqueue_dma source(%dma_start3A_108 : memref<50x128xi32, #tpu.memory_space<hbm>>) target(%arg6 : memref<50x128xi32, #tpu.memory_space<vmem>>) target_semaphore(%dma_start3A_105 : memref<!tpu.dma_semaphore, #tpu.memory_space<semaphore_mem>>)
    %mul3A_109 = arith.constant 128 : i32
    %mul3A_110 = arith.muli %add3A_98, %mul3A_109 : i32
    %dma_start3A_111 = arith.constant 0 : i32
    %dma_start3A_112 = tpu.memref_slice %arg3[%mul3A_110] : memref<6400000xf32, #tpu.memory_space<hbm>> -> memref<6400xf32, #tpu.memory_space<hbm>>
    %dma_start3A_113 = tpu.memref_slice %arg11[%dma_start3A_111] : memref<2x!tpu.dma_semaphore, #tpu.memory_space<semaphore_mem>> -> memref<1x!tpu.dma_semaphore, #tpu.memory_space<semaphore_mem>>
    %dma_start3A_114 = tpu.memref_squeeze %dma_start3A_113 : memref<1x!tpu.dma_semaphore, #tpu.memory_space<semaphore_mem>> -> memref<!tpu.dma_semaphore, #tpu.memory_space<semaphore_mem>>
    %dma_start3A_115 = tpu.memref_slice %arg3[%mul3A_110] : memref<6400000xf32, #tpu.memory_space<hbm>> -> memref<6400xf32, #tpu.memory_space<hbm>>
    tpu.enqueue_dma source(%dma_start3A_115 : memref<6400xf32, #tpu.memory_space<hbm>>) target(%arg8 : memref<6400xf32, #tpu.memory_space<vmem>>) target_semaphore(%dma_start3A_114 : memref<!tpu.dma_semaphore, #tpu.memory_space<semaphore_mem>>)
    %add3A_116 = arith.constant 50 : i32
    %add3A_117 = arith.addi %mul3A_9, %add3A_116 : i32
    %dma_start3A_118 = arith.constant 1 : i32
    %dma_start3A_119 = arith.constant 1 : i32
    %dma_start3A_120 = arith.constant 0 : i32
    %dma_start3A_121 = tpu.memref_slice %arg2[%add3A_117, %dma_start3A_118, %dma_start3A_120] : memref<50000x2x128xi32, #tpu.memory_space<hbm>> -> memref<50x1x128xi32, #tpu.memory_space<hbm>>
    %dma_start3A_122 = tpu.memref_squeeze %dma_start3A_121 : memref<50x1x128xi32, #tpu.memory_space<hbm>> -> memref<50x128xi32, #tpu.memory_space<hbm>>
    %dma_start3A_123 = tpu.memref_slice %arg11[%dma_start3A_119] : memref<2x!tpu.dma_semaphore, #tpu.memory_space<semaphore_mem>> -> memref<1x!tpu.dma_semaphore, #tpu.memory_space<semaphore_mem>>
    %dma_start3A_124 = tpu.memref_squeeze %dma_start3A_123 : memref<1x!tpu.dma_semaphore, #tpu.memory_space<semaphore_mem>> -> memref<!tpu.dma_semaphore, #tpu.memory_space<semaphore_mem>>
    %dma_start3A_125 = arith.constant 0 : i32
    %dma_start3A_126 = tpu.memref_slice %arg2[%add3A_117, %dma_start3A_118, %dma_start3A_125] : memref<50000x2x128xi32, #tpu.memory_space<hbm>> -> memref<50x1x128xi32, #tpu.memory_space<hbm>>
    %dma_start3A_127 = tpu.memref_squeeze %dma_start3A_126 : memref<50x1x128xi32, #tpu.memory_space<hbm>> -> memref<50x128xi32, #tpu.memory_space<hbm>>
    tpu.enqueue_dma source(%dma_start3A_127 : memref<50x128xi32, #tpu.memory_space<hbm>>) target(%arg7 : memref<50x128xi32, #tpu.memory_space<vmem>>) target_semaphore(%dma_start3A_124 : memref<!tpu.dma_semaphore, #tpu.memory_space<semaphore_mem>>)
    %mul3A_128 = arith.constant 128 : i32
    %mul3A_129 = arith.muli %add3A_117, %mul3A_128 : i32
    %dma_start3A_130 = arith.constant 1 : i32
    %dma_start3A_131 = tpu.memref_slice %arg3[%mul3A_129] : memref<6400000xf32, #tpu.memory_space<hbm>> -> memref<6400xf32, #tpu.memory_space<hbm>>
    %dma_start3A_132 = tpu.memref_slice %arg11[%dma_start3A_130] : memref<2x!tpu.dma_semaphore, #tpu.memory_space<semaphore_mem>> -> memref<1x!tpu.dma_semaphore, #tpu.memory_space<semaphore_mem>>
    %dma_start3A_133 = tpu.memref_squeeze %dma_start3A_132 : memref<1x!tpu.dma_semaphore, #tpu.memory_space<semaphore_mem>> -> memref<!tpu.dma_semaphore, #tpu.memory_space<semaphore_mem>>
    %dma_start3A_134 = tpu.memref_slice %arg3[%mul3A_129] : memref<6400000xf32, #tpu.memory_space<hbm>> -> memref<6400xf32, #tpu.memory_space<hbm>>
    tpu.enqueue_dma source(%dma_start3A_134 : memref<6400xf32, #tpu.memory_space<hbm>>) target(%arg9 : memref<6400xf32, #tpu.memory_space<vmem>>) target_semaphore(%dma_start3A_133 : memref<!tpu.dma_semaphore, #tpu.memory_space<semaphore_mem>>)
    %jit3A_135 = arith.constant 2 : i32
    %div3A_136 = arith.divsi %select_n3A, %jit3A_135 : i32
    %sign3A_137 = arith.constant 0 : i32
    %sign3A_138 = arith.cmpi sgt, %select_n3A, %sign3A_137 : i32
    %sign3A_139 = arith.extui %sign3A_138 : i1 to i32
    %sign3A_140 = arith.constant 0 : i32
    %sign3A_141 = arith.cmpi slt, %select_n3A, %sign3A_140 : i32
    %sign3A_142 = arith.extui %sign3A_141 : i1 to i32
    %sign3A_143 = arith.subi %sign3A_139, %sign3A_142 : i32
    %sign3A_144 = arith.constant 0 : i32
    %sign3A_145 = arith.cmpi sgt, %jit3A_135, %sign3A_144 : i32
    %sign3A_146 = arith.extui %sign3A_145 : i1 to i32
    %sign3A_147 = arith.constant 0 : i32
    %sign3A_148 = arith.cmpi slt, %jit3A_135, %sign3A_147 : i32
    %sign3A_149 = arith.extui %sign3A_148 : i1 to i32
    %sign3A_150 = arith.subi %sign3A_146, %sign3A_149 : i32
    %ne3A_151 = arith.cmpi ne, %sign3A_143, %sign3A_150 : i32
    %rem3A_152 = arith.remsi %select_n3A, %jit3A_135 : i32
    %ne3A_153 = arith.constant 0 : i32
    %ne3A_154 = arith.cmpi ne, %rem3A_152, %ne3A_153 : i32
    %and3A_155 = arith.andi %ne3A_151, %ne3A_154 : i1
    %sub3A_156 = arith.constant 1 : i32
    %sub3A_157 = arith.subi %div3A_136, %sub3A_156 : i32
    %select_n3A_158 = arith.select %and3A_155, %sub3A_157, %div3A_136 : i32
    %while3A_159 = arith.constant 0 : i32
    %while3A_160 = arith.constant 0 : i32
    %while3A_161 = arith.subi %select_n3A_158, %while3A_160 : i32
    %while3A_162 = arith.addi %while3A_160, %while3A_161 : i32
    %while3A_163 = arith.constant 1 : i32
    %while3A_164 = arith.divsi %while3A_161, %while3A_163 : i32
    %while3A_165 = arith.muli %while3A_164, %while3A_163 : i32
    %while3A_166 = arith.addi %while3A_160, %while3A_165 : i32
    %while3A_167 = arith.constant 1 : i32
    scf.for %while3A_190 = %while3A_160 to %while3A_166 step %while3A_167  : i32 {
      %mul3A_191 = arith.constant 2 : i32
      %mul3A_192 = arith.muli %while3A_190, %mul3A_191 : i32
      %dma_wait3A = arith.constant 1 : i32
      %dma_wait3A_193 = arith.constant 0 : i32
      %dma_wait3A_194 = arith.constant 0 : i32
      %dma_wait3A_195 = arith.constant 0 : i32
      %dma_wait3A_196 = tpu.memref_slice %arg2[%dma_wait3A_194, %dma_wait3A, %dma_wait3A_195] : memref<50000x2x128xi32, #tpu.memory_space<hbm>> -> memref<50x1x128xi32, #tpu.memory_space<hbm>>
      %dma_wait3A_197 = tpu.memref_squeeze %dma_wait3A_196 : memref<50x1x128xi32, #tpu.memory_space<hbm>> -> memref<50x128xi32, #tpu.memory_space<hbm>>
      %dma_wait3A_198 = tpu.memref_slice %arg11[%dma_wait3A_193] : memref<2x!tpu.dma_semaphore, #tpu.memory_space<semaphore_mem>> -> memref<1x!tpu.dma_semaphore, #tpu.memory_space<semaphore_mem>>
      %dma_wait3A_199 = tpu.memref_squeeze %dma_wait3A_198 : memref<1x!tpu.dma_semaphore, #tpu.memory_space<semaphore_mem>> -> memref<!tpu.dma_semaphore, #tpu.memory_space<semaphore_mem>>
      %dma_wait3A_200 = arith.constant 0 : i32
      %dma_wait3A_201 = arith.constant 0 : i32
      %dma_wait3A_202 = tpu.memref_slice %arg2[%dma_wait3A_200, %dma_wait3A, %dma_wait3A_201] : memref<50000x2x128xi32, #tpu.memory_space<hbm>> -> memref<50x1x128xi32, #tpu.memory_space<hbm>>
      %dma_wait3A_203 = tpu.memref_squeeze %dma_wait3A_202 : memref<50x1x128xi32, #tpu.memory_space<hbm>> -> memref<50x128xi32, #tpu.memory_space<hbm>>
      tpu.wait_dma2 semaphore(%dma_wait3A_199 : memref<!tpu.dma_semaphore, #tpu.memory_space<semaphore_mem>>) src(%dma_wait3A_203 : memref<50x128xi32, #tpu.memory_space<hbm>>) dst(%arg6 : memref<50x128xi32, #tpu.memory_space<vmem>>)
      %dma_wait3A_204 = arith.constant 0 : i32
      %dma_wait3A_205 = arith.constant 0 : i32
      %dma_wait3A_206 = tpu.memref_slice %arg3[%dma_wait3A_205] : memref<6400000xf32, #tpu.memory_space<hbm>> -> memref<6400xf32, #tpu.memory_space<hbm>>
      %dma_wait3A_207 = tpu.memref_slice %arg11[%dma_wait3A_204] : memref<2x!tpu.dma_semaphore, #tpu.memory_space<semaphore_mem>> -> memref<1x!tpu.dma_semaphore, #tpu.memory_space<semaphore_mem>>
      %dma_wait3A_208 = tpu.memref_squeeze %dma_wait3A_207 : memref<1x!tpu.dma_semaphore, #tpu.memory_space<semaphore_mem>> -> memref<!tpu.dma_semaphore, #tpu.memory_space<semaphore_mem>>
      %dma_wait3A_209 = arith.constant 0 : i32
      %dma_wait3A_210 = tpu.memref_slice %arg3[%dma_wait3A_209] : memref<6400000xf32, #tpu.memory_space<hbm>> -> memref<6400xf32, #tpu.memory_space<hbm>>
      tpu.wait_dma2 semaphore(%dma_wait3A_208 : memref<!tpu.dma_semaphore, #tpu.memory_space<semaphore_mem>>) src(%dma_wait3A_210 : memref<6400xf32, #tpu.memory_space<hbm>>) dst(%arg8 : memref<6400xf32, #tpu.memory_space<vmem>>)
      %parallel_loop3A_211 = arith.constant 0 : i32
      %parallel_loop3A_212 = arith.constant 50 : i32
      %parallel_loop3A_213 = arith.constant 1 : i32
      scf.for %parallel_loop3A_248 = %parallel_loop3A_211 to %parallel_loop3A_212 step %parallel_loop3A_213  : i32 {
        %parallel_loop3A_249 = arith.index_cast %parallel_loop3A_248 : i32 to index
        %parallel_loop3A_250 = arith.constant 0 : index
        %parallel_loop3A_251 = tpu.vector_load %arg6[%parallel_loop3A_249, %parallel_loop3A_250] {strides = array<i32>} : memref<50x128xi32, #tpu.memory_space<vmem>>, vector<16xi32>,
        %parallel_loop3A_252 = arith.constant 128 : i32
        %parallel_loop3A_253 = arith.muli %parallel_loop3A_248, %parallel_loop3A_252 : i32
        %parallel_loop3A_254 = arith.constant 0 : i32
        %parallel_loop3A_255 = arith.addi %parallel_loop3A_253, %parallel_loop3A_254 : i32
        %parallel_loop3A_256 = arith.index_cast %parallel_loop3A_255 : i32 to index
        %parallel_loop3A_257 = tpu.vector_load %arg8[%parallel_loop3A_256] {strides = array<i32>} : memref<6400xf32, #tpu.memory_space<vmem>>, vector<16xf32>,
        tpu.vector_store_idx %arg10[%parallel_loop3A_251], %parallel_loop3A_257 {add = true} : memref<100352xf32, #tpu.memory_space<vmem>>[vector<16xi32>], vector<16xf32>,
        %parallel_loop3A_258 = arith.index_cast %parallel_loop3A_248 : i32 to index
        %parallel_loop3A_259 = arith.constant 16 : index
        %parallel_loop3A_260 = tpu.vector_load %arg6[%parallel_loop3A_258, %parallel_loop3A_259] {strides = array<i32>} : memref<50x128xi32, #tpu.memory_space<vmem>>, vector<16xi32>,
        %parallel_loop3A_261 = arith.constant 128 : i32
        %parallel_loop3A_262 = arith.muli %parallel_loop3A_248, %parallel_loop3A_261 : i32
        %parallel_loop3A_263 = arith.constant 16 : i32
        %parallel_loop3A_264 = arith.addi %parallel_loop3A_262, %parallel_loop3A_263 : i32
        %parallel_loop3A_265 = arith.index_cast %parallel_loop3A_264 : i32 to index
        %parallel_loop3A_266 = tpu.vector_load %arg8[%parallel_loop3A_265] {strides = array<i32>} : memref<6400xf32, #tpu.memory_space<vmem>>, vector<16xf32>,
        tpu.vector_store_idx %arg10[%parallel_loop3A_260], %parallel_loop3A_266 {add = true} : memref<100352xf32, #tpu.memory_space<vmem>>[vector<16xi32>], vector<16xf32>,
        %parallel_loop3A_267 = arith.index_cast %parallel_loop3A_248 : i32 to index
        %parallel_loop3A_268 = arith.constant 32 : index
        %parallel_loop3A_269 = tpu.vector_load %arg6[%parallel_loop3A_267, %parallel_loop3A_268] {strides = array<i32>} : memref<50x128xi32, #tpu.memory_space<vmem>>, vector<16xi32>,
        %parallel_loop3A_270 = arith.constant 128 : i32
        %parallel_loop3A_271 = arith.muli %parallel_loop3A_248, %parallel_loop3A_270 : i32
        %parallel_loop3A_272 = arith.constant 32 : i32
        %parallel_loop3A_273 = arith.addi %parallel_loop3A_271, %parallel_loop3A_272 : i32
        %parallel_loop3A_274 = arith.index_cast %parallel_loop3A_273 : i32 to index
        %parallel_loop3A_275 = tpu.vector_load %arg8[%parallel_loop3A_274] {strides = array<i32>} : memref<6400xf32, #tpu.memory_space<vmem>>, vector<16xf32>,
        tpu.vector_store_idx %arg10[%parallel_loop3A_269], %parallel_loop3A_275 {add = true} : memref<100352xf32, #tpu.memory_space<vmem>>[vector<16xi32>], vector<16xf32>,
        %parallel_loop3A_276 = arith.index_cast %parallel_loop3A_248 : i32 to index
        %parallel_loop3A_277 = arith.constant 48 : index
        %parallel_loop3A_278 = tpu.vector_load %arg6[%parallel_loop3A_276, %parallel_loop3A_277] {strides = array<i32>} : memref<50x128xi32, #tpu.memory_space<vmem>>, vector<16xi32>,
        %parallel_loop3A_279 = arith.constant 128 : i32
        %parallel_loop3A_280 = arith.muli %parallel_loop3A_248, %parallel_loop3A_279 : i32
        %parallel_loop3A_281 = arith.constant 48 : i32
        %parallel_loop3A_282 = arith.addi %parallel_loop3A_280, %parallel_loop3A_281 : i32
        %parallel_loop3A_283 = arith.index_cast %parallel_loop3A_282 : i32 to index
        %parallel_loop3A_284 = tpu.vector_load %arg8[%parallel_loop3A_283] {strides = array<i32>} : memref<6400xf32, #tpu.memory_space<vmem>>, vector<16xf32>,
        tpu.vector_store_idx %arg10[%parallel_loop3A_278], %parallel_loop3A_284 {add = true} : memref<100352xf32, #tpu.memory_space<vmem>>[vector<16xi32>], vector<16xf32>,
        %parallel_loop3A_285 = arith.index_cast %parallel_loop3A_248 : i32 to index
        %parallel_loop3A_286 = arith.constant 64 : index
        %parallel_loop3A_287 = tpu.vector_load %arg6[%parallel_loop3A_285, %parallel_loop3A_286] {strides = array<i32>} : memref<50x128xi32, #tpu.memory_space<vmem>>, vector<16xi32>,
        %parallel_loop3A_288 = arith.constant 128 : i32
        %parallel_loop3A_289 = arith.muli %parallel_loop3A_248, %parallel_loop3A_288 : i32
        %parallel_loop3A_290 = arith.constant 64 : i32
        %parallel_loop3A_291 = arith.addi %parallel_loop3A_289, %parallel_loop3A_290 : i32
        %parallel_loop3A_292 = arith.index_cast %parallel_loop3A_291 : i32 to index
        %parallel_loop3A_293 = tpu.vector_load %arg8[%parallel_loop3A_292] {strides = array<i32>} : memref<6400xf32, #tpu.memory_space<vmem>>, vector<16xf32>,
        tpu.vector_store_idx %arg10[%parallel_loop3A_287], %parallel_loop3A_293 {add = true} : memref<100352xf32, #tpu.memory_space<vmem>>[vector<16xi32>], vector<16xf32>,
        %parallel_loop3A_294 = arith.index_cast %parallel_loop3A_248 : i32 to index
        %parallel_loop3A_295 = arith.constant 80 : index
        %parallel_loop3A_296 = tpu.vector_load %arg6[%parallel_loop3A_294, %parallel_loop3A_295] {strides = array<i32>} : memref<50x128xi32, #tpu.memory_space<vmem>>, vector<16xi32>,
        %parallel_loop3A_297 = arith.constant 128 : i32
        %parallel_loop3A_298 = arith.muli %parallel_loop3A_248, %parallel_loop3A_297 : i32
        %parallel_loop3A_299 = arith.constant 80 : i32
        %parallel_loop3A_300 = arith.addi %parallel_loop3A_298, %parallel_loop3A_299 : i32
        %parallel_loop3A_301 = arith.index_cast %parallel_loop3A_300 : i32 to index
        %parallel_loop3A_302 = tpu.vector_load %arg8[%parallel_loop3A_301] {strides = array<i32>} : memref<6400xf32, #tpu.memory_space<vmem>>, vector<16xf32>,
        tpu.vector_store_idx %arg10[%parallel_loop3A_296], %parallel_loop3A_302 {add = true} : memref<100352xf32, #tpu.memory_space<vmem>>[vector<16xi32>], vector<16xf32>,
        %parallel_loop3A_303 = arith.index_cast %parallel_loop3A_248 : i32 to index
        %parallel_loop3A_304 = arith.constant 96 : index
        %parallel_loop3A_305 = tpu.vector_load %arg6[%parallel_loop3A_303, %parallel_loop3A_304] {strides = array<i32>} : memref<50x128xi32, #tpu.memory_space<vmem>>, vector<16xi32>,
        %parallel_loop3A_306 = arith.constant 128 : i32
        %parallel_loop3A_307 = arith.muli %parallel_loop3A_248, %parallel_loop3A_306 : i32
        %parallel_loop3A_308 = arith.constant 96 : i32
        %parallel_loop3A_309 = arith.addi %parallel_loop3A_307, %parallel_loop3A_308 : i32
        %parallel_loop3A_310 = arith.index_cast %parallel_loop3A_309 : i32 to index
        %parallel_loop3A_311 = tpu.vector_load %arg8[%parallel_loop3A_310] {strides = array<i32>} : memref<6400xf32, #tpu.memory_space<vmem>>, vector<16xf32>,
        tpu.vector_store_idx %arg10[%parallel_loop3A_305], %parallel_loop3A_311 {add = true} : memref<100352xf32, #tpu.memory_space<vmem>>[vector<16xi32>], vector<16xf32>,
        %parallel_loop3A_312 = arith.index_cast %parallel_loop3A_248 : i32 to index
        %parallel_loop3A_313 = arith.constant 112 : index
        %parallel_loop3A_314 = tpu.vector_load %arg6[%parallel_loop3A_312, %parallel_loop3A_313] {strides = array<i32>} : memref<50x128xi32, #tpu.memory_space<vmem>>, vector<16xi32>,
        %parallel_loop3A_315 = arith.constant 128 : i32
        %parallel_loop3A_316 = arith.muli %parallel_loop3A_248, %parallel_loop3A_315 : i32
        %parallel_loop3A_317 = arith.constant 112 : i32
        %parallel_loop3A_318 = arith.addi %parallel_loop3A_316, %parallel_loop3A_317 : i32
        %parallel_loop3A_319 = arith.index_cast %parallel_loop3A_318 : i32 to index
        %parallel_loop3A_320 = tpu.vector_load %arg8[%parallel_loop3A_319] {strides = array<i32>} : memref<6400xf32, #tpu.memory_space<vmem>>, vector<16xf32>,
        tpu.vector_store_idx %arg10[%parallel_loop3A_314], %parallel_loop3A_320 {add = true} : memref<100352xf32, #tpu.memory_space<vmem>>[vector<16xi32>], vector<16xf32>,
      } {sc.loop_unroll_factor = 2 : i64, sc.parallel_access}
      %add3A_214 = arith.constant 2 : i32
      %add3A_215 = arith.addi %mul3A_192, %add3A_214 : i32
      %lt3A_216 = arith.cmpi slt, %add3A_215, %select_n3A : i32
      %convert_element_type3A_217 = arith.extui %lt3A_216 : i1 to i32
      %cond3A_218 = arith.constant 0 : i32
      %cond3A_219 = arith.cmpi ne, %convert_element_type3A_217, %cond3A_218 : i32
      scf.if %cond3A_219 {
        %add3A_248 = arith.constant 2 : i32
        %add3A_249 = arith.addi %mul3A_192, %add3A_248 : i32
        %mul3A_250 = arith.constant 50 : i32
        %mul3A_251 = arith.muli %add3A_249, %mul3A_250 : i32
        %add3A_252 = arith.addi %mul3A_9, %mul3A_251 : i32
        %dma_start3A_253 = arith.constant 1 : i32
        %dma_start3A_254 = arith.constant 0 : i32
        %dma_start3A_255 = arith.constant 0 : i32
        %dma_start3A_256 = tpu.memref_slice %arg2[%add3A_252, %dma_start3A_253, %dma_start3A_255] : memref<50000x2x128xi32, #tpu.memory_space<hbm>> -> memref<50x1x128xi32, #tpu.memory_space<hbm>>
        %dma_start3A_257 = tpu.memref_squeeze %dma_start3A_256 : memref<50x1x128xi32, #tpu.memory_space<hbm>> -> memref<50x128xi32, #tpu.memory_space<hbm>>
        %dma_start3A_258 = tpu.memref_slice %arg11[%dma_start3A_254] : memref<2x!tpu.dma_semaphore, #tpu.memory_space<semaphore_mem>> -> memref<1x!tpu.dma_semaphore, #tpu.memory_space<semaphore_mem>>
        %dma_start3A_259 = tpu.memref_squeeze %dma_start3A_258 : memref<1x!tpu.dma_semaphore, #tpu.memory_space<semaphore_mem>> -> memref<!tpu.dma_semaphore, #tpu.memory_space<semaphore_mem>>
        %dma_start3A_260 = arith.constant 0 : i32
        %dma_start3A_261 = tpu.memref_slice %arg2[%add3A_252, %dma_start3A_253, %dma_start3A_260] : memref<50000x2x128xi32, #tpu.memory_space<hbm>> -> memref<50x1x128xi32, #tpu.memory_space<hbm>>
        %dma_start3A_262 = tpu.memref_squeeze %dma_start3A_261 : memref<50x1x128xi32, #tpu.memory_space<hbm>> -> memref<50x128xi32, #tpu.memory_space<hbm>>
        tpu.enqueue_dma source(%dma_start3A_262 : memref<50x128xi32, #tpu.memory_space<hbm>>) target(%arg6 : memref<50x128xi32, #tpu.memory_space<vmem>>) target_semaphore(%dma_start3A_259 : memref<!tpu.dma_semaphore, #tpu.memory_space<semaphore_mem>>)
        %mul3A_263 = arith.constant 128 : i32
        %mul3A_264 = arith.muli %add3A_252, %mul3A_263 : i32
        %dma_start3A_265 = arith.constant 0 : i32
        %dma_start3A_266 = tpu.memref_slice %arg3[%mul3A_264] : memref<6400000xf32, #tpu.memory_space<hbm>> -> memref<6400xf32, #tpu.memory_space<hbm>>
        %dma_start3A_267 = tpu.memref_slice %arg11[%dma_start3A_265] : memref<2x!tpu.dma_semaphore, #tpu.memory_space<semaphore_mem>> -> memref<1x!tpu.dma_semaphore, #tpu.memory_space<semaphore_mem>>
        %dma_start3A_268 = tpu.memref_squeeze %dma_start3A_267 : memref<1x!tpu.dma_semaphore, #tpu.memory_space<semaphore_mem>> -> memref<!tpu.dma_semaphore, #tpu.memory_space<semaphore_mem>>
        %dma_start3A_269 = tpu.memref_slice %arg3[%mul3A_264] : memref<6400000xf32, #tpu.memory_space<hbm>> -> memref<6400xf32, #tpu.memory_space<hbm>>
        tpu.enqueue_dma source(%dma_start3A_269 : memref<6400xf32, #tpu.memory_space<hbm>>) target(%arg8 : memref<6400xf32, #tpu.memory_space<vmem>>) target_semaphore(%dma_start3A_268 : memref<!tpu.dma_semaphore, #tpu.memory_space<semaphore_mem>>)
      } else {
      }
      %dma_wait3A_220 = arith.constant 1 : i32
      %dma_wait3A_221 = arith.constant 1 : i32
      %dma_wait3A_222 = arith.constant 0 : i32
      %dma_wait3A_223 = arith.constant 0 : i32
      %dma_wait3A_224 = tpu.memref_slice %arg2[%dma_wait3A_222, %dma_wait3A_220, %dma_wait3A_223] : memref<50000x2x128xi32, #tpu.memory_space<hbm>> -> memref<50x1x128xi32, #tpu.memory_space<hbm>>
      %dma_wait3A_225 = tpu.memref_squeeze %dma_wait3A_224 : memref<50x1x128xi32, #tpu.memory_space<hbm>> -> memref<50x128xi32, #tpu.memory_space<hbm>>
      %dma_wait3A_226 = tpu.memref_slice %arg11[%dma_wait3A_221] : memref<2x!tpu.dma_semaphore, #tpu.memory_space<semaphore_mem>> -> memref<1x!tpu.dma_semaphore, #tpu.memory_space<semaphore_mem>>
      %dma_wait3A_227 = tpu.memref_squeeze %dma_wait3A_226 : memref<1x!tpu.dma_semaphore, #tpu.memory_space<semaphore_mem>> -> memref<!tpu.dma_semaphore, #tpu.memory_space<semaphore_mem>>
      %dma_wait3A_228 = arith.constant 0 : i32
      %dma_wait3A_229 = arith.constant 0 : i32
      %dma_wait3A_230 = tpu.memref_slice %arg2[%dma_wait3A_228, %dma_wait3A_220, %dma_wait3A_229] : memref<50000x2x128xi32, #tpu.memory_space<hbm>> -> memref<50x1x128xi32, #tpu.memory_space<hbm>>
      %dma_wait3A_231 = tpu.memref_squeeze %dma_wait3A_230 : memref<50x1x128xi32, #tpu.memory_space<hbm>> -> memref<50x128xi32, #tpu.memory_space<hbm>>
      tpu.wait_dma2 semaphore(%dma_wait3A_227 : memref<!tpu.dma_semaphore, #tpu.memory_space<semaphore_mem>>) src(%dma_wait3A_231 : memref<50x128xi32, #tpu.memory_space<hbm>>) dst(%arg7 : memref<50x128xi32, #tpu.memory_space<vmem>>)
      %dma_wait3A_232 = arith.constant 1 : i32
      %dma_wait3A_233 = arith.constant 0 : i32
      %dma_wait3A_234 = tpu.memref_slice %arg3[%dma_wait3A_233] : memref<6400000xf32, #tpu.memory_space<hbm>> -> memref<6400xf32, #tpu.memory_space<hbm>>
      %dma_wait3A_235 = tpu.memref_slice %arg11[%dma_wait3A_232] : memref<2x!tpu.dma_semaphore, #tpu.memory_space<semaphore_mem>> -> memref<1x!tpu.dma_semaphore, #tpu.memory_space<semaphore_mem>>
      %dma_wait3A_236 = tpu.memref_squeeze %dma_wait3A_235 : memref<1x!tpu.dma_semaphore, #tpu.memory_space<semaphore_mem>> -> memref<!tpu.dma_semaphore, #tpu.memory_space<semaphore_mem>>
      %dma_wait3A_237 = arith.constant 0 : i32
      %dma_wait3A_238 = tpu.memref_slice %arg3[%dma_wait3A_237] : memref<6400000xf32, #tpu.memory_space<hbm>> -> memref<6400xf32, #tpu.memory_space<hbm>>
      tpu.wait_dma2 semaphore(%dma_wait3A_236 : memref<!tpu.dma_semaphore, #tpu.memory_space<semaphore_mem>>) src(%dma_wait3A_238 : memref<6400xf32, #tpu.memory_space<hbm>>) dst(%arg9 : memref<6400xf32, #tpu.memory_space<vmem>>)
      %parallel_loop3A_239 = arith.constant 0 : i32
      %parallel_loop3A_240 = arith.constant 50 : i32
      %parallel_loop3A_241 = arith.constant 1 : i32
      scf.for %parallel_loop3A_248 = %parallel_loop3A_239 to %parallel_loop3A_240 step %parallel_loop3A_241  : i32 {
        %parallel_loop3A_249 = arith.index_cast %parallel_loop3A_248 : i32 to index
        %parallel_loop3A_250 = arith.constant 0 : index
        %parallel_loop3A_251 = tpu.vector_load %arg7[%parallel_loop3A_249, %parallel_loop3A_250] {strides = array<i32>} : memref<50x128xi32, #tpu.memory_space<vmem>>, vector<16xi32>,
        %parallel_loop3A_252 = arith.constant 128 : i32
        %parallel_loop3A_253 = arith.muli %parallel_loop3A_248, %parallel_loop3A_252 : i32
        %parallel_loop3A_254 = arith.constant 0 : i32
        %parallel_loop3A_255 = arith.addi %parallel_loop3A_253, %parallel_loop3A_254 : i32
        %parallel_loop3A_256 = arith.index_cast %parallel_loop3A_255 : i32 to index
        %parallel_loop3A_257 = tpu.vector_load %arg9[%parallel_loop3A_256] {strides = array<i32>} : memref<6400xf32, #tpu.memory_space<vmem>>, vector<16xf32>,
        tpu.vector_store_idx %arg10[%parallel_loop3A_251], %parallel_loop3A_257 {add = true} : memref<100352xf32, #tpu.memory_space<vmem>>[vector<16xi32>], vector<16xf32>,
        %parallel_loop3A_258 = arith.index_cast %parallel_loop3A_248 : i32 to index
        %parallel_loop3A_259 = arith.constant 16 : index
        %parallel_loop3A_260 = tpu.vector_load %arg7[%parallel_loop3A_258, %parallel_loop3A_259] {strides = array<i32>} : memref<50x128xi32, #tpu.memory_space<vmem>>, vector<16xi32>,
        %parallel_loop3A_261 = arith.constant 128 : i32
        %parallel_loop3A_262 = arith.muli %parallel_loop3A_248, %parallel_loop3A_261 : i32
        %parallel_loop3A_263 = arith.constant 16 : i32
        %parallel_loop3A_264 = arith.addi %parallel_loop3A_262, %parallel_loop3A_263 : i32
        %parallel_loop3A_265 = arith.index_cast %parallel_loop3A_264 : i32 to index
        %parallel_loop3A_266 = tpu.vector_load %arg9[%parallel_loop3A_265] {strides = array<i32>} : memref<6400xf32, #tpu.memory_space<vmem>>, vector<16xf32>,
        tpu.vector_store_idx %arg10[%parallel_loop3A_260], %parallel_loop3A_266 {add = true} : memref<100352xf32, #tpu.memory_space<vmem>>[vector<16xi32>], vector<16xf32>,
        %parallel_loop3A_267 = arith.index_cast %parallel_loop3A_248 : i32 to index
        %parallel_loop3A_268 = arith.constant 32 : index
        %parallel_loop3A_269 = tpu.vector_load %arg7[%parallel_loop3A_267, %parallel_loop3A_268] {strides = array<i32>} : memref<50x128xi32, #tpu.memory_space<vmem>>, vector<16xi32>,
        %parallel_loop3A_270 = arith.constant 128 : i32
        %parallel_loop3A_271 = arith.muli %parallel_loop3A_248, %parallel_loop3A_270 : i32
        %parallel_loop3A_272 = arith.constant 32 : i32
        %parallel_loop3A_273 = arith.addi %parallel_loop3A_271, %parallel_loop3A_272 : i32
        %parallel_loop3A_274 = arith.index_cast %parallel_loop3A_273 : i32 to index
        %parallel_loop3A_275 = tpu.vector_load %arg9[%parallel_loop3A_274] {strides = array<i32>} : memref<6400xf32, #tpu.memory_space<vmem>>, vector<16xf32>,
        tpu.vector_store_idx %arg10[%parallel_loop3A_269], %parallel_loop3A_275 {add = true} : memref<100352xf32, #tpu.memory_space<vmem>>[vector<16xi32>], vector<16xf32>,
        %parallel_loop3A_276 = arith.index_cast %parallel_loop3A_248 : i32 to index
        %parallel_loop3A_277 = arith.constant 48 : index
        %parallel_loop3A_278 = tpu.vector_load %arg7[%parallel_loop3A_276, %parallel_loop3A_277] {strides = array<i32>} : memref<50x128xi32, #tpu.memory_space<vmem>>, vector<16xi32>,
        %parallel_loop3A_279 = arith.constant 128 : i32
        %parallel_loop3A_280 = arith.muli %parallel_loop3A_248, %parallel_loop3A_279 : i32
        %parallel_loop3A_281 = arith.constant 48 : i32
        %parallel_loop3A_282 = arith.addi %parallel_loop3A_280, %parallel_loop3A_281 : i32
        %parallel_loop3A_283 = arith.index_cast %parallel_loop3A_282 : i32 to index
        %parallel_loop3A_284 = tpu.vector_load %arg9[%parallel_loop3A_283] {strides = array<i32>} : memref<6400xf32, #tpu.memory_space<vmem>>, vector<16xf32>,
        tpu.vector_store_idx %arg10[%parallel_loop3A_278], %parallel_loop3A_284 {add = true} : memref<100352xf32, #tpu.memory_space<vmem>>[vector<16xi32>], vector<16xf32>,
        %parallel_loop3A_285 = arith.index_cast %parallel_loop3A_248 : i32 to index
        %parallel_loop3A_286 = arith.constant 64 : index
        %parallel_loop3A_287 = tpu.vector_load %arg7[%parallel_loop3A_285, %parallel_loop3A_286] {strides = array<i32>} : memref<50x128xi32, #tpu.memory_space<vmem>>, vector<16xi32>,
        %parallel_loop3A_288 = arith.constant 128 : i32
        %parallel_loop3A_289 = arith.muli %parallel_loop3A_248, %parallel_loop3A_288 : i32
        %parallel_loop3A_290 = arith.constant 64 : i32
        %parallel_loop3A_291 = arith.addi %parallel_loop3A_289, %parallel_loop3A_290 : i32
        %parallel_loop3A_292 = arith.index_cast %parallel_loop3A_291 : i32 to index
        %parallel_loop3A_293 = tpu.vector_load %arg9[%parallel_loop3A_292] {strides = array<i32>} : memref<6400xf32, #tpu.memory_space<vmem>>, vector<16xf32>,
        tpu.vector_store_idx %arg10[%parallel_loop3A_287], %parallel_loop3A_293 {add = true} : memref<100352xf32, #tpu.memory_space<vmem>>[vector<16xi32>], vector<16xf32>,
        %parallel_loop3A_294 = arith.index_cast %parallel_loop3A_248 : i32 to index
        %parallel_loop3A_295 = arith.constant 80 : index
        %parallel_loop3A_296 = tpu.vector_load %arg7[%parallel_loop3A_294, %parallel_loop3A_295] {strides = array<i32>} : memref<50x128xi32, #tpu.memory_space<vmem>>, vector<16xi32>,
        %parallel_loop3A_297 = arith.constant 128 : i32
        %parallel_loop3A_298 = arith.muli %parallel_loop3A_248, %parallel_loop3A_297 : i32
        %parallel_loop3A_299 = arith.constant 80 : i32
        %parallel_loop3A_300 = arith.addi %parallel_loop3A_298, %parallel_loop3A_299 : i32
        %parallel_loop3A_301 = arith.index_cast %parallel_loop3A_300 : i32 to index
        %parallel_loop3A_302 = tpu.vector_load %arg9[%parallel_loop3A_301] {strides = array<i32>} : memref<6400xf32, #tpu.memory_space<vmem>>, vector<16xf32>,
        tpu.vector_store_idx %arg10[%parallel_loop3A_296], %parallel_loop3A_302 {add = true} : memref<100352xf32, #tpu.memory_space<vmem>>[vector<16xi32>], vector<16xf32>,
        %parallel_loop3A_303 = arith.index_cast %parallel_loop3A_248 : i32 to index
        %parallel_loop3A_304 = arith.constant 96 : index
        %parallel_loop3A_305 = tpu.vector_load %arg7[%parallel_loop3A_303, %parallel_loop3A_304] {strides = array<i32>} : memref<50x128xi32, #tpu.memory_space<vmem>>, vector<16xi32>,
        %parallel_loop3A_306 = arith.constant 128 : i32
        %parallel_loop3A_307 = arith.muli %parallel_loop3A_248, %parallel_loop3A_306 : i32
        %parallel_loop3A_308 = arith.constant 96 : i32
        %parallel_loop3A_309 = arith.addi %parallel_loop3A_307, %parallel_loop3A_308 : i32
        %parallel_loop3A_310 = arith.index_cast %parallel_loop3A_309 : i32 to index
        %parallel_loop3A_311 = tpu.vector_load %arg9[%parallel_loop3A_310] {strides = array<i32>} : memref<6400xf32, #tpu.memory_space<vmem>>, vector<16xf32>,
        tpu.vector_store_idx %arg10[%parallel_loop3A_305], %parallel_loop3A_311 {add = true} : memref<100352xf32, #tpu.memory_space<vmem>>[vector<16xi32>], vector<16xf32>,
        %parallel_loop3A_312 = arith.index_cast %parallel_loop3A_248 : i32 to index
        %parallel_loop3A_313 = arith.constant 112 : index
        %parallel_loop3A_314 = tpu.vector_load %arg7[%parallel_loop3A_312, %parallel_loop3A_313] {strides = array<i32>} : memref<50x128xi32, #tpu.memory_space<vmem>>, vector<16xi32>,
        %parallel_loop3A_315 = arith.constant 128 : i32
        %parallel_loop3A_316 = arith.muli %parallel_loop3A_248, %parallel_loop3A_315 : i32
        %parallel_loop3A_317 = arith.constant 112 : i32
        %parallel_loop3A_318 = arith.addi %parallel_loop3A_316, %parallel_loop3A_317 : i32
        %parallel_loop3A_319 = arith.index_cast %parallel_loop3A_318 : i32 to index
        %parallel_loop3A_320 = tpu.vector_load %arg9[%parallel_loop3A_319] {strides = array<i32>} : memref<6400xf32, #tpu.memory_space<vmem>>, vector<16xf32>,
        tpu.vector_store_idx %arg10[%parallel_loop3A_314], %parallel_loop3A_320 {add = true} : memref<100352xf32, #tpu.memory_space<vmem>>[vector<16xi32>], vector<16xf32>,
      } {sc.loop_unroll_factor = 2 : i64, sc.parallel_access}
      %add3A_242 = arith.constant 3 : i32
      %add3A_243 = arith.addi %mul3A_192, %add3A_242 : i32
      %lt3A_244 = arith.cmpi slt, %add3A_243, %select_n3A : i32
      %convert_element_type3A_245 = arith.extui %lt3A_244 : i1 to i32
      %cond3A_246 = arith.constant 0 : i32
      %cond3A_247 = arith.cmpi ne, %convert_element_type3A_245, %cond3A_246 : i32
      scf.if %cond3A_247 {
        %add3A_248 = arith.constant 3 : i32
        %add3A_249 = arith.addi %mul3A_192, %add3A_248 : i32
        %mul3A_250 = arith.constant 50 : i32
        %mul3A_251 = arith.muli %add3A_249, %mul3A_250 : i32
        %add3A_252 = arith.addi %mul3A_9, %mul3A_251 : i32
        %dma_start3A_253 = arith.constant 1 : i32
        %dma_start3A_254 = arith.constant 1 : i32
        %dma_start3A_255 = arith.constant 0 : i32
        %dma_start3A_256 = tpu.memref_slice %arg2[%add3A_252, %dma_start3A_253, %dma_start3A_255] : memref<50000x2x128xi32, #tpu.memory_space<hbm>> -> memref<50x1x128xi32, #tpu.memory_space<hbm>>
        %dma_start3A_257 = tpu.memref_squeeze %dma_start3A_256 : memref<50x1x128xi32, #tpu.memory_space<hbm>> -> memref<50x128xi32, #tpu.memory_space<hbm>>
        %dma_start3A_258 = tpu.memref_slice %arg11[%dma_start3A_254] : memref<2x!tpu.dma_semaphore, #tpu.memory_space<semaphore_mem>> -> memref<1x!tpu.dma_semaphore, #tpu.memory_space<semaphore_mem>>
        %dma_start3A_259 = tpu.memref_squeeze %dma_start3A_258 : memref<1x!tpu.dma_semaphore, #tpu.memory_space<semaphore_mem>> -> memref<!tpu.dma_semaphore, #tpu.memory_space<semaphore_mem>>
        %dma_start3A_260 = arith.constant 0 : i32
        %dma_start3A_261 = tpu.memref_slice %arg2[%add3A_252, %dma_start3A_253, %dma_start3A_260] : memref<50000x2x128xi32, #tpu.memory_space<hbm>> -> memref<50x1x128xi32, #tpu.memory_space<hbm>>
        %dma_start3A_262 = tpu.memref_squeeze %dma_start3A_261 : memref<50x1x128xi32, #tpu.memory_space<hbm>> -> memref<50x128xi32, #tpu.memory_space<hbm>>
        tpu.enqueue_dma source(%dma_start3A_262 : memref<50x128xi32, #tpu.memory_space<hbm>>) target(%arg7 : memref<50x128xi32, #tpu.memory_space<vmem>>) target_semaphore(%dma_start3A_259 : memref<!tpu.dma_semaphore, #tpu.memory_space<semaphore_mem>>)
        %mul3A_263 = arith.constant 128 : i32
        %mul3A_264 = arith.muli %add3A_252, %mul3A_263 : i32
        %dma_start3A_265 = arith.constant 1 : i32
        %dma_start3A_266 = tpu.memref_slice %arg3[%mul3A_264] : memref<6400000xf32, #tpu.memory_space<hbm>> -> memref<6400xf32, #tpu.memory_space<hbm>>
        %dma_start3A_267 = tpu.memref_slice %arg11[%dma_start3A_265] : memref<2x!tpu.dma_semaphore, #tpu.memory_space<semaphore_mem>> -> memref<1x!tpu.dma_semaphore, #tpu.memory_space<semaphore_mem>>
        %dma_start3A_268 = tpu.memref_squeeze %dma_start3A_267 : memref<1x!tpu.dma_semaphore, #tpu.memory_space<semaphore_mem>> -> memref<!tpu.dma_semaphore, #tpu.memory_space<semaphore_mem>>
        %dma_start3A_269 = tpu.memref_slice %arg3[%mul3A_264] : memref<6400000xf32, #tpu.memory_space<hbm>> -> memref<6400xf32, #tpu.memory_space<hbm>>
        tpu.enqueue_dma source(%dma_start3A_269 : memref<6400xf32, #tpu.memory_space<hbm>>) target(%arg9 : memref<6400xf32, #tpu.memory_space<vmem>>) target_semaphore(%dma_start3A_268 : memref<!tpu.dma_semaphore, #tpu.memory_space<semaphore_mem>>)
      } else {
      }
    }
    %while3A_168 = arith.constant 1 : i32
    scf.for %while3A_190 = %while3A_166 to %while3A_162 step %while3A_168  : i32 {
      %mul3A_191 = arith.constant 2 : i32
      %mul3A_192 = arith.muli %while3A_190, %mul3A_191 : i32
      %dma_wait3A = arith.constant 1 : i32
      %dma_wait3A_193 = arith.constant 0 : i32
      %dma_wait3A_194 = arith.constant 0 : i32
      %dma_wait3A_195 = arith.constant 0 : i32
      %dma_wait3A_196 = tpu.memref_slice %arg2[%dma_wait3A_194, %dma_wait3A, %dma_wait3A_195] : memref<50000x2x128xi32, #tpu.memory_space<hbm>> -> memref<50x1x128xi32, #tpu.memory_space<hbm>>
      %dma_wait3A_197 = tpu.memref_squeeze %dma_wait3A_196 : memref<50x1x128xi32, #tpu.memory_space<hbm>> -> memref<50x128xi32, #tpu.memory_space<hbm>>
      %dma_wait3A_198 = tpu.memref_slice %arg11[%dma_wait3A_193] : memref<2x!tpu.dma_semaphore, #tpu.memory_space<semaphore_mem>> -> memref<1x!tpu.dma_semaphore, #tpu.memory_space<semaphore_mem>>
      %dma_wait3A_199 = tpu.memref_squeeze %dma_wait3A_198 : memref<1x!tpu.dma_semaphore, #tpu.memory_space<semaphore_mem>> -> memref<!tpu.dma_semaphore, #tpu.memory_space<semaphore_mem>>
      %dma_wait3A_200 = arith.constant 0 : i32
      %dma_wait3A_201 = arith.constant 0 : i32
      %dma_wait3A_202 = tpu.memref_slice %arg2[%dma_wait3A_200, %dma_wait3A, %dma_wait3A_201] : memref<50000x2x128xi32, #tpu.memory_space<hbm>> -> memref<50x1x128xi32, #tpu.memory_space<hbm>>
      %dma_wait3A_203 = tpu.memref_squeeze %dma_wait3A_202 : memref<50x1x128xi32, #tpu.memory_space<hbm>> -> memref<50x128xi32, #tpu.memory_space<hbm>>
      tpu.wait_dma2 semaphore(%dma_wait3A_199 : memref<!tpu.dma_semaphore, #tpu.memory_space<semaphore_mem>>) src(%dma_wait3A_203 : memref<50x128xi32, #tpu.memory_space<hbm>>) dst(%arg6 : memref<50x128xi32, #tpu.memory_space<vmem>>)
      %dma_wait3A_204 = arith.constant 0 : i32
      %dma_wait3A_205 = arith.constant 0 : i32
      %dma_wait3A_206 = tpu.memref_slice %arg3[%dma_wait3A_205] : memref<6400000xf32, #tpu.memory_space<hbm>> -> memref<6400xf32, #tpu.memory_space<hbm>>
      %dma_wait3A_207 = tpu.memref_slice %arg11[%dma_wait3A_204] : memref<2x!tpu.dma_semaphore, #tpu.memory_space<semaphore_mem>> -> memref<1x!tpu.dma_semaphore, #tpu.memory_space<semaphore_mem>>
      %dma_wait3A_208 = tpu.memref_squeeze %dma_wait3A_207 : memref<1x!tpu.dma_semaphore, #tpu.memory_space<semaphore_mem>> -> memref<!tpu.dma_semaphore, #tpu.memory_space<semaphore_mem>>
      %dma_wait3A_209 = arith.constant 0 : i32
      %dma_wait3A_210 = tpu.memref_slice %arg3[%dma_wait3A_209] : memref<6400000xf32, #tpu.memory_space<hbm>> -> memref<6400xf32, #tpu.memory_space<hbm>>
      tpu.wait_dma2 semaphore(%dma_wait3A_208 : memref<!tpu.dma_semaphore, #tpu.memory_space<semaphore_mem>>) src(%dma_wait3A_210 : memref<6400xf32, #tpu.memory_space<hbm>>) dst(%arg8 : memref<6400xf32, #tpu.memory_space<vmem>>)
      %parallel_loop3A_211 = arith.constant 0 : i32
      %parallel_loop3A_212 = arith.constant 50 : i32
      %parallel_loop3A_213 = arith.constant 1 : i32
      scf.for %parallel_loop3A_248 = %parallel_loop3A_211 to %parallel_loop3A_212 step %parallel_loop3A_213  : i32 {
        %parallel_loop3A_249 = arith.index_cast %parallel_loop3A_248 : i32 to index
        %parallel_loop3A_250 = arith.constant 0 : index
        %parallel_loop3A_251 = tpu.vector_load %arg6[%parallel_loop3A_249, %parallel_loop3A_250] {strides = array<i32>} : memref<50x128xi32, #tpu.memory_space<vmem>>, vector<16xi32>,
        %parallel_loop3A_252 = arith.constant 128 : i32
        %parallel_loop3A_253 = arith.muli %parallel_loop3A_248, %parallel_loop3A_252 : i32
        %parallel_loop3A_254 = arith.constant 0 : i32
        %parallel_loop3A_255 = arith.addi %parallel_loop3A_253, %parallel_loop3A_254 : i32
        %parallel_loop3A_256 = arith.index_cast %parallel_loop3A_255 : i32 to index
        %parallel_loop3A_257 = tpu.vector_load %arg8[%parallel_loop3A_256] {strides = array<i32>} : memref<6400xf32, #tpu.memory_space<vmem>>, vector<16xf32>,
        tpu.vector_store_idx %arg10[%parallel_loop3A_251], %parallel_loop3A_257 {add = true} : memref<100352xf32, #tpu.memory_space<vmem>>[vector<16xi32>], vector<16xf32>,
        %parallel_loop3A_258 = arith.index_cast %parallel_loop3A_248 : i32 to index
        %parallel_loop3A_259 = arith.constant 16 : index
        %parallel_loop3A_260 = tpu.vector_load %arg6[%parallel_loop3A_258, %parallel_loop3A_259] {strides = array<i32>} : memref<50x128xi32, #tpu.memory_space<vmem>>, vector<16xi32>,
        %parallel_loop3A_261 = arith.constant 128 : i32
        %parallel_loop3A_262 = arith.muli %parallel_loop3A_248, %parallel_loop3A_261 : i32
        %parallel_loop3A_263 = arith.constant 16 : i32
        %parallel_loop3A_264 = arith.addi %parallel_loop3A_262, %parallel_loop3A_263 : i32
        %parallel_loop3A_265 = arith.index_cast %parallel_loop3A_264 : i32 to index
        %parallel_loop3A_266 = tpu.vector_load %arg8[%parallel_loop3A_265] {strides = array<i32>} : memref<6400xf32, #tpu.memory_space<vmem>>, vector<16xf32>,
        tpu.vector_store_idx %arg10[%parallel_loop3A_260], %parallel_loop3A_266 {add = true} : memref<100352xf32, #tpu.memory_space<vmem>>[vector<16xi32>], vector<16xf32>,
        %parallel_loop3A_267 = arith.index_cast %parallel_loop3A_248 : i32 to index
        %parallel_loop3A_268 = arith.constant 32 : index
        %parallel_loop3A_269 = tpu.vector_load %arg6[%parallel_loop3A_267, %parallel_loop3A_268] {strides = array<i32>} : memref<50x128xi32, #tpu.memory_space<vmem>>, vector<16xi32>,
        %parallel_loop3A_270 = arith.constant 128 : i32
        %parallel_loop3A_271 = arith.muli %parallel_loop3A_248, %parallel_loop3A_270 : i32
        %parallel_loop3A_272 = arith.constant 32 : i32
        %parallel_loop3A_273 = arith.addi %parallel_loop3A_271, %parallel_loop3A_272 : i32
        %parallel_loop3A_274 = arith.index_cast %parallel_loop3A_273 : i32 to index
        %parallel_loop3A_275 = tpu.vector_load %arg8[%parallel_loop3A_274] {strides = array<i32>} : memref<6400xf32, #tpu.memory_space<vmem>>, vector<16xf32>,
        tpu.vector_store_idx %arg10[%parallel_loop3A_269], %parallel_loop3A_275 {add = true} : memref<100352xf32, #tpu.memory_space<vmem>>[vector<16xi32>], vector<16xf32>,
        %parallel_loop3A_276 = arith.index_cast %parallel_loop3A_248 : i32 to index
        %parallel_loop3A_277 = arith.constant 48 : index
        %parallel_loop3A_278 = tpu.vector_load %arg6[%parallel_loop3A_276, %parallel_loop3A_277] {strides = array<i32>} : memref<50x128xi32, #tpu.memory_space<vmem>>, vector<16xi32>,
        %parallel_loop3A_279 = arith.constant 128 : i32
        %parallel_loop3A_280 = arith.muli %parallel_loop3A_248, %parallel_loop3A_279 : i32
        %parallel_loop3A_281 = arith.constant 48 : i32
        %parallel_loop3A_282 = arith.addi %parallel_loop3A_280, %parallel_loop3A_281 : i32
        %parallel_loop3A_283 = arith.index_cast %parallel_loop3A_282 : i32 to index
        %parallel_loop3A_284 = tpu.vector_load %arg8[%parallel_loop3A_283] {strides = array<i32>} : memref<6400xf32, #tpu.memory_space<vmem>>, vector<16xf32>,
        tpu.vector_store_idx %arg10[%parallel_loop3A_278], %parallel_loop3A_284 {add = true} : memref<100352xf32, #tpu.memory_space<vmem>>[vector<16xi32>], vector<16xf32>,
        %parallel_loop3A_285 = arith.index_cast %parallel_loop3A_248 : i32 to index
        %parallel_loop3A_286 = arith.constant 64 : index
        %parallel_loop3A_287 = tpu.vector_load %arg6[%parallel_loop3A_285, %parallel_loop3A_286] {strides = array<i32>} : memref<50x128xi32, #tpu.memory_space<vmem>>, vector<16xi32>,
        %parallel_loop3A_288 = arith.constant 128 : i32
        %parallel_loop3A_289 = arith.muli %parallel_loop3A_248, %parallel_loop3A_288 : i32
        %parallel_loop3A_290 = arith.constant 64 : i32
        %parallel_loop3A_291 = arith.addi %parallel_loop3A_289, %parallel_loop3A_290 : i32
        %parallel_loop3A_292 = arith.index_cast %parallel_loop3A_291 : i32 to index
        %parallel_loop3A_293 = tpu.vector_load %arg8[%parallel_loop3A_292] {strides = array<i32>} : memref<6400xf32, #tpu.memory_space<vmem>>, vector<16xf32>,
        tpu.vector_store_idx %arg10[%parallel_loop3A_287], %parallel_loop3A_293 {add = true} : memref<100352xf32, #tpu.memory_space<vmem>>[vector<16xi32>], vector<16xf32>,
        %parallel_loop3A_294 = arith.index_cast %parallel_loop3A_248 : i32 to index
        %parallel_loop3A_295 = arith.constant 80 : index
        %parallel_loop3A_296 = tpu.vector_load %arg6[%parallel_loop3A_294, %parallel_loop3A_295] {strides = array<i32>} : memref<50x128xi32, #tpu.memory_space<vmem>>, vector<16xi32>,
        %parallel_loop3A_297 = arith.constant 128 : i32
        %parallel_loop3A_298 = arith.muli %parallel_loop3A_248, %parallel_loop3A_297 : i32
        %parallel_loop3A_299 = arith.constant 80 : i32
        %parallel_loop3A_300 = arith.addi %parallel_loop3A_298, %parallel_loop3A_299 : i32
        %parallel_loop3A_301 = arith.index_cast %parallel_loop3A_300 : i32 to index
        %parallel_loop3A_302 = tpu.vector_load %arg8[%parallel_loop3A_301] {strides = array<i32>} : memref<6400xf32, #tpu.memory_space<vmem>>, vector<16xf32>,
        tpu.vector_store_idx %arg10[%parallel_loop3A_296], %parallel_loop3A_302 {add = true} : memref<100352xf32, #tpu.memory_space<vmem>>[vector<16xi32>], vector<16xf32>,
        %parallel_loop3A_303 = arith.index_cast %parallel_loop3A_248 : i32 to index
        %parallel_loop3A_304 = arith.constant 96 : index
        %parallel_loop3A_305 = tpu.vector_load %arg6[%parallel_loop3A_303, %parallel_loop3A_304] {strides = array<i32>} : memref<50x128xi32, #tpu.memory_space<vmem>>, vector<16xi32>,
        %parallel_loop3A_306 = arith.constant 128 : i32
        %parallel_loop3A_307 = arith.muli %parallel_loop3A_248, %parallel_loop3A_306 : i32
        %parallel_loop3A_308 = arith.constant 96 : i32
        %parallel_loop3A_309 = arith.addi %parallel_loop3A_307, %parallel_loop3A_308 : i32
        %parallel_loop3A_310 = arith.index_cast %parallel_loop3A_309 : i32 to index
        %parallel_loop3A_311 = tpu.vector_load %arg8[%parallel_loop3A_310] {strides = array<i32>} : memref<6400xf32, #tpu.memory_space<vmem>>, vector<16xf32>,
        tpu.vector_store_idx %arg10[%parallel_loop3A_305], %parallel_loop3A_311 {add = true} : memref<100352xf32, #tpu.memory_space<vmem>>[vector<16xi32>], vector<16xf32>,
        %parallel_loop3A_312 = arith.index_cast %parallel_loop3A_248 : i32 to index
        %parallel_loop3A_313 = arith.constant 112 : index
        %parallel_loop3A_314 = tpu.vector_load %arg6[%parallel_loop3A_312, %parallel_loop3A_313] {strides = array<i32>} : memref<50x128xi32, #tpu.memory_space<vmem>>, vector<16xi32>,
        %parallel_loop3A_315 = arith.constant 128 : i32
        %parallel_loop3A_316 = arith.muli %parallel_loop3A_248, %parallel_loop3A_315 : i32
        %parallel_loop3A_317 = arith.constant 112 : i32
        %parallel_loop3A_318 = arith.addi %parallel_loop3A_316, %parallel_loop3A_317 : i32
        %parallel_loop3A_319 = arith.index_cast %parallel_loop3A_318 : i32 to index
        %parallel_loop3A_320 = tpu.vector_load %arg8[%parallel_loop3A_319] {strides = array<i32>} : memref<6400xf32, #tpu.memory_space<vmem>>, vector<16xf32>,
        tpu.vector_store_idx %arg10[%parallel_loop3A_314], %parallel_loop3A_320 {add = true} : memref<100352xf32, #tpu.memory_space<vmem>>[vector<16xi32>], vector<16xf32>,
      } {sc.loop_unroll_factor = 2 : i64, sc.parallel_access}
      %add3A_214 = arith.constant 2 : i32
      %add3A_215 = arith.addi %mul3A_192, %add3A_214 : i32
      %lt3A_216 = arith.cmpi slt, %add3A_215, %select_n3A : i32
      %convert_element_type3A_217 = arith.extui %lt3A_216 : i1 to i32
      %cond3A_218 = arith.constant 0 : i32
      %cond3A_219 = arith.cmpi ne, %convert_element_type3A_217, %cond3A_218 : i32
      scf.if %cond3A_219 {
        %add3A_248 = arith.constant 2 : i32
        %add3A_249 = arith.addi %mul3A_192, %add3A_248 : i32
        %mul3A_250 = arith.constant 50 : i32
        %mul3A_251 = arith.muli %add3A_249, %mul3A_250 : i32
        %add3A_252 = arith.addi %mul3A_9, %mul3A_251 : i32
        %dma_start3A_253 = arith.constant 1 : i32
        %dma_start3A_254 = arith.constant 0 : i32
        %dma_start3A_255 = arith.constant 0 : i32
        %dma_start3A_256 = tpu.memref_slice %arg2[%add3A_252, %dma_start3A_253, %dma_start3A_255] : memref<50000x2x128xi32, #tpu.memory_space<hbm>> -> memref<50x1x128xi32, #tpu.memory_space<hbm>>
        %dma_start3A_257 = tpu.memref_squeeze %dma_start3A_256 : memref<50x1x128xi32, #tpu.memory_space<hbm>> -> memref<50x128xi32, #tpu.memory_space<hbm>>
        %dma_start3A_258 = tpu.memref_slice %arg11[%dma_start3A_254] : memref<2x!tpu.dma_semaphore, #tpu.memory_space<semaphore_mem>> -> memref<1x!tpu.dma_semaphore, #tpu.memory_space<semaphore_mem>>
        %dma_start3A_259 = tpu.memref_squeeze %dma_start3A_258 : memref<1x!tpu.dma_semaphore, #tpu.memory_space<semaphore_mem>> -> memref<!tpu.dma_semaphore, #tpu.memory_space<semaphore_mem>>
        %dma_start3A_260 = arith.constant 0 : i32
        %dma_start3A_261 = tpu.memref_slice %arg2[%add3A_252, %dma_start3A_253, %dma_start3A_260] : memref<50000x2x128xi32, #tpu.memory_space<hbm>> -> memref<50x1x128xi32, #tpu.memory_space<hbm>>
        %dma_start3A_262 = tpu.memref_squeeze %dma_start3A_261 : memref<50x1x128xi32, #tpu.memory_space<hbm>> -> memref<50x128xi32, #tpu.memory_space<hbm>>
        tpu.enqueue_dma source(%dma_start3A_262 : memref<50x128xi32, #tpu.memory_space<hbm>>) target(%arg6 : memref<50x128xi32, #tpu.memory_space<vmem>>) target_semaphore(%dma_start3A_259 : memref<!tpu.dma_semaphore, #tpu.memory_space<semaphore_mem>>)
        %mul3A_263 = arith.constant 128 : i32
        %mul3A_264 = arith.muli %add3A_252, %mul3A_263 : i32
        %dma_start3A_265 = arith.constant 0 : i32
        %dma_start3A_266 = tpu.memref_slice %arg3[%mul3A_264] : memref<6400000xf32, #tpu.memory_space<hbm>> -> memref<6400xf32, #tpu.memory_space<hbm>>
        %dma_start3A_267 = tpu.memref_slice %arg11[%dma_start3A_265] : memref<2x!tpu.dma_semaphore, #tpu.memory_space<semaphore_mem>> -> memref<1x!tpu.dma_semaphore, #tpu.memory_space<semaphore_mem>>
        %dma_start3A_268 = tpu.memref_squeeze %dma_start3A_267 : memref<1x!tpu.dma_semaphore, #tpu.memory_space<semaphore_mem>> -> memref<!tpu.dma_semaphore, #tpu.memory_space<semaphore_mem>>
        %dma_start3A_269 = tpu.memref_slice %arg3[%mul3A_264] : memref<6400000xf32, #tpu.memory_space<hbm>> -> memref<6400xf32, #tpu.memory_space<hbm>>
        tpu.enqueue_dma source(%dma_start3A_269 : memref<6400xf32, #tpu.memory_space<hbm>>) target(%arg8 : memref<6400xf32, #tpu.memory_space<vmem>>) target_semaphore(%dma_start3A_268 : memref<!tpu.dma_semaphore, #tpu.memory_space<semaphore_mem>>)
      } else {
      }
      %dma_wait3A_220 = arith.constant 1 : i32
      %dma_wait3A_221 = arith.constant 1 : i32
      %dma_wait3A_222 = arith.constant 0 : i32
      %dma_wait3A_223 = arith.constant 0 : i32
      %dma_wait3A_224 = tpu.memref_slice %arg2[%dma_wait3A_222, %dma_wait3A_220, %dma_wait3A_223] : memref<50000x2x128xi32, #tpu.memory_space<hbm>> -> memref<50x1x128xi32, #tpu.memory_space<hbm>>
      %dma_wait3A_225 = tpu.memref_squeeze %dma_wait3A_224 : memref<50x1x128xi32, #tpu.memory_space<hbm>> -> memref<50x128xi32, #tpu.memory_space<hbm>>
      %dma_wait3A_226 = tpu.memref_slice %arg11[%dma_wait3A_221] : memref<2x!tpu.dma_semaphore, #tpu.memory_space<semaphore_mem>> -> memref<1x!tpu.dma_semaphore, #tpu.memory_space<semaphore_mem>>
      %dma_wait3A_227 = tpu.memref_squeeze %dma_wait3A_226 : memref<1x!tpu.dma_semaphore, #tpu.memory_space<semaphore_mem>> -> memref<!tpu.dma_semaphore, #tpu.memory_space<semaphore_mem>>
      %dma_wait3A_228 = arith.constant 0 : i32
      %dma_wait3A_229 = arith.constant 0 : i32
      %dma_wait3A_230 = tpu.memref_slice %arg2[%dma_wait3A_228, %dma_wait3A_220, %dma_wait3A_229] : memref<50000x2x128xi32, #tpu.memory_space<hbm>> -> memref<50x1x128xi32, #tpu.memory_space<hbm>>
      %dma_wait3A_231 = tpu.memref_squeeze %dma_wait3A_230 : memref<50x1x128xi32, #tpu.memory_space<hbm>> -> memref<50x128xi32, #tpu.memory_space<hbm>>
      tpu.wait_dma2 semaphore(%dma_wait3A_227 : memref<!tpu.dma_semaphore, #tpu.memory_space<semaphore_mem>>) src(%dma_wait3A_231 : memref<50x128xi32, #tpu.memory_space<hbm>>) dst(%arg7 : memref<50x128xi32, #tpu.memory_space<vmem>>)
      %dma_wait3A_232 = arith.constant 1 : i32
      %dma_wait3A_233 = arith.constant 0 : i32
      %dma_wait3A_234 = tpu.memref_slice %arg3[%dma_wait3A_233] : memref<6400000xf32, #tpu.memory_space<hbm>> -> memref<6400xf32, #tpu.memory_space<hbm>>
      %dma_wait3A_235 = tpu.memref_slice %arg11[%dma_wait3A_232] : memref<2x!tpu.dma_semaphore, #tpu.memory_space<semaphore_mem>> -> memref<1x!tpu.dma_semaphore, #tpu.memory_space<semaphore_mem>>
      %dma_wait3A_236 = tpu.memref_squeeze %dma_wait3A_235 : memref<1x!tpu.dma_semaphore, #tpu.memory_space<semaphore_mem>> -> memref<!tpu.dma_semaphore, #tpu.memory_space<semaphore_mem>>
      %dma_wait3A_237 = arith.constant 0 : i32
      %dma_wait3A_238 = tpu.memref_slice %arg3[%dma_wait3A_237] : memref<6400000xf32, #tpu.memory_space<hbm>> -> memref<6400xf32, #tpu.memory_space<hbm>>
      tpu.wait_dma2 semaphore(%dma_wait3A_236 : memref<!tpu.dma_semaphore, #tpu.memory_space<semaphore_mem>>) src(%dma_wait3A_238 : memref<6400xf32, #tpu.memory_space<hbm>>) dst(%arg9 : memref<6400xf32, #tpu.memory_space<vmem>>)
      %parallel_loop3A_239 = arith.constant 0 : i32
      %parallel_loop3A_240 = arith.constant 50 : i32
      %parallel_loop3A_241 = arith.constant 1 : i32
      scf.for %parallel_loop3A_248 = %parallel_loop3A_239 to %parallel_loop3A_240 step %parallel_loop3A_241  : i32 {
        %parallel_loop3A_249 = arith.index_cast %parallel_loop3A_248 : i32 to index
        %parallel_loop3A_250 = arith.constant 0 : index
        %parallel_loop3A_251 = tpu.vector_load %arg7[%parallel_loop3A_249, %parallel_loop3A_250] {strides = array<i32>} : memref<50x128xi32, #tpu.memory_space<vmem>>, vector<16xi32>,
        %parallel_loop3A_252 = arith.constant 128 : i32
        %parallel_loop3A_253 = arith.muli %parallel_loop3A_248, %parallel_loop3A_252 : i32
        %parallel_loop3A_254 = arith.constant 0 : i32
        %parallel_loop3A_255 = arith.addi %parallel_loop3A_253, %parallel_loop3A_254 : i32
        %parallel_loop3A_256 = arith.index_cast %parallel_loop3A_255 : i32 to index
        %parallel_loop3A_257 = tpu.vector_load %arg9[%parallel_loop3A_256] {strides = array<i32>} : memref<6400xf32, #tpu.memory_space<vmem>>, vector<16xf32>,
        tpu.vector_store_idx %arg10[%parallel_loop3A_251], %parallel_loop3A_257 {add = true} : memref<100352xf32, #tpu.memory_space<vmem>>[vector<16xi32>], vector<16xf32>,
        %parallel_loop3A_258 = arith.index_cast %parallel_loop3A_248 : i32 to index
        %parallel_loop3A_259 = arith.constant 16 : index
        %parallel_loop3A_260 = tpu.vector_load %arg7[%parallel_loop3A_258, %parallel_loop3A_259] {strides = array<i32>} : memref<50x128xi32, #tpu.memory_space<vmem>>, vector<16xi32>,
        %parallel_loop3A_261 = arith.constant 128 : i32
        %parallel_loop3A_262 = arith.muli %parallel_loop3A_248, %parallel_loop3A_261 : i32
        %parallel_loop3A_263 = arith.constant 16 : i32
        %parallel_loop3A_264 = arith.addi %parallel_loop3A_262, %parallel_loop3A_263 : i32
        %parallel_loop3A_265 = arith.index_cast %parallel_loop3A_264 : i32 to index
        %parallel_loop3A_266 = tpu.vector_load %arg9[%parallel_loop3A_265] {strides = array<i32>} : memref<6400xf32, #tpu.memory_space<vmem>>, vector<16xf32>,
        tpu.vector_store_idx %arg10[%parallel_loop3A_260], %parallel_loop3A_266 {add = true} : memref<100352xf32, #tpu.memory_space<vmem>>[vector<16xi32>], vector<16xf32>,
        %parallel_loop3A_267 = arith.index_cast %parallel_loop3A_248 : i32 to index
        %parallel_loop3A_268 = arith.constant 32 : index
        %parallel_loop3A_269 = tpu.vector_load %arg7[%parallel_loop3A_267, %parallel_loop3A_268] {strides = array<i32>} : memref<50x128xi32, #tpu.memory_space<vmem>>, vector<16xi32>,
        %parallel_loop3A_270 = arith.constant 128 : i32
        %parallel_loop3A_271 = arith.muli %parallel_loop3A_248, %parallel_loop3A_270 : i32
        %parallel_loop3A_272 = arith.constant 32 : i32
        %parallel_loop3A_273 = arith.addi %parallel_loop3A_271, %parallel_loop3A_272 : i32
        %parallel_loop3A_274 = arith.index_cast %parallel_loop3A_273 : i32 to index
        %parallel_loop3A_275 = tpu.vector_load %arg9[%parallel_loop3A_274] {strides = array<i32>} : memref<6400xf32, #tpu.memory_space<vmem>>, vector<16xf32>,
        tpu.vector_store_idx %arg10[%parallel_loop3A_269], %parallel_loop3A_275 {add = true} : memref<100352xf32, #tpu.memory_space<vmem>>[vector<16xi32>], vector<16xf32>,
        %parallel_loop3A_276 = arith.index_cast %parallel_loop3A_248 : i32 to index
        %parallel_loop3A_277 = arith.constant 48 : index
        %parallel_loop3A_278 = tpu.vector_load %arg7[%parallel_loop3A_276, %parallel_loop3A_277] {strides = array<i32>} : memref<50x128xi32, #tpu.memory_space<vmem>>, vector<16xi32>,
        %parallel_loop3A_279 = arith.constant 128 : i32
        %parallel_loop3A_280 = arith.muli %parallel_loop3A_248, %parallel_loop3A_279 : i32
        %parallel_loop3A_281 = arith.constant 48 : i32
        %parallel_loop3A_282 = arith.addi %parallel_loop3A_280, %parallel_loop3A_281 : i32
        %parallel_loop3A_283 = arith.index_cast %parallel_loop3A_282 : i32 to index
        %parallel_loop3A_284 = tpu.vector_load %arg9[%parallel_loop3A_283] {strides = array<i32>} : memref<6400xf32, #tpu.memory_space<vmem>>, vector<16xf32>,
        tpu.vector_store_idx %arg10[%parallel_loop3A_278], %parallel_loop3A_284 {add = true} : memref<100352xf32, #tpu.memory_space<vmem>>[vector<16xi32>], vector<16xf32>,
        %parallel_loop3A_285 = arith.index_cast %parallel_loop3A_248 : i32 to index
        %parallel_loop3A_286 = arith.constant 64 : index
        %parallel_loop3A_287 = tpu.vector_load %arg7[%parallel_loop3A_285, %parallel_loop3A_286] {strides = array<i32>} : memref<50x128xi32, #tpu.memory_space<vmem>>, vector<16xi32>,
        %parallel_loop3A_288 = arith.constant 128 : i32
        %parallel_loop3A_289 = arith.muli %parallel_loop3A_248, %parallel_loop3A_288 : i32
        %parallel_loop3A_290 = arith.constant 64 : i32
        %parallel_loop3A_291 = arith.addi %parallel_loop3A_289, %parallel_loop3A_290 : i32
        %parallel_loop3A_292 = arith.index_cast %parallel_loop3A_291 : i32 to index
        %parallel_loop3A_293 = tpu.vector_load %arg9[%parallel_loop3A_292] {strides = array<i32>} : memref<6400xf32, #tpu.memory_space<vmem>>, vector<16xf32>,
        tpu.vector_store_idx %arg10[%parallel_loop3A_287], %parallel_loop3A_293 {add = true} : memref<100352xf32, #tpu.memory_space<vmem>>[vector<16xi32>], vector<16xf32>,
        %parallel_loop3A_294 = arith.index_cast %parallel_loop3A_248 : i32 to index
        %parallel_loop3A_295 = arith.constant 80 : index
        %parallel_loop3A_296 = tpu.vector_load %arg7[%parallel_loop3A_294, %parallel_loop3A_295] {strides = array<i32>} : memref<50x128xi32, #tpu.memory_space<vmem>>, vector<16xi32>,
        %parallel_loop3A_297 = arith.constant 128 : i32
        %parallel_loop3A_298 = arith.muli %parallel_loop3A_248, %parallel_loop3A_297 : i32
        %parallel_loop3A_299 = arith.constant 80 : i32
        %parallel_loop3A_300 = arith.addi %parallel_loop3A_298, %parallel_loop3A_299 : i32
        %parallel_loop3A_301 = arith.index_cast %parallel_loop3A_300 : i32 to index
        %parallel_loop3A_302 = tpu.vector_load %arg9[%parallel_loop3A_301] {strides = array<i32>} : memref<6400xf32, #tpu.memory_space<vmem>>, vector<16xf32>,
        tpu.vector_store_idx %arg10[%parallel_loop3A_296], %parallel_loop3A_302 {add = true} : memref<100352xf32, #tpu.memory_space<vmem>>[vector<16xi32>], vector<16xf32>,
        %parallel_loop3A_303 = arith.index_cast %parallel_loop3A_248 : i32 to index
        %parallel_loop3A_304 = arith.constant 96 : index
        %parallel_loop3A_305 = tpu.vector_load %arg7[%parallel_loop3A_303, %parallel_loop3A_304] {strides = array<i32>} : memref<50x128xi32, #tpu.memory_space<vmem>>, vector<16xi32>,
        %parallel_loop3A_306 = arith.constant 128 : i32
        %parallel_loop3A_307 = arith.muli %parallel_loop3A_248, %parallel_loop3A_306 : i32
        %parallel_loop3A_308 = arith.constant 96 : i32
        %parallel_loop3A_309 = arith.addi %parallel_loop3A_307, %parallel_loop3A_308 : i32
        %parallel_loop3A_310 = arith.index_cast %parallel_loop3A_309 : i32 to index
        %parallel_loop3A_311 = tpu.vector_load %arg9[%parallel_loop3A_310] {strides = array<i32>} : memref<6400xf32, #tpu.memory_space<vmem>>, vector<16xf32>,
        tpu.vector_store_idx %arg10[%parallel_loop3A_305], %parallel_loop3A_311 {add = true} : memref<100352xf32, #tpu.memory_space<vmem>>[vector<16xi32>], vector<16xf32>,
        %parallel_loop3A_312 = arith.index_cast %parallel_loop3A_248 : i32 to index
        %parallel_loop3A_313 = arith.constant 112 : index
        %parallel_loop3A_314 = tpu.vector_load %arg7[%parallel_loop3A_312, %parallel_loop3A_313] {strides = array<i32>} : memref<50x128xi32, #tpu.memory_space<vmem>>, vector<16xi32>,
        %parallel_loop3A_315 = arith.constant 128 : i32
        %parallel_loop3A_316 = arith.muli %parallel_loop3A_248, %parallel_loop3A_315 : i32
        %parallel_loop3A_317 = arith.constant 112 : i32
        %parallel_loop3A_318 = arith.addi %parallel_loop3A_316, %parallel_loop3A_317 : i32
        %parallel_loop3A_319 = arith.index_cast %parallel_loop3A_318 : i32 to index
        %parallel_loop3A_320 = tpu.vector_load %arg9[%parallel_loop3A_319] {strides = array<i32>} : memref<6400xf32, #tpu.memory_space<vmem>>, vector<16xf32>,
        tpu.vector_store_idx %arg10[%parallel_loop3A_314], %parallel_loop3A_320 {add = true} : memref<100352xf32, #tpu.memory_space<vmem>>[vector<16xi32>], vector<16xf32>,
      } {sc.loop_unroll_factor = 2 : i64, sc.parallel_access}
      %add3A_242 = arith.constant 3 : i32
      %add3A_243 = arith.addi %mul3A_192, %add3A_242 : i32
      %lt3A_244 = arith.cmpi slt, %add3A_243, %select_n3A : i32
      %convert_element_type3A_245 = arith.extui %lt3A_244 : i1 to i32
      %cond3A_246 = arith.constant 0 : i32
      %cond3A_247 = arith.cmpi ne, %convert_element_type3A_245, %cond3A_246 : i32
      scf.if %cond3A_247 {
        %add3A_248 = arith.constant 3 : i32
        %add3A_249 = arith.addi %mul3A_192, %add3A_248 : i32
        %mul3A_250 = arith.constant 50 : i32
        %mul3A_251 = arith.muli %add3A_249, %mul3A_250 : i32
        %add3A_252 = arith.addi %mul3A_9, %mul3A_251 : i32
        %dma_start3A_253 = arith.constant 1 : i32
        %dma_start3A_254 = arith.constant 1 : i32
        %dma_start3A_255 = arith.constant 0 : i32
        %dma_start3A_256 = tpu.memref_slice %arg2[%add3A_252, %dma_start3A_253, %dma_start3A_255] : memref<50000x2x128xi32, #tpu.memory_space<hbm>> -> memref<50x1x128xi32, #tpu.memory_space<hbm>>
        %dma_start3A_257 = tpu.memref_squeeze %dma_start3A_256 : memref<50x1x128xi32, #tpu.memory_space<hbm>> -> memref<50x128xi32, #tpu.memory_space<hbm>>
        %dma_start3A_258 = tpu.memref_slice %arg11[%dma_start3A_254] : memref<2x!tpu.dma_semaphore, #tpu.memory_space<semaphore_mem>> -> memref<1x!tpu.dma_semaphore, #tpu.memory_space<semaphore_mem>>
        %dma_start3A_259 = tpu.memref_squeeze %dma_start3A_258 : memref<1x!tpu.dma_semaphore, #tpu.memory_space<semaphore_mem>> -> memref<!tpu.dma_semaphore, #tpu.memory_space<semaphore_mem>>
        %dma_start3A_260 = arith.constant 0 : i32
        %dma_start3A_261 = tpu.memref_slice %arg2[%add3A_252, %dma_start3A_253, %dma_start3A_260] : memref<50000x2x128xi32, #tpu.memory_space<hbm>> -> memref<50x1x128xi32, #tpu.memory_space<hbm>>
        %dma_start3A_262 = tpu.memref_squeeze %dma_start3A_261 : memref<50x1x128xi32, #tpu.memory_space<hbm>> -> memref<50x128xi32, #tpu.memory_space<hbm>>
        tpu.enqueue_dma source(%dma_start3A_262 : memref<50x128xi32, #tpu.memory_space<hbm>>) target(%arg7 : memref<50x128xi32, #tpu.memory_space<vmem>>) target_semaphore(%dma_start3A_259 : memref<!tpu.dma_semaphore, #tpu.memory_space<semaphore_mem>>)
        %mul3A_263 = arith.constant 128 : i32
        %mul3A_264 = arith.muli %add3A_252, %mul3A_263 : i32
        %dma_start3A_265 = arith.constant 1 : i32
        %dma_start3A_266 = tpu.memref_slice %arg3[%mul3A_264] : memref<6400000xf32, #tpu.memory_space<hbm>> -> memref<6400xf32, #tpu.memory_space<hbm>>
        %dma_start3A_267 = tpu.memref_slice %arg11[%dma_start3A_265] : memref<2x!tpu.dma_semaphore, #tpu.memory_space<semaphore_mem>> -> memref<1x!tpu.dma_semaphore, #tpu.memory_space<semaphore_mem>>
        %dma_start3A_268 = tpu.memref_squeeze %dma_start3A_267 : memref<1x!tpu.dma_semaphore, #tpu.memory_space<semaphore_mem>> -> memref<!tpu.dma_semaphore, #tpu.memory_space<semaphore_mem>>
        %dma_start3A_269 = tpu.memref_slice %arg3[%mul3A_264] : memref<6400000xf32, #tpu.memory_space<hbm>> -> memref<6400xf32, #tpu.memory_space<hbm>>
        tpu.enqueue_dma source(%dma_start3A_269 : memref<6400xf32, #tpu.memory_space<hbm>>) target(%arg9 : memref<6400xf32, #tpu.memory_space<vmem>>) target_semaphore(%dma_start3A_268 : memref<!tpu.dma_semaphore, #tpu.memory_space<semaphore_mem>>)
      } else {
      }
    }
    %jit3A_169 = arith.constant 2 : i32
    %eq3A_170 = arith.constant 0 : i32
    %eq3A_171 = arith.cmpi eq, %jit3A_169, %eq3A_170 : i32
    %jit3A_172 = arith.constant 1 : i32
    %select_n3A_173 = arith.select %eq3A_171, %jit3A_172, %jit3A_169 : i32
    %rem3A_174 = arith.remsi %select_n3A, %select_n3A_173 : i32
    %ne3A_175 = arith.constant 0 : i32
    %ne3A_176 = arith.cmpi ne, %rem3A_174, %ne3A_175 : i32
    %lt3A_177 = arith.constant 0 : i32
    %lt3A_178 = arith.cmpi slt, %rem3A_174, %lt3A_177 : i32
    %lt3A_179 = arith.constant 0 : i32
    %lt3A_180 = arith.cmpi slt, %select_n3A_173, %lt3A_179 : i32
    %ne3A_181 = arith.xori %lt3A_178, %lt3A_180 : i1
    %and3A_182 = arith.andi %ne3A_181, %ne3A_176 : i1
    %add3A_183 = arith.addi %rem3A_174, %select_n3A_173 : i32
    %select_n3A_184 = arith.select %and3A_182, %add3A_183, %rem3A_174 : i32
    %eq3A_185 = arith.constant 1 : i32
    %eq3A_186 = arith.cmpi eq, %select_n3A_184, %eq3A_185 : i32
    %convert_element_type3A_187 = arith.extui %eq3A_186 : i1 to i32
    %cond3A_188 = arith.constant 0 : i32
    %cond3A_189 = arith.cmpi ne, %convert_element_type3A_187, %cond3A_188 : i32
    scf.if %cond3A_189 {
      %dma_wait3A = arith.constant 1 : i32
      %dma_wait3A_190 = arith.constant 0 : i32
      %dma_wait3A_191 = arith.constant 0 : i32
      %dma_wait3A_192 = arith.constant 0 : i32
      %dma_wait3A_193 = tpu.memref_slice %arg2[%dma_wait3A_191, %dma_wait3A, %dma_wait3A_192] : memref<50000x2x128xi32, #tpu.memory_space<hbm>> -> memref<50x1x128xi32, #tpu.memory_space<hbm>>
      %dma_wait3A_194 = tpu.memref_squeeze %dma_wait3A_193 : memref<50x1x128xi32, #tpu.memory_space<hbm>> -> memref<50x128xi32, #tpu.memory_space<hbm>>
      %dma_wait3A_195 = tpu.memref_slice %arg11[%dma_wait3A_190] : memref<2x!tpu.dma_semaphore, #tpu.memory_space<semaphore_mem>> -> memref<1x!tpu.dma_semaphore, #tpu.memory_space<semaphore_mem>>
      %dma_wait3A_196 = tpu.memref_squeeze %dma_wait3A_195 : memref<1x!tpu.dma_semaphore, #tpu.memory_space<semaphore_mem>> -> memref<!tpu.dma_semaphore, #tpu.memory_space<semaphore_mem>>
      %dma_wait3A_197 = arith.constant 0 : i32
      %dma_wait3A_198 = arith.constant 0 : i32
      %dma_wait3A_199 = tpu.memref_slice %arg2[%dma_wait3A_197, %dma_wait3A, %dma_wait3A_198] : memref<50000x2x128xi32, #tpu.memory_space<hbm>> -> memref<50x1x128xi32, #tpu.memory_space<hbm>>
      %dma_wait3A_200 = tpu.memref_squeeze %dma_wait3A_199 : memref<50x1x128xi32, #tpu.memory_space<hbm>> -> memref<50x128xi32, #tpu.memory_space<hbm>>
      tpu.wait_dma2 semaphore(%dma_wait3A_196 : memref<!tpu.dma_semaphore, #tpu.memory_space<semaphore_mem>>) src(%dma_wait3A_200 : memref<50x128xi32, #tpu.memory_space<hbm>>) dst(%arg6 : memref<50x128xi32, #tpu.memory_space<vmem>>)
      %dma_wait3A_201 = arith.constant 0 : i32
      %dma_wait3A_202 = arith.constant 0 : i32
      %dma_wait3A_203 = tpu.memref_slice %arg3[%dma_wait3A_202] : memref<6400000xf32, #tpu.memory_space<hbm>> -> memref<6400xf32, #tpu.memory_space<hbm>>
      %dma_wait3A_204 = tpu.memref_slice %arg11[%dma_wait3A_201] : memref<2x!tpu.dma_semaphore, #tpu.memory_space<semaphore_mem>> -> memref<1x!tpu.dma_semaphore, #tpu.memory_space<semaphore_mem>>
      %dma_wait3A_205 = tpu.memref_squeeze %dma_wait3A_204 : memref<1x!tpu.dma_semaphore, #tpu.memory_space<semaphore_mem>> -> memref<!tpu.dma_semaphore, #tpu.memory_space<semaphore_mem>>
      %dma_wait3A_206 = arith.constant 0 : i32
      %dma_wait3A_207 = tpu.memref_slice %arg3[%dma_wait3A_206] : memref<6400000xf32, #tpu.memory_space<hbm>> -> memref<6400xf32, #tpu.memory_space<hbm>>
      tpu.wait_dma2 semaphore(%dma_wait3A_205 : memref<!tpu.dma_semaphore, #tpu.memory_space<semaphore_mem>>) src(%dma_wait3A_207 : memref<6400xf32, #tpu.memory_space<hbm>>) dst(%arg8 : memref<6400xf32, #tpu.memory_space<vmem>>)
      %parallel_loop3A_208 = arith.constant 0 : i32
      %parallel_loop3A_209 = arith.constant 50 : i32
      %parallel_loop3A_210 = arith.constant 1 : i32
      scf.for %parallel_loop3A_211 = %parallel_loop3A_208 to %parallel_loop3A_209 step %parallel_loop3A_210  : i32 {
        %parallel_loop3A_212 = arith.index_cast %parallel_loop3A_211 : i32 to index
        %parallel_loop3A_213 = arith.constant 0 : index
        %parallel_loop3A_214 = tpu.vector_load %arg6[%parallel_loop3A_212, %parallel_loop3A_213] {strides = array<i32>} : memref<50x128xi32, #tpu.memory_space<vmem>>, vector<16xi32>,
        %parallel_loop3A_215 = arith.constant 128 : i32
        %parallel_loop3A_216 = arith.muli %parallel_loop3A_211, %parallel_loop3A_215 : i32
        %parallel_loop3A_217 = arith.constant 0 : i32
        %parallel_loop3A_218 = arith.addi %parallel_loop3A_216, %parallel_loop3A_217 : i32
        %parallel_loop3A_219 = arith.index_cast %parallel_loop3A_218 : i32 to index
        %parallel_loop3A_220 = tpu.vector_load %arg8[%parallel_loop3A_219] {strides = array<i32>} : memref<6400xf32, #tpu.memory_space<vmem>>, vector<16xf32>,
        tpu.vector_store_idx %arg10[%parallel_loop3A_214], %parallel_loop3A_220 {add = true} : memref<100352xf32, #tpu.memory_space<vmem>>[vector<16xi32>], vector<16xf32>,
        %parallel_loop3A_221 = arith.index_cast %parallel_loop3A_211 : i32 to index
        %parallel_loop3A_222 = arith.constant 16 : index
        %parallel_loop3A_223 = tpu.vector_load %arg6[%parallel_loop3A_221, %parallel_loop3A_222] {strides = array<i32>} : memref<50x128xi32, #tpu.memory_space<vmem>>, vector<16xi32>,
        %parallel_loop3A_224 = arith.constant 128 : i32
        %parallel_loop3A_225 = arith.muli %parallel_loop3A_211, %parallel_loop3A_224 : i32
        %parallel_loop3A_226 = arith.constant 16 : i32
        %parallel_loop3A_227 = arith.addi %parallel_loop3A_225, %parallel_loop3A_226 : i32
        %parallel_loop3A_228 = arith.index_cast %parallel_loop3A_227 : i32 to index
        %parallel_loop3A_229 = tpu.vector_load %arg8[%parallel_loop3A_228] {strides = array<i32>} : memref<6400xf32, #tpu.memory_space<vmem>>, vector<16xf32>,
        tpu.vector_store_idx %arg10[%parallel_loop3A_223], %parallel_loop3A_229 {add = true} : memref<100352xf32, #tpu.memory_space<vmem>>[vector<16xi32>], vector<16xf32>,
        %parallel_loop3A_230 = arith.index_cast %parallel_loop3A_211 : i32 to index
        %parallel_loop3A_231 = arith.constant 32 : index
        %parallel_loop3A_232 = tpu.vector_load %arg6[%parallel_loop3A_230, %parallel_loop3A_231] {strides = array<i32>} : memref<50x128xi32, #tpu.memory_space<vmem>>, vector<16xi32>,
        %parallel_loop3A_233 = arith.constant 128 : i32
        %parallel_loop3A_234 = arith.muli %parallel_loop3A_211, %parallel_loop3A_233 : i32
        %parallel_loop3A_235 = arith.constant 32 : i32
        %parallel_loop3A_236 = arith.addi %parallel_loop3A_234, %parallel_loop3A_235 : i32
        %parallel_loop3A_237 = arith.index_cast %parallel_loop3A_236 : i32 to index
        %parallel_loop3A_238 = tpu.vector_load %arg8[%parallel_loop3A_237] {strides = array<i32>} : memref<6400xf32, #tpu.memory_space<vmem>>, vector<16xf32>,
        tpu.vector_store_idx %arg10[%parallel_loop3A_232], %parallel_loop3A_238 {add = true} : memref<100352xf32, #tpu.memory_space<vmem>>[vector<16xi32>], vector<16xf32>,
        %parallel_loop3A_239 = arith.index_cast %parallel_loop3A_211 : i32 to index
        %parallel_loop3A_240 = arith.constant 48 : index
        %parallel_loop3A_241 = tpu.vector_load %arg6[%parallel_loop3A_239, %parallel_loop3A_240] {strides = array<i32>} : memref<50x128xi32, #tpu.memory_space<vmem>>, vector<16xi32>,
        %parallel_loop3A_242 = arith.constant 128 : i32
        %parallel_loop3A_243 = arith.muli %parallel_loop3A_211, %parallel_loop3A_242 : i32
        %parallel_loop3A_244 = arith.constant 48 : i32
        %parallel_loop3A_245 = arith.addi %parallel_loop3A_243, %parallel_loop3A_244 : i32
        %parallel_loop3A_246 = arith.index_cast %parallel_loop3A_245 : i32 to index
        %parallel_loop3A_247 = tpu.vector_load %arg8[%parallel_loop3A_246] {strides = array<i32>} : memref<6400xf32, #tpu.memory_space<vmem>>, vector<16xf32>,
        tpu.vector_store_idx %arg10[%parallel_loop3A_241], %parallel_loop3A_247 {add = true} : memref<100352xf32, #tpu.memory_space<vmem>>[vector<16xi32>], vector<16xf32>,
        %parallel_loop3A_248 = arith.index_cast %parallel_loop3A_211 : i32 to index
        %parallel_loop3A_249 = arith.constant 64 : index
        %parallel_loop3A_250 = tpu.vector_load %arg6[%parallel_loop3A_248, %parallel_loop3A_249] {strides = array<i32>} : memref<50x128xi32, #tpu.memory_space<vmem>>, vector<16xi32>,
        %parallel_loop3A_251 = arith.constant 128 : i32
        %parallel_loop3A_252 = arith.muli %parallel_loop3A_211, %parallel_loop3A_251 : i32
        %parallel_loop3A_253 = arith.constant 64 : i32
        %parallel_loop3A_254 = arith.addi %parallel_loop3A_252, %parallel_loop3A_253 : i32
        %parallel_loop3A_255 = arith.index_cast %parallel_loop3A_254 : i32 to index
        %parallel_loop3A_256 = tpu.vector_load %arg8[%parallel_loop3A_255] {strides = array<i32>} : memref<6400xf32, #tpu.memory_space<vmem>>, vector<16xf32>,
        tpu.vector_store_idx %arg10[%parallel_loop3A_250], %parallel_loop3A_256 {add = true} : memref<100352xf32, #tpu.memory_space<vmem>>[vector<16xi32>], vector<16xf32>,
        %parallel_loop3A_257 = arith.index_cast %parallel_loop3A_211 : i32 to index
        %parallel_loop3A_258 = arith.constant 80 : index
        %parallel_loop3A_259 = tpu.vector_load %arg6[%parallel_loop3A_257, %parallel_loop3A_258] {strides = array<i32>} : memref<50x128xi32, #tpu.memory_space<vmem>>, vector<16xi32>,
        %parallel_loop3A_260 = arith.constant 128 : i32
        %parallel_loop3A_261 = arith.muli %parallel_loop3A_211, %parallel_loop3A_260 : i32
        %parallel_loop3A_262 = arith.constant 80 : i32
        %parallel_loop3A_263 = arith.addi %parallel_loop3A_261, %parallel_loop3A_262 : i32
        %parallel_loop3A_264 = arith.index_cast %parallel_loop3A_263 : i32 to index
        %parallel_loop3A_265 = tpu.vector_load %arg8[%parallel_loop3A_264] {strides = array<i32>} : memref<6400xf32, #tpu.memory_space<vmem>>, vector<16xf32>,
        tpu.vector_store_idx %arg10[%parallel_loop3A_259], %parallel_loop3A_265 {add = true} : memref<100352xf32, #tpu.memory_space<vmem>>[vector<16xi32>], vector<16xf32>,
        %parallel_loop3A_266 = arith.index_cast %parallel_loop3A_211 : i32 to index
        %parallel_loop3A_267 = arith.constant 96 : index
        %parallel_loop3A_268 = tpu.vector_load %arg6[%parallel_loop3A_266, %parallel_loop3A_267] {strides = array<i32>} : memref<50x128xi32, #tpu.memory_space<vmem>>, vector<16xi32>,
        %parallel_loop3A_269 = arith.constant 128 : i32
        %parallel_loop3A_270 = arith.muli %parallel_loop3A_211, %parallel_loop3A_269 : i32
        %parallel_loop3A_271 = arith.constant 96 : i32
        %parallel_loop3A_272 = arith.addi %parallel_loop3A_270, %parallel_loop3A_271 : i32
        %parallel_loop3A_273 = arith.index_cast %parallel_loop3A_272 : i32 to index
        %parallel_loop3A_274 = tpu.vector_load %arg8[%parallel_loop3A_273] {strides = array<i32>} : memref<6400xf32, #tpu.memory_space<vmem>>, vector<16xf32>,
        tpu.vector_store_idx %arg10[%parallel_loop3A_268], %parallel_loop3A_274 {add = true} : memref<100352xf32, #tpu.memory_space<vmem>>[vector<16xi32>], vector<16xf32>,
        %parallel_loop3A_275 = arith.index_cast %parallel_loop3A_211 : i32 to index
        %parallel_loop3A_276 = arith.constant 112 : index
        %parallel_loop3A_277 = tpu.vector_load %arg6[%parallel_loop3A_275, %parallel_loop3A_276] {strides = array<i32>} : memref<50x128xi32, #tpu.memory_space<vmem>>, vector<16xi32>,
        %parallel_loop3A_278 = arith.constant 128 : i32
        %parallel_loop3A_279 = arith.muli %parallel_loop3A_211, %parallel_loop3A_278 : i32
        %parallel_loop3A_280 = arith.constant 112 : i32
        %parallel_loop3A_281 = arith.addi %parallel_loop3A_279, %parallel_loop3A_280 : i32
        %parallel_loop3A_282 = arith.index_cast %parallel_loop3A_281 : i32 to index
        %parallel_loop3A_283 = tpu.vector_load %arg8[%parallel_loop3A_282] {strides = array<i32>} : memref<6400xf32, #tpu.memory_space<vmem>>, vector<16xf32>,
        tpu.vector_store_idx %arg10[%parallel_loop3A_277], %parallel_loop3A_283 {add = true} : memref<100352xf32, #tpu.memory_space<vmem>>[vector<16xi32>], vector<16xf32>,
      } {sc.loop_unroll_factor = 2 : i64, sc.parallel_access}
    } else {
    }
    "tpu.region"() ({
      %run_scoped3A = tpu.sem_alloc : memref<!tpu.dma_semaphore, #tpu.memory_space<semaphore_mem>>
      %dma_start3A_190 = arith.constant 0 : i32
      %dma_start3A_191 = tpu.memref_slice %arg5[%add3A, %dma_start3A_190] : memref<32x100352xf32, #tpu.memory_space<hbm>> -> memref<1x100352xf32, #tpu.memory_space<hbm>>
      %dma_start3A_192 = tpu.memref_squeeze %dma_start3A_191 : memref<1x100352xf32, #tpu.memory_space<hbm>> -> memref<100352xf32, #tpu.memory_space<hbm>>
      %dma_start3A_193 = arith.constant 0 : i32
      %dma_start3A_194 = tpu.memref_slice %arg5[%add3A, %dma_start3A_193] : memref<32x100352xf32, #tpu.memory_space<hbm>> -> memref<1x100352xf32, #tpu.memory_space<hbm>>
      %dma_start3A_195 = tpu.memref_squeeze %dma_start3A_194 : memref<1x100352xf32, #tpu.memory_space<hbm>> -> memref<100352xf32, #tpu.memory_space<hbm>>
      tpu.enqueue_dma source(%arg10 : memref<100352xf32, #tpu.memory_space<vmem>>) target(%dma_start3A_195 : memref<100352xf32, #tpu.memory_space<hbm>>) target_semaphore(%run_scoped3A : memref<!tpu.dma_semaphore, #tpu.memory_space<semaphore_mem>>)
      %dma_wait3A = arith.constant 0 : i32
      %dma_wait3A_196 = tpu.memref_slice %arg5[%add3A, %dma_wait3A] : memref<32x100352xf32, #tpu.memory_space<hbm>> -> memref<1x100352xf32, #tpu.memory_space<hbm>>
      %dma_wait3A_197 = tpu.memref_squeeze %dma_wait3A_196 : memref<1x100352xf32, #tpu.memory_space<hbm>> -> memref<100352xf32, #tpu.memory_space<hbm>>
      %dma_wait3A_198 = arith.constant 0 : i32
      %dma_wait3A_199 = tpu.memref_slice %arg5[%add3A, %dma_wait3A_198] : memref<32x100352xf32, #tpu.memory_space<hbm>> -> memref<1x100352xf32, #tpu.memory_space<hbm>>
      %dma_wait3A_200 = tpu.memref_squeeze %dma_wait3A_199 : memref<1x100352xf32, #tpu.memory_space<hbm>> -> memref<100352xf32, #tpu.memory_space<hbm>>
      tpu.wait_dma2 semaphore(%run_scoped3A : memref<!tpu.dma_semaphore, #tpu.memory_space<semaphore_mem>>) src(%arg10 : memref<100352xf32, #tpu.memory_space<vmem>>) dst(%dma_wait3A_200 : memref<100352xf32, #tpu.memory_space<hbm>>)
      tpu.yield
    }) : () -> ()
    return
  }
}

module attributes {stable_mosaic.version = 14 : i64} {
  func.func @body(%arg0: i32, %arg1: memref<2000x128xf32, #tpu.memory_space<vmem>>, %arg2: memref<1x1xf32, #tpu.memory_space<smem>>, %arg3: memref<2000x128xf32, #tpu.memory_space<vmem>>) attributes {dimension_semantics = [#tpu.dimension_semantics<arbitrary>], iteration_bounds = array<i64: 25>, scalar_prefetch = 0 : i64, scratch_operands = 0 : i64, tpu.core_type = #tpu.core_type<tc>, window_params = [{transform_indices = @transform_0, window_bounds = array<i64: 2000, 128>}, {transform_indices = @transform_1, window_bounds = array<i64: 1, 1>}, {transform_indices = @transform_2, window_bounds = array<i64: 2000, 128>}]} {
    %get3A = arith.constant 0 : index
    %get3A_0 = arith.constant 0 : index
    %get3A_1 = vector.load %arg1[%get3A, %get3A_0] : memref<2000x128xf32, #tpu.memory_space<vmem>>, vector<2000x128xf32>
    %get3A_2 = arith.constant 0 : index
    %get3A_3 = arith.constant 0 : index
    %get3A_4 = memref.load %arg2[%get3A_2, %get3A_3] : memref<1x1xf32, #tpu.memory_space<smem>>
    %div3A = arith.constant 1.000000e+00 : f32
    %div3A_5 = arith.divf %div3A, %get3A_4 : f32
    %mul3A = vector.broadcast %div3A_5 : f32 to vector<2000x128xf32>
    %mul3A_6 = arith.mulf %get3A_1, %mul3A : vector<2000x128xf32>
    %swap3A = arith.constant 0 : index
    %swap3A_7 = arith.constant 0 : index
    %swap3A_8 = vector.load %arg3[%swap3A, %swap3A_7] : memref<2000x128xf32, #tpu.memory_space<vmem>>, vector<2000x128xf32>
    tpu.vector_store %arg3[%swap3A, %swap3A_7], %mul3A_6 {strides = array<i32>} : memref<2000x128xf32, #tpu.memory_space<vmem>>, vector<2000x128xf32>,
    return
  }
  func.func @transform_0(%arg0: i32) -> (i32, i32) {
    %c0_i32 = arith.constant 0 : i32
    %c0_i32_0 = arith.constant 0 : i32
    return %arg0, %c0_i32 : i32, i32
  }
  func.func @transform_1(%arg0: i32) -> (i32, i32) {
    %c0_i32 = arith.constant 0 : i32
    %c0_i32_0 = arith.constant 0 : i32
    %c0_i32_1 = arith.constant 0 : i32
    return %c0_i32, %c0_i32_0 : i32, i32
  }
  func.func @transform_2(%arg0: i32) -> (i32, i32) {
    %c0_i32 = arith.constant 0 : i32
    %c0_i32_0 = arith.constant 0 : i32
    return %arg0, %c0_i32 : i32, i32
  }
}

module attributes {stable_mosaic.version = 14 : i64} {
  func.func @body(%arg0: i32, %arg1: memref<2000x128xf32, #tpu.memory_space<vmem>>, %arg2: memref<1x1xf32, #tpu.memory_space<smem>>, %arg3: memref<1x1xf32, #tpu.memory_space<smem>>) attributes {dimension_semantics = [#tpu.dimension_semantics<arbitrary>], iteration_bounds = array<i64: 25>, scalar_prefetch = 0 : i64, scratch_operands = 0 : i64, tpu.core_type = #tpu.core_type<tc>, window_params = [{transform_indices = @transform_0, window_bounds = array<i64: 2000, 128>}, {transform_indices = @transform_1, window_bounds = array<i64: 1, 1>}, {transform_indices = @transform_2, window_bounds = array<i64: 1, 1>}]} {
    %get3A = arith.constant 0 : index
    %get3A_0 = arith.constant 0 : index
    %get3A_1 = vector.load %arg1[%get3A, %get3A_0] : memref<2000x128xf32, #tpu.memory_space<vmem>>, vector<2000x128xf32>
    %eq3A = arith.constant 0 : i32
    %eq3A_2 = arith.cmpi eq, %arg0, %eq3A : i32
    %convert_element_type3A = arith.extui %eq3A_2 : i1 to i32
    %cond3A = arith.constant 0 : i32
    %cond3A_3 = arith.cmpi ne, %convert_element_type3A, %cond3A : i32
    scf.if %cond3A_3 {
      %swap3A_25 = arith.constant 0.000000e+00 : f32
      %swap3A_26 = arith.constant 0 : index
      %swap3A_27 = arith.constant 0 : index
      %swap3A_28 = memref.load %arg2[%swap3A_26, %swap3A_27] : memref<1x1xf32, #tpu.memory_space<smem>>
      memref.store %swap3A_25, %arg2[%swap3A_26, %swap3A_27] : memref<1x1xf32, #tpu.memory_space<smem>>
      %swap3A_29 = arith.constant 0.000000e+00 : f32
      %swap3A_30 = arith.constant 0 : index
      %swap3A_31 = arith.constant 0 : index
      %swap3A_32 = memref.load %arg3[%swap3A_30, %swap3A_31] : memref<1x1xf32, #tpu.memory_space<smem>>
      memref.store %swap3A_29, %arg3[%swap3A_30, %swap3A_31] : memref<1x1xf32, #tpu.memory_space<smem>>
    } else {
    }
    %get3A_4 = arith.constant 0 : index
    %get3A_5 = arith.constant 0 : index
    %get3A_6 = memref.load %arg2[%get3A_4, %get3A_5] : memref<1x1xf32, #tpu.memory_space<smem>>
    %reduce_sum3A = vector.shape_cast %get3A_1 : vector<2000x128xf32> to vector<1x2000x128xf32>
    %reduce_sum3A_7 = arith.constant dense<0.000000e+00> : vector<1xf32>
    %reduce_sum3A_8 = vector.multi_reduction <add>, %reduce_sum3A, %reduce_sum3A_7 [1, 2] : vector<1x2000x128xf32> to vector<1xf32>
    %reduce_sum3A_9 = vector.shape_cast %reduce_sum3A_8 : vector<1xf32> to vector<1x1x1xf32>
    %reduce_sum3A_10 = vector.extract %reduce_sum3A_9[0, 0, 0] : f32 from vector<1x1x1xf32>
    %add3A = arith.addf %get3A_6, %reduce_sum3A_10 : f32
    %swap3A = arith.constant 0 : index
    %swap3A_11 = arith.constant 0 : index
    %swap3A_12 = memref.load %arg2[%swap3A, %swap3A_11] : memref<1x1xf32, #tpu.memory_space<smem>>
    memref.store %add3A, %arg2[%swap3A, %swap3A_11] : memref<1x1xf32, #tpu.memory_space<smem>>
    %get3A_13 = arith.constant 0 : index
    %get3A_14 = arith.constant 0 : index
    %get3A_15 = memref.load %arg3[%get3A_13, %get3A_14] : memref<1x1xf32, #tpu.memory_space<smem>>
    %log3A = math.log %get3A_1 : vector<2000x128xf32>
    %mul3A = arith.mulf %get3A_1, %log3A : vector<2000x128xf32>
    %reduce_sum3A_16 = vector.shape_cast %mul3A : vector<2000x128xf32> to vector<1x2000x128xf32>
    %reduce_sum3A_17 = arith.constant dense<0.000000e+00> : vector<1xf32>
    %reduce_sum3A_18 = vector.multi_reduction <add>, %reduce_sum3A_16, %reduce_sum3A_17 [1, 2] : vector<1x2000x128xf32> to vector<1xf32>
    %reduce_sum3A_19 = vector.shape_cast %reduce_sum3A_18 : vector<1xf32> to vector<1x1x1xf32>
    %reduce_sum3A_20 = vector.extract %reduce_sum3A_19[0, 0, 0] : f32 from vector<1x1x1xf32>
    %add3A_21 = arith.addf %get3A_15, %reduce_sum3A_20 : f32
    %swap3A_22 = arith.constant 0 : index
    %swap3A_23 = arith.constant 0 : index
    %swap3A_24 = memref.load %arg3[%swap3A_22, %swap3A_23] : memref<1x1xf32, #tpu.memory_space<smem>>
    memref.store %add3A_21, %arg3[%swap3A_22, %swap3A_23] : memref<1x1xf32, #tpu.memory_space<smem>>
    return
  }
  func.func @transform_0(%arg0: i32) -> (i32, i32) {
    %c0_i32 = arith.constant 0 : i32
    %c0_i32_0 = arith.constant 0 : i32
    return %arg0, %c0_i32 : i32, i32
  }
  func.func @transform_1(%arg0: i32) -> (i32, i32) {
    %c0_i32 = arith.constant 0 : i32
    %c0_i32_0 = arith.constant 0 : i32
    %c0_i32_1 = arith.constant 0 : i32
    return %c0_i32, %c0_i32_0 : i32, i32
  }
  func.func @transform_2(%arg0: i32) -> (i32, i32) {
    %c0_i32 = arith.constant 0 : i32
    %c0_i32_0 = arith.constant 0 : i32
    %c0_i32_1 = arith.constant 0 : i32
    return %c0_i32, %c0_i32_0 : i32, i32
  }
}

module attributes {stable_mosaic.version = 14 : i64} {
  func.func @body(%arg0: memref<25088x128xf32, #tpu.memory_space<vmem>>, %arg1: memref<25088x128xf32, #tpu.memory_space<vmem>>, %arg2: memref<1x1xf32, #tpu.memory_space<smem>>, %arg3: memref<1x1xf32, #tpu.memory_space<smem>>, %arg4: memref<784x128xf32, #tpu.memory_space<vmem>>, %arg5: memref<784x128xf32, #tpu.memory_space<vmem>>, %arg6: memref<1x1xf32, #tpu.memory_space<smem>>) attributes {dimension_semantics = [], scalar_prefetch = 0 : i64, scratch_operands = 0 : i64, tpu.core_type = #tpu.core_type<tc>} {
    %get3A = arith.constant 0 : index
    %get3A_0 = arith.constant 0 : index
    %get3A_1 = vector.load %arg0[%get3A, %get3A_0] : memref<25088x128xf32, #tpu.memory_space<vmem>>, vector<784x128xf32>
    %get3A_2 = arith.constant 0 : index
    %get3A_3 = arith.constant 0 : index
    %get3A_4 = vector.load %arg1[%get3A_2, %get3A_3] : memref<25088x128xf32, #tpu.memory_space<vmem>>, vector<784x128xf32>
    %get3A_5 = arith.constant 784 : index
    %get3A_6 = arith.constant 0 : index
    %get3A_7 = vector.load %arg0[%get3A_5, %get3A_6] : memref<25088x128xf32, #tpu.memory_space<vmem>>, vector<784x128xf32>
    %add3A = arith.addf %get3A_1, %get3A_7 : vector<784x128xf32>
    %get3A_8 = arith.constant 784 : index
    %get3A_9 = arith.constant 0 : index
    %get3A_10 = vector.load %arg1[%get3A_8, %get3A_9] : memref<25088x128xf32, #tpu.memory_space<vmem>>, vector<784x128xf32>
    %add3A_11 = arith.addf %get3A_4, %get3A_10 : vector<784x128xf32>
    %get3A_12 = arith.constant 1568 : index
    %get3A_13 = arith.constant 0 : index
    %get3A_14 = vector.load %arg0[%get3A_12, %get3A_13] : memref<25088x128xf32, #tpu.memory_space<vmem>>, vector<784x128xf32>
    %add3A_15 = arith.addf %add3A, %get3A_14 : vector<784x128xf32>
    %get3A_16 = arith.constant 1568 : index
    %get3A_17 = arith.constant 0 : index
    %get3A_18 = vector.load %arg1[%get3A_16, %get3A_17] : memref<25088x128xf32, #tpu.memory_space<vmem>>, vector<784x128xf32>
    %add3A_19 = arith.addf %add3A_11, %get3A_18 : vector<784x128xf32>
    %get3A_20 = arith.constant 2352 : index
    %get3A_21 = arith.constant 0 : index
    %get3A_22 = vector.load %arg0[%get3A_20, %get3A_21] : memref<25088x128xf32, #tpu.memory_space<vmem>>, vector<784x128xf32>
    %add3A_23 = arith.addf %add3A_15, %get3A_22 : vector<784x128xf32>
    %get3A_24 = arith.constant 2352 : index
    %get3A_25 = arith.constant 0 : index
    %get3A_26 = vector.load %arg1[%get3A_24, %get3A_25] : memref<25088x128xf32, #tpu.memory_space<vmem>>, vector<784x128xf32>
    %add3A_27 = arith.addf %add3A_19, %get3A_26 : vector<784x128xf32>
    %get3A_28 = arith.constant 3136 : index
    %get3A_29 = arith.constant 0 : index
    %get3A_30 = vector.load %arg0[%get3A_28, %get3A_29] : memref<25088x128xf32, #tpu.memory_space<vmem>>, vector<784x128xf32>
    %add3A_31 = arith.addf %add3A_23, %get3A_30 : vector<784x128xf32>
    %get3A_32 = arith.constant 3136 : index
    %get3A_33 = arith.constant 0 : index
    %get3A_34 = vector.load %arg1[%get3A_32, %get3A_33] : memref<25088x128xf32, #tpu.memory_space<vmem>>, vector<784x128xf32>
    %add3A_35 = arith.addf %add3A_27, %get3A_34 : vector<784x128xf32>
    %get3A_36 = arith.constant 3920 : index
    %get3A_37 = arith.constant 0 : index
    %get3A_38 = vector.load %arg0[%get3A_36, %get3A_37] : memref<25088x128xf32, #tpu.memory_space<vmem>>, vector<784x128xf32>
    %add3A_39 = arith.addf %add3A_31, %get3A_38 : vector<784x128xf32>
    %get3A_40 = arith.constant 3920 : index
    %get3A_41 = arith.constant 0 : index
    %get3A_42 = vector.load %arg1[%get3A_40, %get3A_41] : memref<25088x128xf32, #tpu.memory_space<vmem>>, vector<784x128xf32>
    %add3A_43 = arith.addf %add3A_35, %get3A_42 : vector<784x128xf32>
    %get3A_44 = arith.constant 4704 : index
    %get3A_45 = arith.constant 0 : index
    %get3A_46 = vector.load %arg0[%get3A_44, %get3A_45] : memref<25088x128xf32, #tpu.memory_space<vmem>>, vector<784x128xf32>
    %add3A_47 = arith.addf %add3A_39, %get3A_46 : vector<784x128xf32>
    %get3A_48 = arith.constant 4704 : index
    %get3A_49 = arith.constant 0 : index
    %get3A_50 = vector.load %arg1[%get3A_48, %get3A_49] : memref<25088x128xf32, #tpu.memory_space<vmem>>, vector<784x128xf32>
    %add3A_51 = arith.addf %add3A_43, %get3A_50 : vector<784x128xf32>
    %get3A_52 = arith.constant 5488 : index
    %get3A_53 = arith.constant 0 : index
    %get3A_54 = vector.load %arg0[%get3A_52, %get3A_53] : memref<25088x128xf32, #tpu.memory_space<vmem>>, vector<784x128xf32>
    %add3A_55 = arith.addf %add3A_47, %get3A_54 : vector<784x128xf32>
    %get3A_56 = arith.constant 5488 : index
    %get3A_57 = arith.constant 0 : index
    %get3A_58 = vector.load %arg1[%get3A_56, %get3A_57] : memref<25088x128xf32, #tpu.memory_space<vmem>>, vector<784x128xf32>
    %add3A_59 = arith.addf %add3A_51, %get3A_58 : vector<784x128xf32>
    %get3A_60 = arith.constant 6272 : index
    %get3A_61 = arith.constant 0 : index
    %get3A_62 = vector.load %arg0[%get3A_60, %get3A_61] : memref<25088x128xf32, #tpu.memory_space<vmem>>, vector<784x128xf32>
    %add3A_63 = arith.addf %add3A_55, %get3A_62 : vector<784x128xf32>
    %get3A_64 = arith.constant 6272 : index
    %get3A_65 = arith.constant 0 : index
    %get3A_66 = vector.load %arg1[%get3A_64, %get3A_65] : memref<25088x128xf32, #tpu.memory_space<vmem>>, vector<784x128xf32>
    %add3A_67 = arith.addf %add3A_59, %get3A_66 : vector<784x128xf32>
    %get3A_68 = arith.constant 7056 : index
    %get3A_69 = arith.constant 0 : index
    %get3A_70 = vector.load %arg0[%get3A_68, %get3A_69] : memref<25088x128xf32, #tpu.memory_space<vmem>>, vector<784x128xf32>
    %add3A_71 = arith.addf %add3A_63, %get3A_70 : vector<784x128xf32>
    %get3A_72 = arith.constant 7056 : index
    %get3A_73 = arith.constant 0 : index
    %get3A_74 = vector.load %arg1[%get3A_72, %get3A_73] : memref<25088x128xf32, #tpu.memory_space<vmem>>, vector<784x128xf32>
    %add3A_75 = arith.addf %add3A_67, %get3A_74 : vector<784x128xf32>
    %get3A_76 = arith.constant 7840 : index
    %get3A_77 = arith.constant 0 : index
    %get3A_78 = vector.load %arg0[%get3A_76, %get3A_77] : memref<25088x128xf32, #tpu.memory_space<vmem>>, vector<784x128xf32>
    %add3A_79 = arith.addf %add3A_71, %get3A_78 : vector<784x128xf32>
    %get3A_80 = arith.constant 7840 : index
    %get3A_81 = arith.constant 0 : index
    %get3A_82 = vector.load %arg1[%get3A_80, %get3A_81] : memref<25088x128xf32, #tpu.memory_space<vmem>>, vector<784x128xf32>
    %add3A_83 = arith.addf %add3A_75, %get3A_82 : vector<784x128xf32>
    %get3A_84 = arith.constant 8624 : index
    %get3A_85 = arith.constant 0 : index
    %get3A_86 = vector.load %arg0[%get3A_84, %get3A_85] : memref<25088x128xf32, #tpu.memory_space<vmem>>, vector<784x128xf32>
    %add3A_87 = arith.addf %add3A_79, %get3A_86 : vector<784x128xf32>
    %get3A_88 = arith.constant 8624 : index
    %get3A_89 = arith.constant 0 : index
    %get3A_90 = vector.load %arg1[%get3A_88, %get3A_89] : memref<25088x128xf32, #tpu.memory_space<vmem>>, vector<784x128xf32>
    %add3A_91 = arith.addf %add3A_83, %get3A_90 : vector<784x128xf32>
    %get3A_92 = arith.constant 9408 : index
    %get3A_93 = arith.constant 0 : index
    %get3A_94 = vector.load %arg0[%get3A_92, %get3A_93] : memref<25088x128xf32, #tpu.memory_space<vmem>>, vector<784x128xf32>
    %add3A_95 = arith.addf %add3A_87, %get3A_94 : vector<784x128xf32>
    %get3A_96 = arith.constant 9408 : index
    %get3A_97 = arith.constant 0 : index
    %get3A_98 = vector.load %arg1[%get3A_96, %get3A_97] : memref<25088x128xf32, #tpu.memory_space<vmem>>, vector<784x128xf32>
    %add3A_99 = arith.addf %add3A_91, %get3A_98 : vector<784x128xf32>
    %get3A_100 = arith.constant 10192 : index
    %get3A_101 = arith.constant 0 : index
    %get3A_102 = vector.load %arg0[%get3A_100, %get3A_101] : memref<25088x128xf32, #tpu.memory_space<vmem>>, vector<784x128xf32>
    %add3A_103 = arith.addf %add3A_95, %get3A_102 : vector<784x128xf32>
    %get3A_104 = arith.constant 10192 : index
    %get3A_105 = arith.constant 0 : index
    %get3A_106 = vector.load %arg1[%get3A_104, %get3A_105] : memref<25088x128xf32, #tpu.memory_space<vmem>>, vector<784x128xf32>
    %add3A_107 = arith.addf %add3A_99, %get3A_106 : vector<784x128xf32>
    %get3A_108 = arith.constant 10976 : index
    %get3A_109 = arith.constant 0 : index
    %get3A_110 = vector.load %arg0[%get3A_108, %get3A_109] : memref<25088x128xf32, #tpu.memory_space<vmem>>, vector<784x128xf32>
    %add3A_111 = arith.addf %add3A_103, %get3A_110 : vector<784x128xf32>
    %get3A_112 = arith.constant 10976 : index
    %get3A_113 = arith.constant 0 : index
    %get3A_114 = vector.load %arg1[%get3A_112, %get3A_113] : memref<25088x128xf32, #tpu.memory_space<vmem>>, vector<784x128xf32>
    %add3A_115 = arith.addf %add3A_107, %get3A_114 : vector<784x128xf32>
    %get3A_116 = arith.constant 11760 : index
    %get3A_117 = arith.constant 0 : index
    %get3A_118 = vector.load %arg0[%get3A_116, %get3A_117] : memref<25088x128xf32, #tpu.memory_space<vmem>>, vector<784x128xf32>
    %add3A_119 = arith.addf %add3A_111, %get3A_118 : vector<784x128xf32>
    %get3A_120 = arith.constant 11760 : index
    %get3A_121 = arith.constant 0 : index
    %get3A_122 = vector.load %arg1[%get3A_120, %get3A_121] : memref<25088x128xf32, #tpu.memory_space<vmem>>, vector<784x128xf32>
    %add3A_123 = arith.addf %add3A_115, %get3A_122 : vector<784x128xf32>
    %get3A_124 = arith.constant 12544 : index
    %get3A_125 = arith.constant 0 : index
    %get3A_126 = vector.load %arg0[%get3A_124, %get3A_125] : memref<25088x128xf32, #tpu.memory_space<vmem>>, vector<784x128xf32>
    %add3A_127 = arith.addf %add3A_119, %get3A_126 : vector<784x128xf32>
    %get3A_128 = arith.constant 12544 : index
    %get3A_129 = arith.constant 0 : index
    %get3A_130 = vector.load %arg1[%get3A_128, %get3A_129] : memref<25088x128xf32, #tpu.memory_space<vmem>>, vector<784x128xf32>
    %add3A_131 = arith.addf %add3A_123, %get3A_130 : vector<784x128xf32>
    %get3A_132 = arith.constant 13328 : index
    %get3A_133 = arith.constant 0 : index
    %get3A_134 = vector.load %arg0[%get3A_132, %get3A_133] : memref<25088x128xf32, #tpu.memory_space<vmem>>, vector<784x128xf32>
    %add3A_135 = arith.addf %add3A_127, %get3A_134 : vector<784x128xf32>
    %get3A_136 = arith.constant 13328 : index
    %get3A_137 = arith.constant 0 : index
    %get3A_138 = vector.load %arg1[%get3A_136, %get3A_137] : memref<25088x128xf32, #tpu.memory_space<vmem>>, vector<784x128xf32>
    %add3A_139 = arith.addf %add3A_131, %get3A_138 : vector<784x128xf32>
    %get3A_140 = arith.constant 14112 : index
    %get3A_141 = arith.constant 0 : index
    %get3A_142 = vector.load %arg0[%get3A_140, %get3A_141] : memref<25088x128xf32, #tpu.memory_space<vmem>>, vector<784x128xf32>
    %add3A_143 = arith.addf %add3A_135, %get3A_142 : vector<784x128xf32>
    %get3A_144 = arith.constant 14112 : index
    %get3A_145 = arith.constant 0 : index
    %get3A_146 = vector.load %arg1[%get3A_144, %get3A_145] : memref<25088x128xf32, #tpu.memory_space<vmem>>, vector<784x128xf32>
    %add3A_147 = arith.addf %add3A_139, %get3A_146 : vector<784x128xf32>
    %get3A_148 = arith.constant 14896 : index
    %get3A_149 = arith.constant 0 : index
    %get3A_150 = vector.load %arg0[%get3A_148, %get3A_149] : memref<25088x128xf32, #tpu.memory_space<vmem>>, vector<784x128xf32>
    %add3A_151 = arith.addf %add3A_143, %get3A_150 : vector<784x128xf32>
    %get3A_152 = arith.constant 14896 : index
    %get3A_153 = arith.constant 0 : index
    %get3A_154 = vector.load %arg1[%get3A_152, %get3A_153] : memref<25088x128xf32, #tpu.memory_space<vmem>>, vector<784x128xf32>
    %add3A_155 = arith.addf %add3A_147, %get3A_154 : vector<784x128xf32>
    %get3A_156 = arith.constant 15680 : index
    %get3A_157 = arith.constant 0 : index
    %get3A_158 = vector.load %arg0[%get3A_156, %get3A_157] : memref<25088x128xf32, #tpu.memory_space<vmem>>, vector<784x128xf32>
    %add3A_159 = arith.addf %add3A_151, %get3A_158 : vector<784x128xf32>
    %get3A_160 = arith.constant 15680 : index
    %get3A_161 = arith.constant 0 : index
    %get3A_162 = vector.load %arg1[%get3A_160, %get3A_161] : memref<25088x128xf32, #tpu.memory_space<vmem>>, vector<784x128xf32>
    %add3A_163 = arith.addf %add3A_155, %get3A_162 : vector<784x128xf32>
    %get3A_164 = arith.constant 16464 : index
    %get3A_165 = arith.constant 0 : index
    %get3A_166 = vector.load %arg0[%get3A_164, %get3A_165] : memref<25088x128xf32, #tpu.memory_space<vmem>>, vector<784x128xf32>
    %add3A_167 = arith.addf %add3A_159, %get3A_166 : vector<784x128xf32>
    %get3A_168 = arith.constant 16464 : index
    %get3A_169 = arith.constant 0 : index
    %get3A_170 = vector.load %arg1[%get3A_168, %get3A_169] : memref<25088x128xf32, #tpu.memory_space<vmem>>, vector<784x128xf32>
    %add3A_171 = arith.addf %add3A_163, %get3A_170 : vector<784x128xf32>
    %get3A_172 = arith.constant 17248 : index
    %get3A_173 = arith.constant 0 : index
    %get3A_174 = vector.load %arg0[%get3A_172, %get3A_173] : memref<25088x128xf32, #tpu.memory_space<vmem>>, vector<784x128xf32>
    %add3A_175 = arith.addf %add3A_167, %get3A_174 : vector<784x128xf32>
    %get3A_176 = arith.constant 17248 : index
    %get3A_177 = arith.constant 0 : index
    %get3A_178 = vector.load %arg1[%get3A_176, %get3A_177] : memref<25088x128xf32, #tpu.memory_space<vmem>>, vector<784x128xf32>
    %add3A_179 = arith.addf %add3A_171, %get3A_178 : vector<784x128xf32>
    %get3A_180 = arith.constant 18032 : index
    %get3A_181 = arith.constant 0 : index
    %get3A_182 = vector.load %arg0[%get3A_180, %get3A_181] : memref<25088x128xf32, #tpu.memory_space<vmem>>, vector<784x128xf32>
    %add3A_183 = arith.addf %add3A_175, %get3A_182 : vector<784x128xf32>
    %get3A_184 = arith.constant 18032 : index
    %get3A_185 = arith.constant 0 : index
    %get3A_186 = vector.load %arg1[%get3A_184, %get3A_185] : memref<25088x128xf32, #tpu.memory_space<vmem>>, vector<784x128xf32>
    %add3A_187 = arith.addf %add3A_179, %get3A_186 : vector<784x128xf32>
    %get3A_188 = arith.constant 18816 : index
    %get3A_189 = arith.constant 0 : index
    %get3A_190 = vector.load %arg0[%get3A_188, %get3A_189] : memref<25088x128xf32, #tpu.memory_space<vmem>>, vector<784x128xf32>
    %add3A_191 = arith.addf %add3A_183, %get3A_190 : vector<784x128xf32>
    %get3A_192 = arith.constant 18816 : index
    %get3A_193 = arith.constant 0 : index
    %get3A_194 = vector.load %arg1[%get3A_192, %get3A_193] : memref<25088x128xf32, #tpu.memory_space<vmem>>, vector<784x128xf32>
    %add3A_195 = arith.addf %add3A_187, %get3A_194 : vector<784x128xf32>
    %get3A_196 = arith.constant 19600 : index
    %get3A_197 = arith.constant 0 : index
    %get3A_198 = vector.load %arg0[%get3A_196, %get3A_197] : memref<25088x128xf32, #tpu.memory_space<vmem>>, vector<784x128xf32>
    %add3A_199 = arith.addf %add3A_191, %get3A_198 : vector<784x128xf32>
    %get3A_200 = arith.constant 19600 : index
    %get3A_201 = arith.constant 0 : index
    %get3A_202 = vector.load %arg1[%get3A_200, %get3A_201] : memref<25088x128xf32, #tpu.memory_space<vmem>>, vector<784x128xf32>
    %add3A_203 = arith.addf %add3A_195, %get3A_202 : vector<784x128xf32>
    %get3A_204 = arith.constant 20384 : index
    %get3A_205 = arith.constant 0 : index
    %get3A_206 = vector.load %arg0[%get3A_204, %get3A_205] : memref<25088x128xf32, #tpu.memory_space<vmem>>, vector<784x128xf32>
    %add3A_207 = arith.addf %add3A_199, %get3A_206 : vector<784x128xf32>
    %get3A_208 = arith.constant 20384 : index
    %get3A_209 = arith.constant 0 : index
    %get3A_210 = vector.load %arg1[%get3A_208, %get3A_209] : memref<25088x128xf32, #tpu.memory_space<vmem>>, vector<784x128xf32>
    %add3A_211 = arith.addf %add3A_203, %get3A_210 : vector<784x128xf32>
    %get3A_212 = arith.constant 21168 : index
    %get3A_213 = arith.constant 0 : index
    %get3A_214 = vector.load %arg0[%get3A_212, %get3A_213] : memref<25088x128xf32, #tpu.memory_space<vmem>>, vector<784x128xf32>
    %add3A_215 = arith.addf %add3A_207, %get3A_214 : vector<784x128xf32>
    %get3A_216 = arith.constant 21168 : index
    %get3A_217 = arith.constant 0 : index
    %get3A_218 = vector.load %arg1[%get3A_216, %get3A_217] : memref<25088x128xf32, #tpu.memory_space<vmem>>, vector<784x128xf32>
    %add3A_219 = arith.addf %add3A_211, %get3A_218 : vector<784x128xf32>
    %get3A_220 = arith.constant 21952 : index
    %get3A_221 = arith.constant 0 : index
    %get3A_222 = vector.load %arg0[%get3A_220, %get3A_221] : memref<25088x128xf32, #tpu.memory_space<vmem>>, vector<784x128xf32>
    %add3A_223 = arith.addf %add3A_215, %get3A_222 : vector<784x128xf32>
    %get3A_224 = arith.constant 21952 : index
    %get3A_225 = arith.constant 0 : index
    %get3A_226 = vector.load %arg1[%get3A_224, %get3A_225] : memref<25088x128xf32, #tpu.memory_space<vmem>>, vector<784x128xf32>
    %add3A_227 = arith.addf %add3A_219, %get3A_226 : vector<784x128xf32>
    %get3A_228 = arith.constant 22736 : index
    %get3A_229 = arith.constant 0 : index
    %get3A_230 = vector.load %arg0[%get3A_228, %get3A_229] : memref<25088x128xf32, #tpu.memory_space<vmem>>, vector<784x128xf32>
    %add3A_231 = arith.addf %add3A_223, %get3A_230 : vector<784x128xf32>
    %get3A_232 = arith.constant 22736 : index
    %get3A_233 = arith.constant 0 : index
    %get3A_234 = vector.load %arg1[%get3A_232, %get3A_233] : memref<25088x128xf32, #tpu.memory_space<vmem>>, vector<784x128xf32>
    %add3A_235 = arith.addf %add3A_227, %get3A_234 : vector<784x128xf32>
    %get3A_236 = arith.constant 23520 : index
    %get3A_237 = arith.constant 0 : index
    %get3A_238 = vector.load %arg0[%get3A_236, %get3A_237] : memref<25088x128xf32, #tpu.memory_space<vmem>>, vector<784x128xf32>
    %add3A_239 = arith.addf %add3A_231, %get3A_238 : vector<784x128xf32>
    %get3A_240 = arith.constant 23520 : index
    %get3A_241 = arith.constant 0 : index
    %get3A_242 = vector.load %arg1[%get3A_240, %get3A_241] : memref<25088x128xf32, #tpu.memory_space<vmem>>, vector<784x128xf32>
    %add3A_243 = arith.addf %add3A_235, %get3A_242 : vector<784x128xf32>
    %get3A_244 = arith.constant 24304 : index
    %get3A_245 = arith.constant 0 : index
    %get3A_246 = vector.load %arg0[%get3A_244, %get3A_245] : memref<25088x128xf32, #tpu.memory_space<vmem>>, vector<784x128xf32>
    %add3A_247 = arith.addf %add3A_239, %get3A_246 : vector<784x128xf32>
    %get3A_248 = arith.constant 24304 : index
    %get3A_249 = arith.constant 0 : index
    %get3A_250 = vector.load %arg1[%get3A_248, %get3A_249] : memref<25088x128xf32, #tpu.memory_space<vmem>>, vector<784x128xf32>
    %add3A_251 = arith.addf %add3A_243, %get3A_250 : vector<784x128xf32>
    %reduce_sum3A = vector.shape_cast %add3A_247 : vector<784x128xf32> to vector<1x784x128xf32>
    %reduce_sum3A_252 = arith.constant dense<0.000000e+00> : vector<1xf32>
    %reduce_sum3A_253 = vector.multi_reduction <add>, %reduce_sum3A, %reduce_sum3A_252 [1, 2] : vector<1x784x128xf32> to vector<1xf32>
    %reduce_sum3A_254 = vector.shape_cast %reduce_sum3A_253 : vector<1xf32> to vector<1x1x1xf32>
    %reduce_sum3A_255 = vector.extract %reduce_sum3A_254[0, 0, 0] : f32 from vector<1x1x1xf32>
    %reduce_sum3A_256 = vector.shape_cast %add3A_251 : vector<784x128xf32> to vector<1x784x128xf32>
    %reduce_sum3A_257 = arith.constant dense<0.000000e+00> : vector<1xf32>
    %reduce_sum3A_258 = vector.multi_reduction <add>, %reduce_sum3A_256, %reduce_sum3A_257 [1, 2] : vector<1x784x128xf32> to vector<1xf32>
    %reduce_sum3A_259 = vector.shape_cast %reduce_sum3A_258 : vector<1xf32> to vector<1x1x1xf32>
    %reduce_sum3A_260 = vector.extract %reduce_sum3A_259[0, 0, 0] : f32 from vector<1x1x1xf32>
    %div3A = vector.broadcast %reduce_sum3A_255 : f32 to vector<784x128xf32>
    %div3A_261 = arith.divf %add3A_247, %div3A : vector<784x128xf32>
    %div3A_262 = vector.broadcast %reduce_sum3A_260 : f32 to vector<784x128xf32>
    %div3A_263 = arith.divf %add3A_251, %div3A_262 : vector<784x128xf32>
    %swap3A = arith.constant 0 : index
    %swap3A_264 = arith.constant 0 : index
    %swap3A_265 = vector.load %arg4[%swap3A, %swap3A_264] : memref<784x128xf32, #tpu.memory_space<vmem>>, vector<784x128xf32>
    tpu.vector_store %arg4[%swap3A, %swap3A_264], %div3A_261 {strides = array<i32>} : memref<784x128xf32, #tpu.memory_space<vmem>>, vector<784x128xf32>,
    %swap3A_266 = arith.constant 0 : index
    %swap3A_267 = arith.constant 0 : index
    %swap3A_268 = vector.load %arg5[%swap3A_266, %swap3A_267] : memref<784x128xf32, #tpu.memory_space<vmem>>, vector<784x128xf32>
    tpu.vector_store %arg5[%swap3A_266, %swap3A_267], %div3A_263 {strides = array<i32>} : memref<784x128xf32, #tpu.memory_space<vmem>>, vector<784x128xf32>,
    %gt3A = arith.constant 0.000000e+00 : f32
    %gt3A_269 = vector.broadcast %gt3A : f32 to vector<784x128xf32>
    %gt3A_270 = arith.cmpf ogt, %add3A_247, %gt3A_269 : vector<784x128xf32>
    %log3A = math.log %div3A_263 : vector<784x128xf32>
    %mul3A = arith.mulf %add3A_247, %log3A : vector<784x128xf32>
    %jit3A = arith.constant 0.000000e+00 : f32
    %broadcast_in_dim3A = vector.broadcast %jit3A : f32 to vector<784x128xf32>
    %select_n3A = arith.select %gt3A_270, %mul3A, %broadcast_in_dim3A : vector<784x128xi1>, vector<784x128xf32>
    %gt3A_271 = arith.constant 0.000000e+00 : f32
    %gt3A_272 = vector.broadcast %gt3A_271 : f32 to vector<784x128xf32>
    %gt3A_273 = arith.cmpf ogt, %add3A_251, %gt3A_272 : vector<784x128xf32>
    %log3A_274 = math.log %div3A_261 : vector<784x128xf32>
    %mul3A_275 = arith.mulf %add3A_251, %log3A_274 : vector<784x128xf32>
    %jit3A_276 = arith.constant 0.000000e+00 : f32
    %broadcast_in_dim3A_277 = vector.broadcast %jit3A_276 : f32 to vector<784x128xf32>
    %select_n3A_278 = arith.select %gt3A_273, %mul3A_275, %broadcast_in_dim3A_277 : vector<784x128xi1>, vector<784x128xf32>
    %add3A_279 = arith.addf %select_n3A, %select_n3A_278 : vector<784x128xf32>
    %reduce_sum3A_280 = vector.shape_cast %add3A_279 : vector<784x128xf32> to vector<1x784x128xf32>
    %reduce_sum3A_281 = arith.constant dense<0.000000e+00> : vector<1xf32>
    %reduce_sum3A_282 = vector.multi_reduction <add>, %reduce_sum3A_280, %reduce_sum3A_281 [1, 2] : vector<1x784x128xf32> to vector<1xf32>
    %reduce_sum3A_283 = vector.shape_cast %reduce_sum3A_282 : vector<1xf32> to vector<1x1x1xf32>
    %reduce_sum3A_284 = vector.extract %reduce_sum3A_283[0, 0, 0] : f32 from vector<1x1x1xf32>
    %get3A_285 = arith.constant 0 : index
    %get3A_286 = arith.constant 0 : index
    %get3A_287 = memref.load %arg2[%get3A_285, %get3A_286] : memref<1x1xf32, #tpu.memory_space<smem>>
    %get3A_288 = arith.constant 0 : index
    %get3A_289 = arith.constant 0 : index
    %get3A_290 = memref.load %arg3[%get3A_288, %get3A_289] : memref<1x1xf32, #tpu.memory_space<smem>>
    %div3A_291 = arith.divf %get3A_290, %get3A_287 : f32
    %log3A_292 = math.log %get3A_287 : f32
    %sub3A = arith.subf %div3A_291, %log3A_292 : f32
    %div3A_293 = arith.divf %reduce_sum3A_284, %get3A_287 : f32
    %sub3A_294 = arith.subf %sub3A, %div3A_293 : f32
    %swap3A_295 = arith.constant 0 : index
    %swap3A_296 = arith.constant 0 : index
    %swap3A_297 = memref.load %arg6[%swap3A_295, %swap3A_296] : memref<1x1xf32, #tpu.memory_space<smem>>
    memref.store %sub3A_294, %arg6[%swap3A_295, %swap3A_296] : memref<1x1xf32, #tpu.memory_space<smem>>
    return
  }
}

</mosaic_0001>

<sc_bundles>
// kernel: kernel.6.cloned.1.call-start
scs
__scs_entry_jumppad:
0x0: {  	(pc) =	sbr.rel $0x88, $3  }
0x1: {  	(tag) =	ssettag $0x0;
	lr =	simm.s32 $0x1  }
0x2: {  	[smem:$0x3F9F] =	sst lr;
	_ =	strace $0xD0000000  }
0x3: {  	_ = 	snop  }
0x4: {  	_ = 	snop  }
0x5: {  	_ = 	snop  }
0x6: {  	_ = 	snop  }
0x7: {  	_ = 	snop  }
__scs_overlays_trampoline_lowered:
0x8: {  	[smem:$0x3FAE] =	sst s0  }
0x9: {  	[smem:$0x3FAF] =	sst s1  }
0xa: {  	[smem:$0x3FB0] =	sst s2  }
0xb: {  	[smem:$0x3FB1] =	sst s3  }
0xc: {  	[smem:$0x3FB2] =	sst s4  }
0xd: {  	[smem:$0x3FB3] =	sst s5  }
0xe: {  	[smem:$0x3FB4] =	sst s6  }
0xf: {  	[smem:$0x3FB5] =	sst s7  }
0x10: {  	[smem:$0x3FB6] =	sst s8  }
0x11: {  	[smem:$0x3FB7] =	sst s9;
	s0 =	simm.s32 @!p0 $0x0  }
0x12: {  	s1 =	sld [smem:$0x3F9D];
	s0 =	simm.s32 @p0 $0x1  }
0x13: {  	[smem:$0x3FB8] =	sst s0;
	s0 =	simm.s32 @!p1 $0x0  }
0x14: {  	s2 =	sld [smem:$0x3F9C];
	s0 =	simm.s32 @p1 $0x1  }
0x15: {  	[smem:$0x3FB9] =	sst s0;
	s0 =	simm.s32 @!p2 $0x0  }
0x16: {  	s3 =	sld [smem:$0x3FDB];
	s0 =	simm.s32 @p2 $0x1  }
0x17: {  	s4 =	simm.s32 $0x1BF5;
	[smem:$0x3FBB] =	sst s0  }
0x18: {  	s0 =	sld [smem:$0x3F9E];
	_ =	swait.ge [sflag:s4], $0x0  }
0x19: {  	s7 =	sld [smem:$0x3F9F]  }
0x1a: {  	s8 =	sadd.s32 $0xFFFFE003, lr  }
0x1b: {  	s9 =	sadd.s32 $0xFFFFFEF7, lr;
	s5 =	simm.s32 $0xFFFFFFFF;
	p2 =	slt.u32 s8, $0xFFFFF086  }
0x1c: {  	p1 =	slt.u32 s9, $0xF7A;
	s5 =	simm.s32 @!p2 $0x0  }
0x1d: {  	s5 =	simm.s32 @p1 $0x1;
	p0 =	seq.s32 s7, s2  }
0x1e: {  	s7 =	smul.u32 @!p0 $0xF7A, s2;
	p2 =	seq.s32 @!p0 s5, $0x0  }
0x1f: {  	s9 =	smul.u32 $0xF7A, s1;
	s8 =	simm.s32 @!p0 $0x1BF5;
	p2 =	por !p2, p0  }
0x20: {  	[sflag:s8] =	ssyncset.s32 @!p0 $0xFFFFF086;
	s6 =	sadd.s32 @!p0 s3, s7;
	s7 =	simm.s32 @!p0 $0x108  }
0x21: {  	s3 =	sadd.s32 s3, s9;
	s6 =	sadd.s32 @!p0 $0x88, s6;
	s7 =	simm.s32 @p2 $0x1082  }
0x22: {  	[simem:s7], [sflag:s8] =	dma.local @!p0 [hbm:s6], $0xF7A  }
0x23: {  	s9 =	sor.u32 $0xD0000000, s2;
	s6 =	simm.s32 $0x108;
	_ =	swait.ge @!p0 [sflag:s8], $0x0  }
0x24: {  	s3 =	sadd.s32 $0x88, s3;
	s6 =	simm.s32 @!p1 $0x1082;
	[sflag:s4] =	ssyncset.s32 $0xFFFFF086  }
0x25: {  	[simem:s6], [sflag:s4] =	dma.local [hbm:s3], $0xF7A  }
0x26: {  	[smem:$0x3F9F] =	sst s1;
	(tag) =	ssettag s2;
	_ =	strace s9  }
0x27: {  	s1 =	sld [smem:$0x3FAF]  }
0x28: {  	s2 =	sld [smem:$0x3FB0]  }
0x29: {  	s4 =	sld [smem:$0x3FB2]  }
0x2a: {  	p0 =	seq.s32 s5, $0x0;
	s5 =	sld [smem:$0x3FB3]  }
0x2b: {  	s6 =	sld [smem:$0x3FB4]  }
0x2c: {  	s7 =	sld [smem:$0x3FB5]  }
0x2d: {  	s3 =	simm.s32 $0x108;
	s8 =	sld [smem:$0x3FB6]  }
0x2e: {  	s3 =	simm.s32 @!p0 $0x1082;
	s9 =	sld [smem:$0x3FB7]  }
0x2f: {  	lr =	sadd.s32 s0, s3;
	s0 =	sld [smem:$0x3FAE]  }
0x30: {  	s3 =	sld [smem:$0x3FB1]  }
0x31: {  	[smem:$0x3FBA] =	sst s10  }
0x32: {  	s10 =	sld [smem:$0x3FB8];
	_ =	sdelay $0x3  }
0x33: {  	p0 =	seq.s32 s10, $0x1;
	s10 =	sld [smem:$0x3FBA];
	_ =	sdelay $0x3  }
0x34: {  	[smem:$0x3FBA] =	sst s10  }
0x35: {  	s10 =	sld [smem:$0x3FB9];
	_ =	sdelay $0x3  }
0x36: {  	p1 =	seq.s32 s10, $0x1;
	s10 =	sld [smem:$0x3FBA];
	_ =	sdelay $0x3  }
0x37: {  	[smem:$0x3FBA] =	sst s10  }
0x38: {  	s10 =	sld [smem:$0x3FBB]  }
0x39: {  	_ = 	snop;
	(pc) =	sbr.ind lr, $3  }
0x3a: {  	_ = 	snop  }
0x3b: {  	_ = 	snop  }
0x3c: {  	p2 =	seq.s32 s10, $0x1;
	s10 =	sld [smem:$0x3FBA]  }
0x3d: {  	_ =	shalt  }
0x3e: {  	_ =	shalt  }
0x3f: {  	_ =	shalt  }
0x40: {  	_ =	shalt  }
0x41: {  	_ =	shalt  }
0x42: {  	_ =	shalt  }
0x43: {  	_ =	shalt  }
0x44: {  	_ =	shalt  }
0x45: {  	_ =	shalt  }
0x46: {  	_ =	shalt  }
0x47: {  	_ =	shalt  }
0x48: {  	_ =	shalt  }
0x49: {  	_ =	shalt  }
0x4a: {  	_ =	shalt  }
0x4b: {  	_ =	shalt  }
0x4c: {  	_ =	shalt  }
0x4d: {  	_ =	shalt  }
0x4e: {  	_ =	shalt  }
0x4f: {  	_ =	shalt  }
0x50: {  	_ =	shalt  }
0x51: {  	_ =	shalt  }
0x52: {  	_ =	shalt  }
0x53: {  	_ =	shalt  }
0x54: {  	_ =	shalt  }
0x55: {  	_ =	shalt  }
0x56: {  	_ =	shalt  }
0x57: {  	_ =	shalt  }
0x58: {  	_ =	shalt  }
0x59: {  	_ =	shalt  }
0x5a: {  	_ =	shalt  }
0x5b: {  	_ =	shalt  }
0x5c: {  	_ =	shalt  }
0x5d: {  	_ =	shalt  }
0x5e: {  	_ =	shalt  }
0x5f: {  	_ =	shalt  }
0x60: {  	_ =	shalt  }
0x61: {  	_ =	shalt  }
0x62: {  	_ =	shalt  }
0x63: {  	_ =	shalt  }
0x64: {  	_ =	shalt  }
0x65: {  	_ =	shalt  }
0x66: {  	_ =	shalt  }
0x67: {  	_ =	shalt  }
0x68: {  	_ =	shalt  }
0x69: {  	_ =	shalt  }
0x6a: {  	_ =	shalt  }
0x6b: {  	_ =	shalt  }
0x6c: {  	_ =	shalt  }
0x6d: {  	_ =	shalt  }
0x6e: {  	_ =	shalt  }
0x6f: {  	_ =	shalt  }
0x70: {  	_ =	shalt  }
0x71: {  	_ =	shalt  }
0x72: {  	_ =	shalt  }
0x73: {  	_ =	shalt  }
0x74: {  	_ =	shalt  }
0x75: {  	_ =	shalt  }
0x76: {  	_ =	shalt  }
0x77: {  	_ =	shalt  }
0x78: {  	_ =	shalt  }
0x79: {  	_ =	shalt  }
0x7a: {  	_ =	shalt  }
0x7b: {  	_ =	shalt  }
0x7c: {  	_ =	shalt  }
0x7d: {  	_ =	shalt  }
0x7e: {  	_ =	shalt  }
0x7f: {  	_ =	shalt  }
0x80: {  	_ =	shalt  }
0x81: {  	_ =	shalt  }
0x82: {  	_ =	shalt  }
0x83: {  	_ =	shalt  }
0x84: {  	_ =	shalt  }
0x85: {  	_ =	shalt  }
0x86: {  	_ =	shalt  }
0x87: {  	_ =	shalt  }
.Lfunc_end0:
.L_simem_size_0:
called_computation_lowered:
.L_overlay_start_0:
0x88: {  	s2 =	sld [smem:$0x3FD9]  }
0x89: {  	s3 =	sld [smem:$0x3FFE];
	_ =	sdelay $0x1  }
0x8a: {  	s1 =	srdreg.scid  }
0x8b: {  	s0 =	sand.u32 $0x1, s1  }
0x8c: {  	s17 =	sshll.u32 s0, $0xA;
	s2 =	sadd.s32 s3, s2  }
0x8d: {  	s2 =	sadd.s32 s2, s17  }
0x8e: {  	[smem:$0x3FC6] =	sst s2  }
0x8f: {  	_ = 	snop  }
0x90: {  	s2 =	sld [smem:$0x3FC9]  }
0x91: {  	s18 =	sld [smem:$0x3FC8];
	(tm) =	ssettm $0x1  }
0x92: {  	s4 =	sld [smem:$0x3FFB];
	_ =	sdelay $0x3  }
0x93: {  	_ =	strace s4  }
0x94: {  	s4 =	sld [smem:$0x3FFC];
	_ =	sdelay $0x3  }
0x95: {  	_ =	strace s4  }
0x96: {  	s4 =	sld [smem:$0x3FFD];
	_ =	sdelay $0x3  }
0x97: {  	_ =	strace s4  }
0x98: {  	_ =	strace $0x8FFFFFFF  }
0x99: {  	s19 =	sld [smem:$0x3FDB];
	_ =	sdelay $0x1  }
0x9a: {  	s5 =	simm.s32 $_scs_section_size  }
0x9b: {  	s6 =	simm.s32 $_size__tile_overlayer_lowered;
	s7 =	simm.s32 $_tile_overlayer_lowered  }
0x9c: {  	s22 =	simm.s32 $0x1BFF;
	s21 =	sshll.u32 s7, $0x1;
	s4 =	sadd.s32 s5, s19  }
0x9d: {  	s8 =	simm.s32 $0x0;
	s20 =	sshll.u32 s6, $0x1;
	s6 =	sadd.s32 s21, s4  }
0x9e: {  	[timem:s8], [sflag:s22] =	dma.local [hbm:s6], s20  }
0x9f: {  	_ =	swait.ge [sflag:s22], s20  }
0xa0: {  	s5 =	ssub.s32 $0x0, s20;
	[sflag:s22] =	ssyncset.done $0x0  }
0xa1: {  	[sflag:s22] =	ssyncadd.s32 s5;
	_ =	sdelay $0x1  }
0xa2: {  	s23 =	simm.s32 $0x1B8B  }
0xa3: {  	_ =	swait.ge [sflag:s23], $0x1  }
0xa4: {  	[sflag:s23] =	ssyncset.done $0x0  }
0xa5: {  	s25 =	simm.s32 $0x1B8E;
	s24 =	sld [smem:$0x3FFE];
	[sflag:s23] =	ssyncadd.s32 $0xFFFFFFFF  }
0xa6: {  	s26 =	simm.s32 $execute0_lowered;
	[smem:$0x3FD2] =	sst s25  }
0xa7: {  	s6 =	sshll.u32 s26, $0x1;
	_ =	strace $0x80000046;
	[dreg:$0x1] =	wrdreg $0xFFFFFFFF  }
0xa8: {  	s28 =	simm.s32 $_size_execute0_lowered;
	s4 =	sadd.s32 s4, s6;
	[dreg:$0x0] =	wrdreg $0x0  }
0xa9: {  	s6 =	sshll.u32 s28, $0x1;
	[dreg:$0x2] =	wrdreg s4  }
0xaa: {  	[dreg:$0x3] =	wrdreg s6  }
0xab: {  	[dreg:$0x4] =	wrdreg $0xC0  }
0xac: {  	_ =	task [dreg:s8], $0x5FFFF  }
0xad: {  	[dreg:$0x1] =	wrdreg $0xFFFFFFFF  }
0xae: {  	[dreg:$0x0] =	wrdreg $0x60  }
0xaf: {  	[dreg:$0x2] =	wrdreg s2  }
0xb0: {  	[dreg:$0x3] =	wrdreg s18  }
0xb1: {  	[dreg:$0x4] =	wrdreg s24  }
0xb2: {  	[dreg:$0x5] =	wrdreg $0x9  }
0xb3: {  	_ =	task.clear_ibuf [dreg:s8], $0x6FFFF;
	_ =	strace $0x90000046  }
0xb4: {  	s29 =	simm.s32 $0x9;
	_ =	strace $0x80000048  }
0xb5: {  	_ =	swait.ge [sflag:s29], $0x1  }
0xb6: {  	[sflag:s29] =	ssyncadd.s32 $0xFFFFFFFF  }
0xb7: {  	_ =	strace $0x90000048  }
0xb8: {  	_ =	sfence  }
0xb9: {  	s30 =	sld [smem:$0x0];
	_ =	sdelay $0x2  }
0xba: {  	s31 =	sshll.u32 s1, $0xD;
	s1 =	sshrl.u32 s1, $0x2  }
0xbb: {  	s3 =	sand.u32 $0x4000, s31;
	s1 =	sadd.s32 s1, s30  }
0xbc: {  	s0 =	sor.u32 s3, s0;
	s1 =	sshll.u32 s1, $0x11  }
0xbd: {  	s0 =	sor.u32 s1, s0  }
0xbe: {  	s0 =	sadd.s32 $0x8F2B, s0  }
0xbf: {  	[sflag:s0] =	ssyncadd.remote.s32 $0x1  }
0xc0: {  	_ =	sfence.sel $0xFFFF  }
0xc1: {  	[dreg:$0x0] =	wrdreg $0xFFFFFFFF;
	(pc) =	sbr.abs _section_cstart, $3  }
0xc2: {  	[dreg:$0x1] =	wrdreg $0xFFFFFFFF  }
0xc3: {  	_ =	task.clear_ibuf [dreg:s8], $0x2FFFF;
	_ =	strace $0x9FFFFFFF  }
0xc4: {  	(tm) =	ssettm $0x7FFFFFFF  }
0xc5: {  	_ =	shalt  }
tec
execute0_lowered:
.L_overlay_start_1:
0x0: {  	(tag) =	ssettag $0x1  }
0x1: {  	s1 =	rddreg [dreg:$0x0]  }
0x2: {  	s0 =	srdreg.scid;
	s3 =	rddreg [dreg:$0x1]  }
0x3: {  	s7 =	stileid.u32;
	s6 =	rddreg [dreg:$0x2]  }
0x4: {  	s4 =	simm.s32 $0x0;
	s18 =	simm.s32 $0x80;
	s0 =	sand.u32 $0x1, s0  }
0x5: {  	s19 =	simm.s32 $0x100;
	s28 =	simm.s32 $0x3;
	s2 =	sshll.u32 s0, $0x4  }
0x6: {  	[smem:$0x7FF] =	sst s4;
	s13 =	sadd.s32 $0x10, s1;
	s2 =	sor.u32 s7, s2  }
0x7: {  	_ =	strace $0x80000047;
	s0 =	ssub.s32 $0x2, s0;
	s5 =	sshrl.u32 s2, $0x3  }
0x8: {  	s7 =	sshll.u32 s7, $0x7;
	s25 =	sshrl.u32 s0, $0x1;
	s5 =	smul.u32 $0xC4000, s5  }
0x9: {  	s7 =	sand.u32 $0x380, s7;
	s8 =	smul.u32 $0x1F, s2;
	s23 =	smin.u32 s2, $0x8  }
0xa: {  	s0 =	ssub.s32 s0, s25;
	p0 =	slt.u32 s2, $0x8;
	s5 =	sor.u32 s7, s5  }
0xb: {  	s25 =	simm.s32 $0x2;
	s9 =	sshrl.u32 s5, $0x3;
	s5 =	sadd.s32 s23, s8  }
0xc: {  	s17 =	smax.u32 s0, $0x1;
	s23 =	simm.s32 $0x1;
	s8 =	smul.u32 $0x32, s5  }
0xd: {  	s24 =	sadd.s32 s9, s6;
	s26 =	smul.u32 $0x640, s5;
	s6 =	simm.s32 $0x20  }
0xe: {  	s29 =	smul.u32 $0x320, s5;
	s6 =	simm.s32 @!p0 $0x1F;
	s12 =	sadd.s32 $0xE00, s24  }
0xf: {  	s16 =	sadd.s32 $0x62E00, s24;
	s24 =	simm.s32 $0x6A00;
	s10 =	sadd.s32 $0x32, s8  }
.Ltmp0:
0x10: {  	s30 =	sadd.s32 s1, s26;
	s8 =	sadd.s32 s3, s29;
	(pc) =	sbr.rel .LBB2_1-.Ltmp0, $4  }
0x11: {  	s20 =	sand.u32 $0x1, s6;
	s14 =	sadd.s32 s26, s13;
	s26 =	simm.s32 $0x400  }
0x12: {  	[dreg:$0x4] =	wrdreg s30;
	s11 =	sshll.u32 s10, $0x4;
	s15 =	sshll.u32 s10, $0x5  }
0x13: {  	p0 =	seq.s32 s20, $0x0;
	s31 =	sand.u32 $0x1FFFFFE0, s11;
	s9 =	sadd.s32 s1, s15  }
0x14: {  	v0 =	vimm.f32 $0.0e+00;
	s11 =	sshrl.u32 s6, $0x1;
	s15 =	sadd.s32 s15, s13;
	s10 =	sadd.s32 s3, s31  }
.LBB2_25:
0x15: {  	s4 =	sadd.s32 $0x1, s4  }
0x16: {  	p1 =	sne.s32 s4, s17  }
.Ltmp1:
0x17: {  	_ = 	snop;
	(pc) =	sbr.rel @!p1 .LBB2_26-.Ltmp1, $4  }
0x18: {  	[hbm4b:s16+s18] =	stream.strided.scatter [tilespmem:s24], [sflag:$0x3], $0x18800, s26, s18, $0x38;
	[tilespmem:$0x1F200] =	vst v63  }
0x19: {  	_ =	swait.ge [sflag:s28], $0x18800  }
0x1a: {  	[sflag:s28] =	ssyncset.done $0x0  }
0x1b: {  	[sflag:s28] =	ssyncadd.s32 $0xFFFE7800  }
.LBB2_1:
0x1c: {  	s0 =	simm.s32 $0x6A40  }
0x1d: {  	[tilespmem:s0+$0xFFFFFFC0] =	vst v0  }
0x1e: {  	[tilespmem:s0+$0x30] =	vst v0  }
0x1f: {  	[tilespmem:s0+$0x20] =	vst v0  }
0x20: {  	[tilespmem:s0+$0x10] =	vst v0  }
0x21: {  	[tilespmem:s0+$0x0] =	vst v0  }
0x22: {  	[tilespmem:s0+$0xFFFFFFF0] =	vst v0  }
0x23: {  	s2 =	simm.s32 $0x0;
	[tilespmem:s0+$0xFFFFFFE0] =	vst v0  }
.LBB2_2:
0x24: {  	s2 =	sadd.s32 $0x8, s2;
	[tilespmem:s0+$0xFFFFFFD0] =	vst v0;
	s0 =	sadd.s32 $0x80, s0  }
0x25: {  	[tilespmem:s0+$0xFFFFFFC0] =	vst v0;
	p1 =	slt.u32 s2, $0x1878  }
0x26: {  	[tilespmem:s0+$0x30] =	vst v0  }
.Ltmp2:
0x27: {  	[tilespmem:s0+$0x20] =	vst v0;
	(pc) =	sbr.rel @p1 .LBB2_2-.Ltmp2, $4  }
0x28: {  	[tilespmem:s0+$0x10] =	vst v0  }
0x29: {  	[tilespmem:s0+$0x0] =	vst v0  }
0x2a: {  	[tilespmem:s0+$0xFFFFFFF0] =	vst v0  }
0x2b: {  	[tilespmem:s0+$0xFFFFFFE0] =	vst v0  }
0x2c: {  	[tilespmem:s0+$0xFFFFFFD0] =	vst v0  }
0x2d: {  	s29 =	simm.s32 $0x0;
	s0 =	rddreg [dreg:$0x4]  }
0x2e: {  	[tilespmem:s29], [sflag:$0x1] =	stream.strided.gather [hbm4b:s0+s18], $0x1900, s19, s18, $0x38;
	[tilespmem:$0x1F200] =	vst v63  }
0x2f: {  	s22 =	simm.s32 $0x3800  }
0x30: {  	[tilespmem:s22], [sflag:$0x1] =	stream.linear.gather [hbm4b:s8+s29], $0x1900, $0x38;
	[tilespmem:$0x1F200] =	vst v63  }
0x31: {  	s30 =	simm.s32 $0x1C00  }
0x32: {  	[tilespmem:s30], [sflag:$0x2] =	stream.strided.gather [hbm4b:s9+s18], $0x1900, s19, s18, $0x38;
	[tilespmem:$0x1F200] =	vst v63  }
0x33: {  	s31 =	simm.s32 $0x5100  }
0x34: {  	[tilespmem:s31], [sflag:$0x2] =	stream.linear.gather [hbm4b:s10+s29], $0x1900, $0x38;
	[tilespmem:$0x1F200] =	vst v63  }
.LBB2_4:
0x35: {  	_ =	swait.ge [sflag:s23], $0x1900  }
0x36: {  	[sflag:s23] =	ssyncset.done $0x0  }
0x37: {  	[sflag:s23] =	ssyncadd.s32 $0xFFFFE700  }
0x38: {  	_ =	swait.ge [sflag:s23], $0x1900  }
0x39: {  	[sflag:s23] =	ssyncset.done $0x0  }
0x3a: {  	s30 =	simm.s32 $0x80;
	[sflag:s23] =	ssyncadd.s32 $0xFFFFE700  }
0x3b: {  	v1 =	vld [tilespmem:s30+$0x0];
	_ =	sdelay $0x1  }
0x3c: {  	s31 =	simm.s32 $0x3880  }
0x3d: {  	v2 =	vld [tilespmem:s31+$0x0];
	_ =	sdelay $0x3  }
0x3e: {  	v3 =	vld [tilespmem:s30+$0xFFFFFF80]  }
0x3f: {  	[tilespmem:v1+s24+$0x0] =	vst.idx.add.f32.msk $0xffff, v2  }
0x40: {  	v1 =	vld [tilespmem:s30+$0x10]  }
0x41: {  	v4 =	vld [tilespmem:s31+$0xFFFFFF80];
	_ =	sdelay $0x1  }
0x42: {  	v2 =	vld [tilespmem:s31+$0x10];
	_ =	sdelay $0x2  }
0x43: {  	[tilespmem:v3+s24+$0x0] =	vst.idx.add.f32.msk $0xffff, v4  }
0x44: {  	v3 =	vld [tilespmem:s30+$0xFFFFFF90]  }
0x45: {  	[tilespmem:v1+s24+$0x0] =	vst.idx.add.f32.msk $0xffff, v2  }
0x46: {  	v1 =	vld [tilespmem:s30+$0x20]  }
0x47: {  	v4 =	vld [tilespmem:s31+$0xFFFFFF90];
	_ =	sdelay $0x1  }
0x48: {  	v2 =	vld [tilespmem:s31+$0x20];
	_ =	sdelay $0x2  }
0x49: {  	[tilespmem:v3+s24+$0x0] =	vst.idx.add.f32.msk $0xffff, v4  }
0x4a: {  	v3 =	vld [tilespmem:s30+$0xFFFFFFA0]  }
0x4b: {  	[tilespmem:v1+s24+$0x0] =	vst.idx.add.f32.msk $0xffff, v2  }
0x4c: {  	v1 =	vld [tilespmem:s30+$0x30]  }
0x4d: {  	v4 =	vld [tilespmem:s31+$0xFFFFFFA0];
	_ =	sdelay $0x1  }
0x4e: {  	v2 =	vld [tilespmem:s31+$0x30]  }
0x4f: {  	s2 =	simm.s32 $0x180  }
0x50: {  	v7 =	vld [tilespmem:s2+$0xFFFFFF80]  }
0x51: {  	[tilespmem:v3+s24+$0x0] =	vst.idx.add.f32.msk $0xffff, v4  }
0x52: {  	v3 =	vld [tilespmem:s30+$0xFFFFFFB0]  }
0x53: {  	[tilespmem:v1+s24+$0x0] =	vst.idx.add.f32.msk $0xffff, v2  }
0x54: {  	s0 =	simm.s32 $0x3980;
	v1 =	vld [tilespmem:s30+$0x40]  }
0x55: {  	v8 =	vld [tilespmem:s0+$0xFFFFFF80]  }
0x56: {  	v4 =	vld [tilespmem:s31+$0xFFFFFFB0]  }
0x57: {  	v2 =	vld [tilespmem:s31+$0x40];
	_ =	sdelay $0x1  }
0x58: {  	v5 =	vld [tilespmem:s2+$0x0]  }
0x59: {  	[tilespmem:v7+s24+$0x0] =	vst.idx.add.f32.msk $0xffff, v8  }
0x5a: {  	[tilespmem:v3+s24+$0x0] =	vst.idx.add.f32.msk $0xffff, v4  }
0x5b: {  	[tilespmem:v1+s24+$0x0] =	vst.idx.add.f32.msk $0xffff, v2  }
0x5c: {  	v2 =	vld [tilespmem:s0+$0x0]  }
0x5d: {  	v3 =	vld [tilespmem:s30+$0xFFFFFFC0]  }
0x5e: {  	v4 =	vld [tilespmem:s31+$0xFFFFFFC0]  }
0x5f: {  	v1 =	vld [tilespmem:s30+$0x50]  }
0x60: {  	v6 =	vld [tilespmem:s31+$0x50]  }
0x61: {  	[tilespmem:v5+s24+$0x0] =	vst.idx.add.f32.msk $0xffff, v2  }
0x62: {  	v5 =	vld [tilespmem:s2+$0xFFFFFF90]  }
0x63: {  	v2 =	vld [tilespmem:s2+$0x10]  }
0x64: {  	v61 =	vld [tilespmem:s0+$0xFFFFFF90]  }
0x65: {  	[tilespmem:v3+s24+$0x0] =	vst.idx.add.f32.msk $0xffff, v4  }
0x66: {  	v3 =	vld [tilespmem:s0+$0x10]  }
0x67: {  	[tilespmem:v1+s24+$0x0] =	vst.idx.add.f32.msk $0xffff, v6  }
0x68: {  	v1 =	vld [tilespmem:s30+$0x60]  }
0x69: {  	v4 =	vld [tilespmem:s31+$0x60]  }
0x6a: {  	[tilespmem:v5+s24+$0x0] =	vst.idx.add.f32.msk $0xffff, v61  }
0x6b: {  	[tilespmem:v2+s24+$0x0] =	vst.idx.add.f32.msk $0xffff, v3  }
0x6c: {  	v5 =	vld [tilespmem:s2+$0xFFFFFFA0]  }
0x6d: {  	v6 =	vld [tilespmem:s0+$0xFFFFFFA0]  }
0x6e: {  	v2 =	vld [tilespmem:s2+$0x20]  }
0x6f: {  	v3 =	vld [tilespmem:s0+$0x20]  }
0x70: {  	[tilespmem:v1+s24+$0x0] =	vst.idx.add.f32.msk $0xffff, v4  }
0x71: {  	v1 =	vld [tilespmem:s30+$0x70];
	_ =	sdelay $0x2  }
0x72: {  	v4 =	vld [tilespmem:s31+$0x70]  }
0x73: {  	[tilespmem:v5+s24+$0x0] =	vst.idx.add.f32.msk $0xffff, v6  }
0x74: {  	[tilespmem:v2+s24+$0x0] =	vst.idx.add.f32.msk $0xffff, v3  }
0x75: {  	v2 =	vld [tilespmem:s2+$0x30]  }
0x76: {  	v3 =	vld [tilespmem:s30+$0xFFFFFFD0]  }
0x77: {  	[tilespmem:v1+s24+$0x0] =	vst.idx.add.f32.msk $0xffff, v4  }
0x78: {  	v1 =	vld [tilespmem:s0+$0x30]  }
0x79: {  	v5 =	vld [tilespmem:s2+$0xFFFFFFB0]  }
0x7a: {  	v4 =	vld [tilespmem:s31+$0xFFFFFFD0];
	_ =	sdelay $0x1  }
0x7b: {  	v6 =	vld [tilespmem:s0+$0xFFFFFFB0]  }
0x7c: {  	[tilespmem:v2+s24+$0x0] =	vst.idx.add.f32.msk $0xffff, v1  }
0x7d: {  	v62 =	vld [tilespmem:s2+$0x40]  }
0x7e: {  	[tilespmem:v3+s24+$0x0] =	vst.idx.add.f32.msk $0xffff, v4  }
0x7f: {  	v4 =	vld [tilespmem:s30+$0xFFFFFFE0]  }
0x80: {  	v3 =	vld [tilespmem:s0+$0x40]  }
0x81: {  	[tilespmem:v5+s24+$0x0] =	vst.idx.add.f32.msk $0xffff, v6  }
0x82: {  	v63 =	vld [tilespmem:s31+$0xFFFFFFE0]  }
0x83: {  	v1 =	vld [tilespmem:s2+$0xFFFFFFC0]  }
0x84: {  	v2 =	vld [tilespmem:s0+$0xFFFFFFC0]  }
0x85: {  	[tilespmem:v62+s24+$0x0] =	vst.idx.add.f32.msk $0xffff, v3  }
0x86: {  	v3 =	vld [tilespmem:s2+$0x50]  }
0x87: {  	s21 =	simm.s32 $0x2;
	s22 =	simm.s32 $0x280;
	s20 =	simm.s32 $0x3980;
	[tilespmem:v4+s24+$0x0] =	vst.idx.add.f32.msk $0xffff, v63  }
.LBB2_5:
0x88: {  	v4 =	vld [tilespmem:s22+$0x0]  }
0x89: {  	s21 =	sadd.s32 $0x2, s21;
	v5 =	vld [tilespmem:s0+$0x50]  }
0x8a: {  	p1 =	slt.u32 s21, $0x30;
	s0 =	sadd.s32 $0x100, s0;
	v6 =	vld [tilespmem:s22+$0xFFFFFF80]  }
0x8b: {  	v7 =	vld [tilespmem:s0+$0x0]  }
0x8c: {  	v8 =	vld [tilespmem:s0+$0xFFFFFF80]  }
0x8d: {  	[tilespmem:v1+s24+$0x0] =	vst.idx.add.f32.msk $0xffff, v2  }
0x8e: {  	[tilespmem:v3+s24+$0x0] =	vst.idx.add.f32.msk $0xffff, v5  }
0x8f: {  	v1 =	vld [tilespmem:s2+$0x60]  }
0x90: {  	[tilespmem:v4+s24+$0x0] =	vst.idx.add.f32.msk $0xffff, v7  }
0x91: {  	v2 =	vld [tilespmem:s22+$0x10]  }
0x92: {  	v3 =	vld [tilespmem:s20+$0x60]  }
0x93: {  	[tilespmem:v6+s24+$0x0] =	vst.idx.add.f32.msk $0xffff, v8  }
0x94: {  	v4 =	vld [tilespmem:s0+$0x10]  }
0x95: {  	v5 =	vld [tilespmem:s22+$0xFFFFFF90]  }
0x96: {  	v6 =	vld [tilespmem:s0+$0xFFFFFF90]  }
0x97: {  	[tilespmem:v1+s24+$0x0] =	vst.idx.add.f32.msk $0xffff, v3  }
0x98: {  	v1 =	vld [tilespmem:s2+$0x70]  }
0x99: {  	[tilespmem:v2+s24+$0x0] =	vst.idx.add.f32.msk $0xffff, v4  }
0x9a: {  	v2 =	vld [tilespmem:s22+$0x20]  }
0x9b: {  	v3 =	vld [tilespmem:s20+$0x70]  }
0x9c: {  	v4 =	vld [tilespmem:s2+$0xFFFFFFD0]  }
0x9d: {  	[tilespmem:v5+s24+$0x0] =	vst.idx.add.f32.msk $0xffff, v6  }
0x9e: {  	v5 =	vld [tilespmem:s0+$0x20]  }
0x9f: {  	v6 =	vld [tilespmem:s22+$0xFFFFFFA0]  }
0xa0: {  	[tilespmem:v1+s24+$0x0] =	vst.idx.add.f32.msk $0xffff, v3  }
0xa1: {  	v1 =	vld [tilespmem:s0+$0xFFFFFFA0]  }
0xa2: {  	v3 =	vld [tilespmem:s20+$0xFFFFFFD0]  }
0xa3: {  	[tilespmem:v2+s24+$0x0] =	vst.idx.add.f32.msk $0xffff, v5  }
0xa4: {  	v2 =	vld [tilespmem:s22+$0x30]  }
0xa5: {  	v5 =	vld [tilespmem:s30+$0xFFFFFFF0];
	s30 =	smov.u32 s2;
	s2 =	smov.u32 s22  }
0xa6: {  	v7 =	vld [tilespmem:s31+$0xFFFFFFF0];
	s31 =	smov.u32 s20;
	s20 =	smov.u32 s0  }
0xa7: {  	v8 =	vld [tilespmem:s0+$0x30]  }
0xa8: {  	[tilespmem:v6+s24+$0x0] =	vst.idx.add.f32.msk $0xffff, v1  }
0xa9: {  	v1 =	vld [tilespmem:s22+$0xFFFFFFB0]  }
0xaa: {  	v6 =	vld [tilespmem:s0+$0xFFFFFFB0]  }
0xab: {  	[tilespmem:v4+s24+$0x0] =	vst.idx.add.f32.msk $0xffff, v3  }
0xac: {  	[tilespmem:v2+s24+$0x0] =	vst.idx.add.f32.msk $0xffff, v8  }
0xad: {  	v3 =	vld [tilespmem:s22+$0x40]  }
0xae: {  	v4 =	vld [tilespmem:s30+$0xFFFFFFE0]  }
0xaf: {  	v8 =	vld [tilespmem:s31+$0xFFFFFFE0]  }
0xb0: {  	v9 =	vld [tilespmem:s0+$0x40]  }
0xb1: {  	[tilespmem:v1+s24+$0x0] =	vst.idx.add.f32.msk $0xffff, v6  }
0xb2: {  	v1 =	vld [tilespmem:s22+$0xFFFFFFC0]  }
.Ltmp3:
0xb3: {  	v2 =	vld [tilespmem:s0+$0xFFFFFFC0];
	(pc) =	sbr.rel @p1 .LBB2_5-.Ltmp3, $4  }
0xb4: {  	[tilespmem:v5+s24+$0x0] =	vst.idx.add.f32.msk $0xffff, v7  }
0xb5: {  	[tilespmem:v3+s24+$0x0] =	vst.idx.add.f32.msk $0xffff, v9  }
0xb6: {  	v3 =	vld [tilespmem:s22+$0x50]  }
0xb7: {  	s22 =	sadd.s32 $0x100, s22;
	[tilespmem:v4+s24+$0x0] =	vst.idx.add.f32.msk $0xffff, v8  }
0xb8: {  	_ =	sdelay $0x2  }
0xb9: {  	v4 =	vld [tilespmem:s0+$0x50]  }
0xba: {  	[tilespmem:v1+s24+$0x0] =	vst.idx.add.f32.msk $0xffff, v2  }
0xbb: {  	v1 =	vld [tilespmem:s2+$0xFFFFFFD0];
	_ =	sdelay $0x2  }
0xbc: {  	v2 =	vld [tilespmem:s20+$0xFFFFFFD0];
	_ =	sdelay $0x1  }
0xbd: {  	[tilespmem:v3+s24+$0x0] =	vst.idx.add.f32.msk $0xffff, v4  }
0xbe: {  	v3 =	vld [tilespmem:s2+$0x60]  }
0xbf: {  	v4 =	vld [tilespmem:s20+$0x60]  }
0xc0: {  	[tilespmem:v1+s24+$0x0] =	vst.idx.add.f32.msk $0xffff, v2  }
0xc1: {  	v1 =	vld [tilespmem:s2+$0xFFFFFFE0];
	_ =	sdelay $0x2  }
0xc2: {  	v2 =	vld [tilespmem:s20+$0xFFFFFFE0];
	_ =	sdelay $0x1  }
0xc3: {  	[tilespmem:v3+s24+$0x0] =	vst.idx.add.f32.msk $0xffff, v4  }
0xc4: {  	v4 =	vld [tilespmem:s30+$0xFFFFFFF0]  }
0xc5: {  	v3 =	vld [tilespmem:s2+$0x70]  }
0xc6: {  	[tilespmem:v1+s24+$0x0] =	vst.idx.add.f32.msk $0xffff, v2  }
0xc7: {  	v1 =	vld [tilespmem:s2+$0xFFFFFFF0]  }
0xc8: {  	v5 =	vld [tilespmem:s31+$0xFFFFFFF0]  }
0xc9: {  	s30 =	sshll.u32 s29, $0x1;
	v2 =	vld [tilespmem:s20+$0x70]  }
0xca: {  	s0 =	sadd.s32 $0x2, s30;
	v6 =	vld [tilespmem:s20+$0xFFFFFFF0]  }
0xcb: {  	p1 =	sge.u32 s0, s6  }
0xcc: {  	s0 =	sadd.s32 @!p1 s5, s0  }
0xcd: {  	s2 =	smul.u32 @!p1 $0x640, s0;
	[tilespmem:v4+s24+$0x0] =	vst.idx.add.f32.msk $0xffff, v5  }
0xce: {  	s7 =	simm.s32 @!p1 $0x80;
	s21 =	simm.s32 @!p1 $0x0;
	[tilespmem:v3+s24+$0x0] =	vst.idx.add.f32.msk $0xffff, v2  }
0xcf: {  	s20 =	simm.s32 @!p1 $0x100;
	s0 =	smul.u32 @!p1 $0x320, s0;
	s2 =	sadd.s32 @!p1 s1, s2;
	[tilespmem:v1+s24+$0x0] =	vst.idx.add.f32.msk $0xffff, v6  }
0xd0: {  	[tilespmem:s21], [sflag:$0x1] =	stream.strided.gather @!p1 [hbm4b:s2+s7], $0x1900, s20, s7, $0x38;
	[tilespmem:$0x1F200] =	vst v63  }
0xd1: {  	s0 =	sadd.s32 @!p1 s3, s0;
	s2 =	simm.s32 @!p1 $0x3800  }
0xd2: {  	[tilespmem:s2], [sflag:$0x1] =	stream.linear.gather @!p1 [hbm4b:s0+s21], $0x1900, $0x38;
	[tilespmem:$0x1F200] =	vst v63  }
0xd3: {  	_ =	swait.ge [sflag:s25], $0x1900  }
0xd4: {  	[sflag:s25] =	ssyncset.done $0x0  }
0xd5: {  	[sflag:s25] =	ssyncadd.s32 $0xFFFFE700  }
0xd6: {  	_ =	swait.ge [sflag:s25], $0x1900  }
0xd7: {  	[sflag:s25] =	ssyncset.done $0x0  }
0xd8: {  	s2 =	simm.s32 $0x1C80;
	[sflag:s25] =	ssyncadd.s32 $0xFFFFE700  }
0xd9: {  	v1 =	vld [tilespmem:s2+$0x0];
	_ =	sdelay $0x1  }
0xda: {  	s31 =	simm.s32 $0x5180  }
0xdb: {  	v2 =	vld [tilespmem:s31+$0x0];
	_ =	sdelay $0x3  }
0xdc: {  	v3 =	vld [tilespmem:s2+$0xFFFFFF80]  }
0xdd: {  	[tilespmem:v1+s24+$0x0] =	vst.idx.add.f32.msk $0xffff, v2  }
0xde: {  	v1 =	vld [tilespmem:s2+$0x10]  }
0xdf: {  	v4 =	vld [tilespmem:s31+$0xFFFFFF80];
	_ =	sdelay $0x1  }
0xe0: {  	v2 =	vld [tilespmem:s31+$0x10];
	_ =	sdelay $0x2  }
0xe1: {  	[tilespmem:v3+s24+$0x0] =	vst.idx.add.f32.msk $0xffff, v4  }
0xe2: {  	v3 =	vld [tilespmem:s2+$0xFFFFFF90]  }
0xe3: {  	[tilespmem:v1+s24+$0x0] =	vst.idx.add.f32.msk $0xffff, v2  }
0xe4: {  	v1 =	vld [tilespmem:s2+$0x20]  }
0xe5: {  	v4 =	vld [tilespmem:s31+$0xFFFFFF90];
	_ =	sdelay $0x1  }
0xe6: {  	v2 =	vld [tilespmem:s31+$0x20];
	_ =	sdelay $0x2  }
0xe7: {  	[tilespmem:v3+s24+$0x0] =	vst.idx.add.f32.msk $0xffff, v4  }
0xe8: {  	v3 =	vld [tilespmem:s2+$0xFFFFFFA0]  }
0xe9: {  	[tilespmem:v1+s24+$0x0] =	vst.idx.add.f32.msk $0xffff, v2  }
0xea: {  	v1 =	vld [tilespmem:s2+$0x30]  }
0xeb: {  	v4 =	vld [tilespmem:s31+$0xFFFFFFA0];
	_ =	sdelay $0x1  }
0xec: {  	v2 =	vld [tilespmem:s31+$0x30]  }
0xed: {  	s0 =	simm.s32 $0x1D80  }
0xee: {  	v7 =	vld [tilespmem:s0+$0xFFFFFF80]  }
0xef: {  	[tilespmem:v3+s24+$0x0] =	vst.idx.add.f32.msk $0xffff, v4  }
0xf0: {  	v3 =	vld [tilespmem:s2+$0xFFFFFFB0]  }
0xf1: {  	[tilespmem:v1+s24+$0x0] =	vst.idx.add.f32.msk $0xffff, v2  }
0xf2: {  	s20 =	simm.s32 $0x5280;
	v1 =	vld [tilespmem:s2+$0x40]  }
0xf3: {  	v8 =	vld [tilespmem:s20+$0xFFFFFF80]  }
0xf4: {  	v4 =	vld [tilespmem:s31+$0xFFFFFFB0]  }
0xf5: {  	v2 =	vld [tilespmem:s31+$0x40];
	_ =	sdelay $0x1  }
0xf6: {  	v5 =	vld [tilespmem:s0+$0x0]  }
0xf7: {  	[tilespmem:v7+s24+$0x0] =	vst.idx.add.f32.msk $0xffff, v8  }
0xf8: {  	[tilespmem:v3+s24+$0x0] =	vst.idx.add.f32.msk $0xffff, v4  }
0xf9: {  	[tilespmem:v1+s24+$0x0] =	vst.idx.add.f32.msk $0xffff, v2  }
0xfa: {  	v2 =	vld [tilespmem:s20+$0x0]  }
0xfb: {  	v3 =	vld [tilespmem:s2+$0xFFFFFFC0]  }
0xfc: {  	v4 =	vld [tilespmem:s31+$0xFFFFFFC0]  }
0xfd: {  	v1 =	vld [tilespmem:s2+$0x50]  }
0xfe: {  	v60 =	vld [tilespmem:s31+$0x50]  }
0xff: {  	[tilespmem:v5+s24+$0x0] =	vst.idx.add.f32.msk $0xffff, v2  }
0x100: {  	v5 =	vld [tilespmem:s0+$0xFFFFFF90]  }
0x101: {  	v2 =	vld [tilespmem:s0+$0x10]  }
0x102: {  	v61 =	vld [tilespmem:s20+$0xFFFFFF90]  }
0x103: {  	[tilespmem:v3+s24+$0x0] =	vst.idx.add.f32.msk $0xffff, v4  }
0x104: {  	v3 =	vld [tilespmem:s20+$0x10]  }
0x105: {  	[tilespmem:v1+s24+$0x0] =	vst.idx.add.f32.msk $0xffff, v60  }
0x106: {  	v1 =	vld [tilespmem:s2+$0x60]  }
0x107: {  	v4 =	vld [tilespmem:s31+$0x60]  }
0x108: {  	[tilespmem:v5+s24+$0x0] =	vst.idx.add.f32.msk $0xffff, v61  }
0x109: {  	[tilespmem:v2+s24+$0x0] =	vst.idx.add.f32.msk $0xffff, v3  }
0x10a: {  	v5 =	vld [tilespmem:s0+$0xFFFFFFA0]  }
0x10b: {  	v6 =	vld [tilespmem:s20+$0xFFFFFFA0]  }
0x10c: {  	v2 =	vld [tilespmem:s0+$0x20]  }
0x10d: {  	v3 =	vld [tilespmem:s20+$0x20]  }
0x10e: {  	[tilespmem:v1+s24+$0x0] =	vst.idx.add.f32.msk $0xffff, v4  }
0x10f: {  	v1 =	vld [tilespmem:s2+$0x70];
	_ =	sdelay $0x2  }
0x110: {  	v4 =	vld [tilespmem:s31+$0x70]  }
0x111: {  	[tilespmem:v5+s24+$0x0] =	vst.idx.add.f32.msk $0xffff, v6  }
0x112: {  	[tilespmem:v2+s24+$0x0] =	vst.idx.add.f32.msk $0xffff, v3  }
0x113: {  	v2 =	vld [tilespmem:s0+$0x30]  }
0x114: {  	v3 =	vld [tilespmem:s2+$0xFFFFFFD0]  }
0x115: {  	[tilespmem:v1+s24+$0x0] =	vst.idx.add.f32.msk $0xffff, v4  }
0x116: {  	v1 =	vld [tilespmem:s20+$0x30]  }
0x117: {  	v5 =	vld [tilespmem:s0+$0xFFFFFFB0]  }
0x118: {  	v4 =	vld [tilespmem:s31+$0xFFFFFFD0];
	_ =	sdelay $0x1  }
0x119: {  	v6 =	vld [tilespmem:s20+$0xFFFFFFB0]  }
0x11a: {  	[tilespmem:v2+s24+$0x0] =	vst.idx.add.f32.msk $0xffff, v1  }
0x11b: {  	v62 =	vld [tilespmem:s0+$0x40]  }
0x11c: {  	[tilespmem:v3+s24+$0x0] =	vst.idx.add.f32.msk $0xffff, v4  }
0x11d: {  	v4 =	vld [tilespmem:s2+$0xFFFFFFE0]  }
0x11e: {  	v3 =	vld [tilespmem:s20+$0x40]  }
0x11f: {  	[tilespmem:v5+s24+$0x0] =	vst.idx.add.f32.msk $0xffff, v6  }
0x120: {  	v63 =	vld [tilespmem:s31+$0xFFFFFFE0]  }
0x121: {  	v1 =	vld [tilespmem:s0+$0xFFFFFFC0]  }
0x122: {  	v2 =	vld [tilespmem:s20+$0xFFFFFFC0]  }
0x123: {  	[tilespmem:v62+s24+$0x0] =	vst.idx.add.f32.msk $0xffff, v3  }
0x124: {  	v3 =	vld [tilespmem:s0+$0x50]  }
0x125: {  	s22 =	simm.s32 $0x2;
	s7 =	simm.s32 $0x1E80;
	s21 =	simm.s32 $0x5280;
	[tilespmem:v4+s24+$0x0] =	vst.idx.add.f32.msk $0xffff, v63  }
.LBB2_7:
0x126: {  	v4 =	vld [tilespmem:s7+$0x0]  }
0x127: {  	s22 =	sadd.s32 $0x2, s22;
	v5 =	vld [tilespmem:s20+$0x50]  }
0x128: {  	p1 =	slt.u32 s22, $0x30;
	s20 =	sadd.s32 $0x100, s20;
	v6 =	vld [tilespmem:s7+$0xFFFFFF80]  }
0x129: {  	v7 =	vld [tilespmem:s20+$0x0]  }
0x12a: {  	v8 =	vld [tilespmem:s20+$0xFFFFFF80]  }
0x12b: {  	[tilespmem:v1+s24+$0x0] =	vst.idx.add.f32.msk $0xffff, v2  }
0x12c: {  	[tilespmem:v3+s24+$0x0] =	vst.idx.add.f32.msk $0xffff, v5  }
0x12d: {  	v1 =	vld [tilespmem:s0+$0x60]  }
0x12e: {  	[tilespmem:v4+s24+$0x0] =	vst.idx.add.f32.msk $0xffff, v7  }
0x12f: {  	v2 =	vld [tilespmem:s7+$0x10]  }
0x130: {  	v3 =	vld [tilespmem:s21+$0x60]  }
0x131: {  	[tilespmem:v6+s24+$0x0] =	vst.idx.add.f32.msk $0xffff, v8  }
0x132: {  	v4 =	vld [tilespmem:s20+$0x10]  }
0x133: {  	v5 =	vld [tilespmem:s7+$0xFFFFFF90]  }
0x134: {  	v6 =	vld [tilespmem:s20+$0xFFFFFF90]  }
0x135: {  	[tilespmem:v1+s24+$0x0] =	vst.idx.add.f32.msk $0xffff, v3  }
0x136: {  	v1 =	vld [tilespmem:s0+$0x70]  }
0x137: {  	[tilespmem:v2+s24+$0x0] =	vst.idx.add.f32.msk $0xffff, v4  }
0x138: {  	v2 =	vld [tilespmem:s7+$0x20]  }
0x139: {  	v3 =	vld [tilespmem:s21+$0x70]  }
0x13a: {  	v4 =	vld [tilespmem:s0+$0xFFFFFFD0]  }
0x13b: {  	[tilespmem:v5+s24+$0x0] =	vst.idx.add.f32.msk $0xffff, v6  }
0x13c: {  	v5 =	vld [tilespmem:s20+$0x20]  }
0x13d: {  	v6 =	vld [tilespmem:s7+$0xFFFFFFA0]  }
0x13e: {  	[tilespmem:v1+s24+$0x0] =	vst.idx.add.f32.msk $0xffff, v3  }
0x13f: {  	v1 =	vld [tilespmem:s20+$0xFFFFFFA0]  }
0x140: {  	v3 =	vld [tilespmem:s21+$0xFFFFFFD0]  }
0x141: {  	[tilespmem:v2+s24+$0x0] =	vst.idx.add.f32.msk $0xffff, v5  }
0x142: {  	v2 =	vld [tilespmem:s7+$0x30]  }
0x143: {  	v5 =	vld [tilespmem:s2+$0xFFFFFFF0];
	s2 =	smov.u32 s0;
	s0 =	smov.u32 s7  }
0x144: {  	v7 =	vld [tilespmem:s31+$0xFFFFFFF0];
	s31 =	smov.u32 s21;
	s21 =	smov.u32 s20  }
0x145: {  	v8 =	vld [tilespmem:s20+$0x30]  }
0x146: {  	[tilespmem:v6+s24+$0x0] =	vst.idx.add.f32.msk $0xffff, v1  }
0x147: {  	v1 =	vld [tilespmem:s7+$0xFFFFFFB0]  }
0x148: {  	v6 =	vld [tilespmem:s20+$0xFFFFFFB0]  }
0x149: {  	[tilespmem:v4+s24+$0x0] =	vst.idx.add.f32.msk $0xffff, v3  }
0x14a: {  	[tilespmem:v2+s24+$0x0] =	vst.idx.add.f32.msk $0xffff, v8  }
0x14b: {  	v3 =	vld [tilespmem:s7+$0x40]  }
0x14c: {  	v4 =	vld [tilespmem:s2+$0xFFFFFFE0]  }
0x14d: {  	v8 =	vld [tilespmem:s31+$0xFFFFFFE0]  }
0x14e: {  	v9 =	vld [tilespmem:s20+$0x40]  }
0x14f: {  	[tilespmem:v1+s24+$0x0] =	vst.idx.add.f32.msk $0xffff, v6  }
0x150: {  	v1 =	vld [tilespmem:s7+$0xFFFFFFC0]  }
.Ltmp4:
0x151: {  	v2 =	vld [tilespmem:s20+$0xFFFFFFC0];
	(pc) =	sbr.rel @p1 .LBB2_7-.Ltmp4, $4  }
0x152: {  	[tilespmem:v5+s24+$0x0] =	vst.idx.add.f32.msk $0xffff, v7  }
0x153: {  	[tilespmem:v3+s24+$0x0] =	vst.idx.add.f32.msk $0xffff, v9  }
0x154: {  	v3 =	vld [tilespmem:s7+$0x50]  }
0x155: {  	s7 =	sadd.s32 $0x100, s7;
	[tilespmem:v4+s24+$0x0] =	vst.idx.add.f32.msk $0xffff, v8  }
0x156: {  	_ =	sdelay $0x3  }
0x157: {  	[tilespmem:v1+s24+$0x0] =	vst.idx.add.f32.msk $0xffff, v2  }
0x158: {  	v1 =	vld [tilespmem:s0+$0xFFFFFFD0]  }
0x159: {  	v4 =	vld [tilespmem:s20+$0x50];
	_ =	sdelay $0x1  }
0x15a: {  	v2 =	vld [tilespmem:s21+$0xFFFFFFD0];
	_ =	sdelay $0x2  }
0x15b: {  	[tilespmem:v3+s24+$0x0] =	vst.idx.add.f32.msk $0xffff, v4  }
0x15c: {  	v3 =	vld [tilespmem:s0+$0x60]  }
0x15d: {  	[tilespmem:v1+s24+$0x0] =	vst.idx.add.f32.msk $0xffff, v2  }
0x15e: {  	v1 =	vld [tilespmem:s0+$0xFFFFFFE0]  }
0x15f: {  	v4 =	vld [tilespmem:s21+$0x60];
	_ =	sdelay $0x1  }
0x160: {  	v2 =	vld [tilespmem:s21+$0xFFFFFFE0];
	_ =	sdelay $0x1  }
0x161: {  	v63 =	vld [tilespmem:s2+$0xFFFFFFF0]  }
0x162: {  	[tilespmem:v3+s24+$0x0] =	vst.idx.add.f32.msk $0xffff, v4  }
0x163: {  	v3 =	vld [tilespmem:s0+$0x70]  }
0x164: {  	[tilespmem:v1+s24+$0x0] =	vst.idx.add.f32.msk $0xffff, v2  }
0x165: {  	v1 =	vld [tilespmem:s0+$0xFFFFFFF0]  }
0x166: {  	v5 =	vld [tilespmem:s31+$0xFFFFFFF0]  }
0x167: {  	v2 =	vld [tilespmem:s21+$0x70]  }
0x168: {  	s0 =	sadd.s32 $0x3, s30;
	v6 =	vld [tilespmem:s21+$0xFFFFFFF0]  }
0x169: {  	p1 =	sge.u32 s0, s6  }
0x16a: {  	s0 =	sadd.s32 @!p1 s5, s0  }
0x16b: {  	[tilespmem:v63+s24+$0x0] =	vst.idx.add.f32.msk $0xffff, v5;
	s2 =	smul.u32 @!p1 $0x640, s0  }
0x16c: {  	s29 =	sadd.s32 $0x1, s29;
	s7 =	simm.s32 @!p1 $0x80;
	s20 =	simm.s32 @!p1 $0x100;
	[tilespmem:v3+s24+$0x0] =	vst.idx.add.f32.msk $0xffff, v2  }
0x16d: {  	s21 =	simm.s32 @!p1 $0x1C00;
	s0 =	smul.u32 @!p1 $0x320, s0;
	s2 =	sadd.s32 @!p1 s1, s2;
	[tilespmem:v1+s24+$0x0] =	vst.idx.add.f32.msk $0xffff, v6  }
0x16e: {  	[tilespmem:s21], [sflag:$0x2] =	stream.strided.gather @!p1 [hbm4b:s2+s7], $0x1900, s20, s7, $0x38;
	[tilespmem:$0x1F200] =	vst v63  }
0x16f: {  	s0 =	sadd.s32 @!p1 s3, s0;
	s2 =	simm.s32 @!p1 $0x0;
	s7 =	simm.s32 @!p1 $0x5100  }
0x170: {  	[tilespmem:s7], [sflag:$0x2] =	stream.linear.gather @!p1 [hbm4b:s0+s2], $0x1900, $0x38;
	[tilespmem:$0x1F200] =	vst v63  }
0x171: {  	p1 =	sne.s32 s29, s11  }
.Ltmp5:
0x172: {  	_ = 	snop;
	(pc) =	sbr.rel @p1 .LBB2_4-.Ltmp5, $1  }
0x173: {  	_ =	sdelay $0x3  }
.Ltmp6:
0x174: {  	(pc) =	sbr.rel @p0 .LBB2_13-.Ltmp6, $1  }
0x175: {  	_ =	sdelay $0x3  }
0x176: {  	_ =	swait.ge [sflag:s23], $0x1900  }
0x177: {  	[sflag:s23] =	ssyncset.done $0x0  }
0x178: {  	[sflag:s23] =	ssyncadd.s32 $0xFFFFE700  }
0x179: {  	_ =	swait.ge [sflag:s23], $0x1900  }
0x17a: {  	[sflag:s23] =	ssyncset.done $0x0  }
0x17b: {  	s2 =	simm.s32 $0x80;
	[sflag:s23] =	ssyncadd.s32 $0xFFFFE700  }
0x17c: {  	v1 =	vld [tilespmem:s2+$0x0];
	_ =	sdelay $0x1  }
0x17d: {  	s29 =	simm.s32 $0x3880  }
0x17e: {  	v2 =	vld [tilespmem:s29+$0x0];
	_ =	sdelay $0x3  }
0x17f: {  	v3 =	vld [tilespmem:s2+$0xFFFFFF80]  }
0x180: {  	[tilespmem:v1+s24+$0x0] =	vst.idx.add.f32.msk $0xffff, v2  }
0x181: {  	v1 =	vld [tilespmem:s2+$0x10]  }
0x182: {  	v4 =	vld [tilespmem:s29+$0xFFFFFF80];
	_ =	sdelay $0x1  }
0x183: {  	v2 =	vld [tilespmem:s29+$0x10];
	_ =	sdelay $0x2  }
0x184: {  	[tilespmem:v3+s24+$0x0] =	vst.idx.add.f32.msk $0xffff, v4  }
0x185: {  	v3 =	vld [tilespmem:s2+$0xFFFFFF90]  }
0x186: {  	[tilespmem:v1+s24+$0x0] =	vst.idx.add.f32.msk $0xffff, v2  }
0x187: {  	v1 =	vld [tilespmem:s2+$0x20]  }
0x188: {  	v4 =	vld [tilespmem:s29+$0xFFFFFF90];
	_ =	sdelay $0x1  }
0x189: {  	v2 =	vld [tilespmem:s29+$0x20];
	_ =	sdelay $0x2  }
0x18a: {  	[tilespmem:v3+s24+$0x0] =	vst.idx.add.f32.msk $0xffff, v4  }
0x18b: {  	v3 =	vld [tilespmem:s2+$0xFFFFFFA0]  }
0x18c: {  	[tilespmem:v1+s24+$0x0] =	vst.idx.add.f32.msk $0xffff, v2  }
0x18d: {  	v1 =	vld [tilespmem:s2+$0x30]  }
0x18e: {  	v4 =	vld [tilespmem:s29+$0xFFFFFFA0];
	_ =	sdelay $0x1  }
0x18f: {  	v2 =	vld [tilespmem:s29+$0x30]  }
0x190: {  	s0 =	simm.s32 $0x180  }
0x191: {  	v7 =	vld [tilespmem:s0+$0xFFFFFF80]  }
0x192: {  	[tilespmem:v3+s24+$0x0] =	vst.idx.add.f32.msk $0xffff, v4  }
0x193: {  	v3 =	vld [tilespmem:s2+$0xFFFFFFB0]  }
0x194: {  	[tilespmem:v1+s24+$0x0] =	vst.idx.add.f32.msk $0xffff, v2  }
0x195: {  	s20 =	simm.s32 $0x3980;
	v1 =	vld [tilespmem:s2+$0x40]  }
0x196: {  	v8 =	vld [tilespmem:s20+$0xFFFFFF80]  }
0x197: {  	v4 =	vld [tilespmem:s29+$0xFFFFFFB0]  }
0x198: {  	v2 =	vld [tilespmem:s29+$0x40];
	_ =	sdelay $0x1  }
0x199: {  	v5 =	vld [tilespmem:s0+$0x0]  }
0x19a: {  	[tilespmem:v7+s24+$0x0] =	vst.idx.add.f32.msk $0xffff, v8  }
0x19b: {  	[tilespmem:v3+s24+$0x0] =	vst.idx.add.f32.msk $0xffff, v4  }
0x19c: {  	[tilespmem:v1+s24+$0x0] =	vst.idx.add.f32.msk $0xffff, v2  }
0x19d: {  	v2 =	vld [tilespmem:s20+$0x0]  }
0x19e: {  	v3 =	vld [tilespmem:s2+$0xFFFFFFC0]  }
0x19f: {  	v4 =	vld [tilespmem:s29+$0xFFFFFFC0]  }
0x1a0: {  	v1 =	vld [tilespmem:s2+$0x50]  }
0x1a1: {  	v6 =	vld [tilespmem:s29+$0x50]  }
0x1a2: {  	[tilespmem:v5+s24+$0x0] =	vst.idx.add.f32.msk $0xffff, v2  }
0x1a3: {  	v5 =	vld [tilespmem:s0+$0xFFFFFF90]  }
0x1a4: {  	v2 =	vld [tilespmem:s0+$0x10]  }
0x1a5: {  	v61 =	vld [tilespmem:s20+$0xFFFFFF90]  }
0x1a6: {  	[tilespmem:v3+s24+$0x0] =	vst.idx.add.f32.msk $0xffff, v4  }
0x1a7: {  	v3 =	vld [tilespmem:s20+$0x10]  }
0x1a8: {  	[tilespmem:v1+s24+$0x0] =	vst.idx.add.f32.msk $0xffff, v6  }
0x1a9: {  	v1 =	vld [tilespmem:s2+$0x60]  }
0x1aa: {  	v4 =	vld [tilespmem:s29+$0x60]  }
0x1ab: {  	[tilespmem:v5+s24+$0x0] =	vst.idx.add.f32.msk $0xffff, v61  }
0x1ac: {  	[tilespmem:v2+s24+$0x0] =	vst.idx.add.f32.msk $0xffff, v3  }
0x1ad: {  	v5 =	vld [tilespmem:s0+$0xFFFFFFA0]  }
0x1ae: {  	v6 =	vld [tilespmem:s20+$0xFFFFFFA0]  }
0x1af: {  	v2 =	vld [tilespmem:s0+$0x20]  }
0x1b0: {  	v3 =	vld [tilespmem:s20+$0x20]  }
0x1b1: {  	[tilespmem:v1+s24+$0x0] =	vst.idx.add.f32.msk $0xffff, v4  }
0x1b2: {  	v1 =	vld [tilespmem:s2+$0x70];
	_ =	sdelay $0x2  }
0x1b3: {  	v4 =	vld [tilespmem:s29+$0x70]  }
0x1b4: {  	[tilespmem:v5+s24+$0x0] =	vst.idx.add.f32.msk $0xffff, v6  }
0x1b5: {  	[tilespmem:v2+s24+$0x0] =	vst.idx.add.f32.msk $0xffff, v3  }
0x1b6: {  	v2 =	vld [tilespmem:s0+$0x30]  }
0x1b7: {  	v3 =	vld [tilespmem:s2+$0xFFFFFFD0]  }
0x1b8: {  	[tilespmem:v1+s24+$0x0] =	vst.idx.add.f32.msk $0xffff, v4  }
0x1b9: {  	v1 =	vld [tilespmem:s20+$0x30]  }
0x1ba: {  	v5 =	vld [tilespmem:s0+$0xFFFFFFB0]  }
0x1bb: {  	v4 =	vld [tilespmem:s29+$0xFFFFFFD0];
	_ =	sdelay $0x1  }
0x1bc: {  	v6 =	vld [tilespmem:s20+$0xFFFFFFB0]  }
0x1bd: {  	[tilespmem:v2+s24+$0x0] =	vst.idx.add.f32.msk $0xffff, v1  }
0x1be: {  	v62 =	vld [tilespmem:s0+$0x40]  }
0x1bf: {  	[tilespmem:v3+s24+$0x0] =	vst.idx.add.f32.msk $0xffff, v4  }
0x1c0: {  	v4 =	vld [tilespmem:s2+$0xFFFFFFE0]  }
0x1c1: {  	v3 =	vld [tilespmem:s20+$0x40]  }
0x1c2: {  	[tilespmem:v5+s24+$0x0] =	vst.idx.add.f32.msk $0xffff, v6  }
0x1c3: {  	v63 =	vld [tilespmem:s29+$0xFFFFFFE0]  }
0x1c4: {  	v1 =	vld [tilespmem:s0+$0xFFFFFFC0]  }
0x1c5: {  	v2 =	vld [tilespmem:s20+$0xFFFFFFC0]  }
0x1c6: {  	[tilespmem:v62+s24+$0x0] =	vst.idx.add.f32.msk $0xffff, v3  }
0x1c7: {  	v3 =	vld [tilespmem:s0+$0x50]  }
0x1c8: {  	s22 =	simm.s32 $0x2;
	s7 =	simm.s32 $0x280;
	s21 =	simm.s32 $0x3980;
	[tilespmem:v4+s24+$0x0] =	vst.idx.add.f32.msk $0xffff, v63  }
.LBB2_11:
0x1c9: {  	v4 =	vld [tilespmem:s7+$0x0]  }
0x1ca: {  	s22 =	sadd.s32 $0x2, s22;
	v5 =	vld [tilespmem:s20+$0x50]  }
0x1cb: {  	p1 =	slt.u32 s22, $0x30;
	s20 =	sadd.s32 $0x100, s20;
	v6 =	vld [tilespmem:s7+$0xFFFFFF80]  }
0x1cc: {  	v7 =	vld [tilespmem:s20+$0x0]  }
0x1cd: {  	v8 =	vld [tilespmem:s20+$0xFFFFFF80]  }
0x1ce: {  	[tilespmem:v1+s24+$0x0] =	vst.idx.add.f32.msk $0xffff, v2  }
0x1cf: {  	[tilespmem:v3+s24+$0x0] =	vst.idx.add.f32.msk $0xffff, v5  }
0x1d0: {  	v1 =	vld [tilespmem:s0+$0x60]  }
0x1d1: {  	[tilespmem:v4+s24+$0x0] =	vst.idx.add.f32.msk $0xffff, v7  }
0x1d2: {  	v2 =	vld [tilespmem:s7+$0x10]  }
0x1d3: {  	v3 =	vld [tilespmem:s21+$0x60]  }
0x1d4: {  	[tilespmem:v6+s24+$0x0] =	vst.idx.add.f32.msk $0xffff, v8  }
0x1d5: {  	v4 =	vld [tilespmem:s20+$0x10]  }
0x1d6: {  	v5 =	vld [tilespmem:s7+$0xFFFFFF90]  }
0x1d7: {  	v6 =	vld [tilespmem:s20+$0xFFFFFF90]  }
0x1d8: {  	[tilespmem:v1+s24+$0x0] =	vst.idx.add.f32.msk $0xffff, v3  }
0x1d9: {  	v1 =	vld [tilespmem:s0+$0x70]  }
0x1da: {  	[tilespmem:v2+s24+$0x0] =	vst.idx.add.f32.msk $0xffff, v4  }
0x1db: {  	v2 =	vld [tilespmem:s7+$0x20]  }
0x1dc: {  	v3 =	vld [tilespmem:s21+$0x70]  }
0x1dd: {  	v4 =	vld [tilespmem:s0+$0xFFFFFFD0]  }
0x1de: {  	[tilespmem:v5+s24+$0x0] =	vst.idx.add.f32.msk $0xffff, v6  }
0x1df: {  	v5 =	vld [tilespmem:s20+$0x20]  }
0x1e0: {  	v6 =	vld [tilespmem:s7+$0xFFFFFFA0]  }
0x1e1: {  	[tilespmem:v1+s24+$0x0] =	vst.idx.add.f32.msk $0xffff, v3  }
0x1e2: {  	v1 =	vld [tilespmem:s20+$0xFFFFFFA0]  }
0x1e3: {  	v3 =	vld [tilespmem:s21+$0xFFFFFFD0]  }
0x1e4: {  	[tilespmem:v2+s24+$0x0] =	vst.idx.add.f32.msk $0xffff, v5  }
0x1e5: {  	v2 =	vld [tilespmem:s7+$0x30]  }
0x1e6: {  	v5 =	vld [tilespmem:s2+$0xFFFFFFF0];
	s2 =	smov.u32 s0;
	s0 =	smov.u32 s7  }
0x1e7: {  	v7 =	vld [tilespmem:s29+$0xFFFFFFF0];
	s29 =	smov.u32 s21;
	s21 =	smov.u32 s20  }
0x1e8: {  	v8 =	vld [tilespmem:s20+$0x30]  }
0x1e9: {  	[tilespmem:v6+s24+$0x0] =	vst.idx.add.f32.msk $0xffff, v1  }
0x1ea: {  	v1 =	vld [tilespmem:s7+$0xFFFFFFB0]  }
0x1eb: {  	v6 =	vld [tilespmem:s20+$0xFFFFFFB0]  }
0x1ec: {  	[tilespmem:v4+s24+$0x0] =	vst.idx.add.f32.msk $0xffff, v3  }
0x1ed: {  	[tilespmem:v2+s24+$0x0] =	vst.idx.add.f32.msk $0xffff, v8  }
0x1ee: {  	v3 =	vld [tilespmem:s7+$0x40]  }
0x1ef: {  	v4 =	vld [tilespmem:s2+$0xFFFFFFE0]  }
0x1f0: {  	v8 =	vld [tilespmem:s29+$0xFFFFFFE0]  }
0x1f1: {  	v9 =	vld [tilespmem:s20+$0x40]  }
0x1f2: {  	[tilespmem:v1+s24+$0x0] =	vst.idx.add.f32.msk $0xffff, v6  }
0x1f3: {  	v1 =	vld [tilespmem:s7+$0xFFFFFFC0]  }
.Ltmp7:
0x1f4: {  	v2 =	vld [tilespmem:s20+$0xFFFFFFC0];
	(pc) =	sbr.rel @p1 .LBB2_11-.Ltmp7, $4  }
0x1f5: {  	[tilespmem:v5+s24+$0x0] =	vst.idx.add.f32.msk $0xffff, v7  }
0x1f6: {  	[tilespmem:v3+s24+$0x0] =	vst.idx.add.f32.msk $0xffff, v9  }
0x1f7: {  	v3 =	vld [tilespmem:s7+$0x50]  }
0x1f8: {  	s7 =	sadd.s32 $0x100, s7;
	[tilespmem:v4+s24+$0x0] =	vst.idx.add.f32.msk $0xffff, v8  }
0x1f9: {  	_ =	sdelay $0x3  }
0x1fa: {  	[tilespmem:v1+s24+$0x0] =	vst.idx.add.f32.msk $0xffff, v2  }
0x1fb: {  	v1 =	vld [tilespmem:s0+$0xFFFFFFD0]  }
0x1fc: {  	v4 =	vld [tilespmem:s20+$0x50];
	_ =	sdelay $0x1  }
0x1fd: {  	v2 =	vld [tilespmem:s21+$0xFFFFFFD0];
	_ =	sdelay $0x2  }
0x1fe: {  	[tilespmem:v3+s24+$0x0] =	vst.idx.add.f32.msk $0xffff, v4  }
0x1ff: {  	v3 =	vld [tilespmem:s0+$0x60]  }
0x200: {  	[tilespmem:v1+s24+$0x0] =	vst.idx.add.f32.msk $0xffff, v2  }
0x201: {  	v1 =	vld [tilespmem:s0+$0xFFFFFFE0]  }
0x202: {  	v4 =	vld [tilespmem:s21+$0x60];
	_ =	sdelay $0x1  }
0x203: {  	v2 =	vld [tilespmem:s21+$0xFFFFFFE0];
	_ =	sdelay $0x1  }
0x204: {  	v63 =	vld [tilespmem:s2+$0xFFFFFFF0]  }
0x205: {  	[tilespmem:v3+s24+$0x0] =	vst.idx.add.f32.msk $0xffff, v4  }
0x206: {  	v3 =	vld [tilespmem:s0+$0x70]  }
0x207: {  	[tilespmem:v1+s24+$0x0] =	vst.idx.add.f32.msk $0xffff, v2  }
0x208: {  	v1 =	vld [tilespmem:s0+$0xFFFFFFF0]  }
0x209: {  	v5 =	vld [tilespmem:s29+$0xFFFFFFF0]  }
0x20a: {  	v2 =	vld [tilespmem:s21+$0x70]  }
0x20b: {  	v6 =	vld [tilespmem:s21+$0xFFFFFFF0];
	_ =	sdelay $0x2  }
0x20c: {  	[tilespmem:v63+s24+$0x0] =	vst.idx.add.f32.msk $0xffff, v5  }
0x20d: {  	[tilespmem:v3+s24+$0x0] =	vst.idx.add.f32.msk $0xffff, v2  }
0x20e: {  	[tilespmem:v1+s24+$0x0] =	vst.idx.add.f32.msk $0xffff, v6  }
.LBB2_13:
0x20f: {  	[hbm4b:s12+s18] =	stream.strided.scatter [tilespmem:s24], [sflag:$0x3], $0x18800, s26, s18, $0x38;
	[tilespmem:$0x1F200] =	vst v63  }
0x210: {  	_ =	swait.ge [sflag:s28], $0x18800  }
0x211: {  	[sflag:s28] =	ssyncset.done $0x0  }
0x212: {  	s0 =	simm.s32 $0x6A40;
	[sflag:s28] =	ssyncadd.s32 $0xFFFE7800  }
0x213: {  	[tilespmem:s0+$0xFFFFFFC0] =	vst v0  }
0x214: {  	[tilespmem:s0+$0x30] =	vst v0  }
0x215: {  	[tilespmem:s0+$0x20] =	vst v0  }
0x216: {  	[tilespmem:s0+$0x10] =	vst v0  }
0x217: {  	[tilespmem:s0+$0x0] =	vst v0  }
0x218: {  	[tilespmem:s0+$0xFFFFFFF0] =	vst v0  }
0x219: {  	s2 =	simm.s32 $0x0;
	[tilespmem:s0+$0xFFFFFFE0] =	vst v0  }
.LBB2_14:
0x21a: {  	s2 =	sadd.s32 $0x8, s2;
	[tilespmem:s0+$0xFFFFFFD0] =	vst v0;
	s0 =	sadd.s32 $0x80, s0  }
0x21b: {  	[tilespmem:s0+$0xFFFFFFC0] =	vst v0;
	p1 =	slt.u32 s2, $0x1878  }
0x21c: {  	[tilespmem:s0+$0x30] =	vst v0  }
.Ltmp8:
0x21d: {  	[tilespmem:s0+$0x20] =	vst v0;
	(pc) =	sbr.rel @p1 .LBB2_14-.Ltmp8, $4  }
0x21e: {  	[tilespmem:s0+$0x10] =	vst v0  }
0x21f: {  	[tilespmem:s0+$0x0] =	vst v0  }
0x220: {  	[tilespmem:s0+$0xFFFFFFF0] =	vst v0  }
0x221: {  	[tilespmem:s0+$0xFFFFFFE0] =	vst v0  }
0x222: {  	[tilespmem:s0+$0xFFFFFFD0] =	vst v0;
	s29 =	simm.s32 $0x0  }
0x223: {  	[tilespmem:s29], [sflag:$0x1] =	stream.strided.gather [hbm4b:s14+s18], $0x1900, s19, s18, $0x38;
	[tilespmem:$0x1F200] =	vst v63  }
0x224: {  	s22 =	simm.s32 $0x3800  }
0x225: {  	[tilespmem:s22], [sflag:$0x1] =	stream.linear.gather [hbm4b:s8+s29], $0x1900, $0x38;
	[tilespmem:$0x1F200] =	vst v63  }
0x226: {  	s30 =	simm.s32 $0x1C00  }
0x227: {  	[tilespmem:s30], [sflag:$0x2] =	stream.strided.gather [hbm4b:s15+s18], $0x1900, s19, s18, $0x38;
	[tilespmem:$0x1F200] =	vst v63  }
0x228: {  	s31 =	simm.s32 $0x5100  }
0x229: {  	[tilespmem:s31], [sflag:$0x2] =	stream.linear.gather [hbm4b:s10+s29], $0x1900, $0x38;
	[tilespmem:$0x1F200] =	vst v63  }
.LBB2_16:
0x22a: {  	_ =	swait.ge [sflag:s23], $0x1900  }
0x22b: {  	[sflag:s23] =	ssyncset.done $0x0  }
0x22c: {  	[sflag:s23] =	ssyncadd.s32 $0xFFFFE700  }
0x22d: {  	_ =	swait.ge [sflag:s23], $0x1900  }
0x22e: {  	[sflag:s23] =	ssyncset.done $0x0  }
0x22f: {  	s2 =	simm.s32 $0x80;
	[sflag:s23] =	ssyncadd.s32 $0xFFFFE700  }
0x230: {  	v1 =	vld [tilespmem:s2+$0x0];
	_ =	sdelay $0x1  }
0x231: {  	s31 =	simm.s32 $0x3880  }
0x232: {  	v2 =	vld [tilespmem:s31+$0x0];
	_ =	sdelay $0x3  }
0x233: {  	v3 =	vld [tilespmem:s2+$0xFFFFFF80]  }
0x234: {  	[tilespmem:v1+s24+$0x0] =	vst.idx.add.f32.msk $0xffff, v2  }
0x235: {  	v1 =	vld [tilespmem:s2+$0x10]  }
0x236: {  	v4 =	vld [tilespmem:s31+$0xFFFFFF80];
	_ =	sdelay $0x1  }
0x237: {  	v2 =	vld [tilespmem:s31+$0x10];
	_ =	sdelay $0x2  }
0x238: {  	[tilespmem:v3+s24+$0x0] =	vst.idx.add.f32.msk $0xffff, v4  }
0x239: {  	v3 =	vld [tilespmem:s2+$0xFFFFFF90]  }
0x23a: {  	[tilespmem:v1+s24+$0x0] =	vst.idx.add.f32.msk $0xffff, v2  }
0x23b: {  	v1 =	vld [tilespmem:s2+$0x20]  }
0x23c: {  	v4 =	vld [tilespmem:s31+$0xFFFFFF90];
	_ =	sdelay $0x1  }
0x23d: {  	v2 =	vld [tilespmem:s31+$0x20];
	_ =	sdelay $0x2  }
0x23e: {  	[tilespmem:v3+s24+$0x0] =	vst.idx.add.f32.msk $0xffff, v4  }
0x23f: {  	v3 =	vld [tilespmem:s2+$0xFFFFFFA0]  }
0x240: {  	[tilespmem:v1+s24+$0x0] =	vst.idx.add.f32.msk $0xffff, v2  }
0x241: {  	v1 =	vld [tilespmem:s2+$0x30]  }
0x242: {  	v4 =	vld [tilespmem:s31+$0xFFFFFFA0];
	_ =	sdelay $0x1  }
0x243: {  	v2 =	vld [tilespmem:s31+$0x30]  }
0x244: {  	s0 =	simm.s32 $0x180  }
0x245: {  	v7 =	vld [tilespmem:s0+$0xFFFFFF80]  }
0x246: {  	[tilespmem:v3+s24+$0x0] =	vst.idx.add.f32.msk $0xffff, v4  }
0x247: {  	v3 =	vld [tilespmem:s2+$0xFFFFFFB0]  }
0x248: {  	[tilespmem:v1+s24+$0x0] =	vst.idx.add.f32.msk $0xffff, v2  }
0x249: {  	s20 =	simm.s32 $0x3980;
	v1 =	vld [tilespmem:s2+$0x40]  }
0x24a: {  	v8 =	vld [tilespmem:s20+$0xFFFFFF80]  }
0x24b: {  	v4 =	vld [tilespmem:s31+$0xFFFFFFB0]  }
0x24c: {  	v2 =	vld [tilespmem:s31+$0x40];
	_ =	sdelay $0x1  }
0x24d: {  	v5 =	vld [tilespmem:s0+$0x0]  }
0x24e: {  	[tilespmem:v7+s24+$0x0] =	vst.idx.add.f32.msk $0xffff, v8  }
0x24f: {  	[tilespmem:v3+s24+$0x0] =	vst.idx.add.f32.msk $0xffff, v4  }
0x250: {  	[tilespmem:v1+s24+$0x0] =	vst.idx.add.f32.msk $0xffff, v2  }
0x251: {  	v2 =	vld [tilespmem:s20+$0x0]  }
0x252: {  	v3 =	vld [tilespmem:s2+$0xFFFFFFC0]  }
0x253: {  	v4 =	vld [tilespmem:s31+$0xFFFFFFC0]  }
0x254: {  	v1 =	vld [tilespmem:s2+$0x50]  }
0x255: {  	v6 =	vld [tilespmem:s31+$0x50]  }
0x256: {  	[tilespmem:v5+s24+$0x0] =	vst.idx.add.f32.msk $0xffff, v2  }
0x257: {  	v5 =	vld [tilespmem:s0+$0xFFFFFF90]  }
0x258: {  	v2 =	vld [tilespmem:s0+$0x10]  }
0x259: {  	v61 =	vld [tilespmem:s20+$0xFFFFFF90]  }
0x25a: {  	[tilespmem:v3+s24+$0x0] =	vst.idx.add.f32.msk $0xffff, v4  }
0x25b: {  	v3 =	vld [tilespmem:s20+$0x10]  }
0x25c: {  	[tilespmem:v1+s24+$0x0] =	vst.idx.add.f32.msk $0xffff, v6  }
0x25d: {  	v1 =	vld [tilespmem:s2+$0x60]  }
0x25e: {  	v4 =	vld [tilespmem:s31+$0x60]  }
0x25f: {  	[tilespmem:v5+s24+$0x0] =	vst.idx.add.f32.msk $0xffff, v61  }
0x260: {  	[tilespmem:v2+s24+$0x0] =	vst.idx.add.f32.msk $0xffff, v3  }
0x261: {  	v5 =	vld [tilespmem:s0+$0xFFFFFFA0]  }
0x262: {  	v6 =	vld [tilespmem:s20+$0xFFFFFFA0]  }
0x263: {  	v2 =	vld [tilespmem:s0+$0x20]  }
0x264: {  	v3 =	vld [tilespmem:s20+$0x20]  }
0x265: {  	[tilespmem:v1+s24+$0x0] =	vst.idx.add.f32.msk $0xffff, v4  }
0x266: {  	v1 =	vld [tilespmem:s2+$0x70];
	_ =	sdelay $0x2  }
0x267: {  	v4 =	vld [tilespmem:s31+$0x70]  }
0x268: {  	[tilespmem:v5+s24+$0x0] =	vst.idx.add.f32.msk $0xffff, v6  }
0x269: {  	[tilespmem:v2+s24+$0x0] =	vst.idx.add.f32.msk $0xffff, v3  }
0x26a: {  	v2 =	vld [tilespmem:s0+$0x30]  }
0x26b: {  	v3 =	vld [tilespmem:s2+$0xFFFFFFD0]  }
0x26c: {  	[tilespmem:v1+s24+$0x0] =	vst.idx.add.f32.msk $0xffff, v4  }
0x26d: {  	v1 =	vld [tilespmem:s20+$0x30]  }
0x26e: {  	v5 =	vld [tilespmem:s0+$0xFFFFFFB0]  }
0x26f: {  	v4 =	vld [tilespmem:s31+$0xFFFFFFD0];
	_ =	sdelay $0x1  }
0x270: {  	v6 =	vld [tilespmem:s20+$0xFFFFFFB0]  }
0x271: {  	[tilespmem:v2+s24+$0x0] =	vst.idx.add.f32.msk $0xffff, v1  }
0x272: {  	v62 =	vld [tilespmem:s0+$0x40]  }
0x273: {  	[tilespmem:v3+s24+$0x0] =	vst.idx.add.f32.msk $0xffff, v4  }
0x274: {  	v4 =	vld [tilespmem:s2+$0xFFFFFFE0]  }
0x275: {  	v3 =	vld [tilespmem:s20+$0x40]  }
0x276: {  	[tilespmem:v5+s24+$0x0] =	vst.idx.add.f32.msk $0xffff, v6  }
0x277: {  	v63 =	vld [tilespmem:s31+$0xFFFFFFE0]  }
0x278: {  	v1 =	vld [tilespmem:s0+$0xFFFFFFC0]  }
0x279: {  	v2 =	vld [tilespmem:s20+$0xFFFFFFC0]  }
0x27a: {  	[tilespmem:v62+s24+$0x0] =	vst.idx.add.f32.msk $0xffff, v3  }
0x27b: {  	v3 =	vld [tilespmem:s0+$0x50]  }
0x27c: {  	s22 =	simm.s32 $0x2;
	s7 =	simm.s32 $0x280;
	s21 =	simm.s32 $0x3980;
	[tilespmem:v4+s24+$0x0] =	vst.idx.add.f32.msk $0xffff, v63  }
.LBB2_17:
0x27d: {  	v4 =	vld [tilespmem:s7+$0x0]  }
0x27e: {  	s22 =	sadd.s32 $0x2, s22;
	v5 =	vld [tilespmem:s20+$0x50]  }
0x27f: {  	p1 =	slt.u32 s22, $0x30;
	s20 =	sadd.s32 $0x100, s20;
	v6 =	vld [tilespmem:s7+$0xFFFFFF80]  }
0x280: {  	v7 =	vld [tilespmem:s20+$0x0]  }
0x281: {  	v8 =	vld [tilespmem:s20+$0xFFFFFF80]  }
0x282: {  	[tilespmem:v1+s24+$0x0] =	vst.idx.add.f32.msk $0xffff, v2  }
0x283: {  	[tilespmem:v3+s24+$0x0] =	vst.idx.add.f32.msk $0xffff, v5  }
0x284: {  	v1 =	vld [tilespmem:s0+$0x60]  }
0x285: {  	[tilespmem:v4+s24+$0x0] =	vst.idx.add.f32.msk $0xffff, v7  }
0x286: {  	v2 =	vld [tilespmem:s7+$0x10]  }
0x287: {  	v3 =	vld [tilespmem:s21+$0x60]  }
0x288: {  	[tilespmem:v6+s24+$0x0] =	vst.idx.add.f32.msk $0xffff, v8  }
0x289: {  	v4 =	vld [tilespmem:s20+$0x10]  }
0x28a: {  	v5 =	vld [tilespmem:s7+$0xFFFFFF90]  }
0x28b: {  	v6 =	vld [tilespmem:s20+$0xFFFFFF90]  }
0x28c: {  	[tilespmem:v1+s24+$0x0] =	vst.idx.add.f32.msk $0xffff, v3  }
0x28d: {  	v1 =	vld [tilespmem:s0+$0x70]  }
0x28e: {  	[tilespmem:v2+s24+$0x0] =	vst.idx.add.f32.msk $0xffff, v4  }
0x28f: {  	v2 =	vld [tilespmem:s7+$0x20]  }
0x290: {  	v3 =	vld [tilespmem:s21+$0x70]  }
0x291: {  	v4 =	vld [tilespmem:s0+$0xFFFFFFD0]  }
0x292: {  	[tilespmem:v5+s24+$0x0] =	vst.idx.add.f32.msk $0xffff, v6  }
0x293: {  	v5 =	vld [tilespmem:s20+$0x20]  }
0x294: {  	v6 =	vld [tilespmem:s7+$0xFFFFFFA0]  }
0x295: {  	[tilespmem:v1+s24+$0x0] =	vst.idx.add.f32.msk $0xffff, v3  }
0x296: {  	v1 =	vld [tilespmem:s20+$0xFFFFFFA0]  }
0x297: {  	v3 =	vld [tilespmem:s21+$0xFFFFFFD0]  }
0x298: {  	[tilespmem:v2+s24+$0x0] =	vst.idx.add.f32.msk $0xffff, v5  }
0x299: {  	v2 =	vld [tilespmem:s7+$0x30]  }
0x29a: {  	v5 =	vld [tilespmem:s2+$0xFFFFFFF0];
	s2 =	smov.u32 s0;
	s0 =	smov.u32 s7  }
0x29b: {  	v7 =	vld [tilespmem:s31+$0xFFFFFFF0];
	s31 =	smov.u32 s21;
	s21 =	smov.u32 s20  }
0x29c: {  	v8 =	vld [tilespmem:s20+$0x30]  }
0x29d: {  	[tilespmem:v6+s24+$0x0] =	vst.idx.add.f32.msk $0xffff, v1  }
0x29e: {  	v1 =	vld [tilespmem:s7+$0xFFFFFFB0]  }
0x29f: {  	v6 =	vld [tilespmem:s20+$0xFFFFFFB0]  }
0x2a0: {  	[tilespmem:v4+s24+$0x0] =	vst.idx.add.f32.msk $0xffff, v3  }
0x2a1: {  	[tilespmem:v2+s24+$0x0] =	vst.idx.add.f32.msk $0xffff, v8  }
0x2a2: {  	v3 =	vld [tilespmem:s7+$0x40]  }
0x2a3: {  	v4 =	vld [tilespmem:s2+$0xFFFFFFE0]  }
0x2a4: {  	v8 =	vld [tilespmem:s31+$0xFFFFFFE0]  }
0x2a5: {  	v9 =	vld [tilespmem:s20+$0x40]  }
0x2a6: {  	[tilespmem:v1+s24+$0x0] =	vst.idx.add.f32.msk $0xffff, v6  }
0x2a7: {  	v1 =	vld [tilespmem:s7+$0xFFFFFFC0]  }
.Ltmp9:
0x2a8: {  	v2 =	vld [tilespmem:s20+$0xFFFFFFC0];
	(pc) =	sbr.rel @p1 .LBB2_17-.Ltmp9, $4  }
0x2a9: {  	[tilespmem:v5+s24+$0x0] =	vst.idx.add.f32.msk $0xffff, v7  }
0x2aa: {  	[tilespmem:v3+s24+$0x0] =	vst.idx.add.f32.msk $0xffff, v9  }
0x2ab: {  	v3 =	vld [tilespmem:s7+$0x50]  }
0x2ac: {  	s7 =	sadd.s32 $0x100, s7;
	[tilespmem:v4+s24+$0x0] =	vst.idx.add.f32.msk $0xffff, v8  }
0x2ad: {  	_ =	sdelay $0x2  }
0x2ae: {  	v4 =	vld [tilespmem:s20+$0x50]  }
0x2af: {  	[tilespmem:v1+s24+$0x0] =	vst.idx.add.f32.msk $0xffff, v2  }
0x2b0: {  	v1 =	vld [tilespmem:s0+$0xFFFFFFD0];
	_ =	sdelay $0x2  }
0x2b1: {  	v2 =	vld [tilespmem:s21+$0xFFFFFFD0];
	_ =	sdelay $0x1  }
0x2b2: {  	[tilespmem:v3+s24+$0x0] =	vst.idx.add.f32.msk $0xffff, v4  }
0x2b3: {  	v3 =	vld [tilespmem:s0+$0x60]  }
0x2b4: {  	v4 =	vld [tilespmem:s21+$0x60]  }
0x2b5: {  	[tilespmem:v1+s24+$0x0] =	vst.idx.add.f32.msk $0xffff, v2  }
0x2b6: {  	v1 =	vld [tilespmem:s0+$0xFFFFFFE0];
	_ =	sdelay $0x2  }
0x2b7: {  	v2 =	vld [tilespmem:s21+$0xFFFFFFE0];
	_ =	sdelay $0x1  }
0x2b8: {  	[tilespmem:v3+s24+$0x0] =	vst.idx.add.f32.msk $0xffff, v4  }
0x2b9: {  	v4 =	vld [tilespmem:s2+$0xFFFFFFF0]  }
0x2ba: {  	v3 =	vld [tilespmem:s0+$0x70]  }
0x2bb: {  	[tilespmem:v1+s24+$0x0] =	vst.idx.add.f32.msk $0xffff, v2  }
0x2bc: {  	v1 =	vld [tilespmem:s0+$0xFFFFFFF0]  }
0x2bd: {  	v5 =	vld [tilespmem:s31+$0xFFFFFFF0]  }
0x2be: {  	s30 =	sshll.u32 s29, $0x1;
	v2 =	vld [tilespmem:s21+$0x70]  }
0x2bf: {  	s0 =	sadd.s32 $0x2, s30;
	v6 =	vld [tilespmem:s21+$0xFFFFFFF0]  }
0x2c0: {  	p1 =	sge.u32 s0, s6  }
0x2c1: {  	s0 =	sadd.s32 @!p1 s5, s0  }
0x2c2: {  	s2 =	smul.u32 @!p1 $0x640, s0;
	[tilespmem:v4+s24+$0x0] =	vst.idx.add.f32.msk $0xffff, v5  }
0x2c3: {  	s7 =	simm.s32 @!p1 $0x80;
	s20 =	simm.s32 @!p1 $0x100;
	[tilespmem:v3+s24+$0x0] =	vst.idx.add.f32.msk $0xffff, v2  }
0x2c4: {  	s21 =	simm.s32 @!p1 $0x0;
	s0 =	smul.u32 @!p1 $0x320, s0;
	s2 =	sadd.s32 @!p1 s2, s13;
	[tilespmem:v1+s24+$0x0] =	vst.idx.add.f32.msk $0xffff, v6  }
0x2c5: {  	[tilespmem:s21], [sflag:$0x1] =	stream.strided.gather @!p1 [hbm4b:s2+s7], $0x1900, s20, s7, $0x38;
	[tilespmem:$0x1F200] =	vst v63  }
0x2c6: {  	s0 =	sadd.s32 @!p1 s3, s0;
	s2 =	simm.s32 @!p1 $0x3800  }
0x2c7: {  	[tilespmem:s2], [sflag:$0x1] =	stream.linear.gather @!p1 [hbm4b:s0+s21], $0x1900, $0x38;
	[tilespmem:$0x1F200] =	vst v63  }
0x2c8: {  	_ =	swait.ge [sflag:s25], $0x1900  }
0x2c9: {  	[sflag:s25] =	ssyncset.done $0x0  }
0x2ca: {  	[sflag:s25] =	ssyncadd.s32 $0xFFFFE700  }
0x2cb: {  	_ =	swait.ge [sflag:s25], $0x1900  }
0x2cc: {  	[sflag:s25] =	ssyncset.done $0x0  }
0x2cd: {  	s2 =	simm.s32 $0x1C80;
	[sflag:s25] =	ssyncadd.s32 $0xFFFFE700  }
0x2ce: {  	v1 =	vld [tilespmem:s2+$0x0];
	_ =	sdelay $0x1  }
0x2cf: {  	s31 =	simm.s32 $0x5180  }
0x2d0: {  	v2 =	vld [tilespmem:s31+$0x0];
	_ =	sdelay $0x3  }
0x2d1: {  	v3 =	vld [tilespmem:s2+$0xFFFFFF80]  }
0x2d2: {  	[tilespmem:v1+s24+$0x0] =	vst.idx.add.f32.msk $0xffff, v2  }
0x2d3: {  	v1 =	vld [tilespmem:s2+$0x10]  }
0x2d4: {  	v4 =	vld [tilespmem:s31+$0xFFFFFF80];
	_ =	sdelay $0x1  }
0x2d5: {  	v2 =	vld [tilespmem:s31+$0x10];
	_ =	sdelay $0x2  }
0x2d6: {  	[tilespmem:v3+s24+$0x0] =	vst.idx.add.f32.msk $0xffff, v4  }
0x2d7: {  	v3 =	vld [tilespmem:s2+$0xFFFFFF90]  }
0x2d8: {  	[tilespmem:v1+s24+$0x0] =	vst.idx.add.f32.msk $0xffff, v2  }
0x2d9: {  	v1 =	vld [tilespmem:s2+$0x20]  }
0x2da: {  	v4 =	vld [tilespmem:s31+$0xFFFFFF90];
	_ =	sdelay $0x1  }
0x2db: {  	v2 =	vld [tilespmem:s31+$0x20];
	_ =	sdelay $0x2  }
0x2dc: {  	[tilespmem:v3+s24+$0x0] =	vst.idx.add.f32.msk $0xffff, v4  }
0x2dd: {  	v3 =	vld [tilespmem:s2+$0xFFFFFFA0]  }
0x2de: {  	[tilespmem:v1+s24+$0x0] =	vst.idx.add.f32.msk $0xffff, v2  }
0x2df: {  	v1 =	vld [tilespmem:s2+$0x30]  }
0x2e0: {  	v4 =	vld [tilespmem:s31+$0xFFFFFFA0];
	_ =	sdelay $0x1  }
0x2e1: {  	v2 =	vld [tilespmem:s31+$0x30]  }
0x2e2: {  	s0 =	simm.s32 $0x1D80  }
0x2e3: {  	v7 =	vld [tilespmem:s0+$0xFFFFFF80]  }
0x2e4: {  	[tilespmem:v3+s24+$0x0] =	vst.idx.add.f32.msk $0xffff, v4  }
0x2e5: {  	v3 =	vld [tilespmem:s2+$0xFFFFFFB0]  }
0x2e6: {  	[tilespmem:v1+s24+$0x0] =	vst.idx.add.f32.msk $0xffff, v2  }
0x2e7: {  	s20 =	simm.s32 $0x5280;
	v1 =	vld [tilespmem:s2+$0x40]  }
0x2e8: {  	v8 =	vld [tilespmem:s20+$0xFFFFFF80]  }
0x2e9: {  	v4 =	vld [tilespmem:s31+$0xFFFFFFB0]  }
0x2ea: {  	v2 =	vld [tilespmem:s31+$0x40];
	_ =	sdelay $0x1  }
0x2eb: {  	v5 =	vld [tilespmem:s0+$0x0]  }
0x2ec: {  	[tilespmem:v7+s24+$0x0] =	vst.idx.add.f32.msk $0xffff, v8  }
0x2ed: {  	[tilespmem:v3+s24+$0x0] =	vst.idx.add.f32.msk $0xffff, v4  }
0x2ee: {  	[tilespmem:v1+s24+$0x0] =	vst.idx.add.f32.msk $0xffff, v2  }
0x2ef: {  	v2 =	vld [tilespmem:s20+$0x0]  }
0x2f0: {  	v3 =	vld [tilespmem:s2+$0xFFFFFFC0]  }
0x2f1: {  	v4 =	vld [tilespmem:s31+$0xFFFFFFC0]  }
0x2f2: {  	v1 =	vld [tilespmem:s2+$0x50]  }
0x2f3: {  	v60 =	vld [tilespmem:s31+$0x50]  }
0x2f4: {  	[tilespmem:v5+s24+$0x0] =	vst.idx.add.f32.msk $0xffff, v2  }
0x2f5: {  	v5 =	vld [tilespmem:s0+$0xFFFFFF90]  }
0x2f6: {  	v2 =	vld [tilespmem:s0+$0x10]  }
0x2f7: {  	v61 =	vld [tilespmem:s20+$0xFFFFFF90]  }
0x2f8: {  	[tilespmem:v3+s24+$0x0] =	vst.idx.add.f32.msk $0xffff, v4  }
0x2f9: {  	v3 =	vld [tilespmem:s20+$0x10]  }
0x2fa: {  	[tilespmem:v1+s24+$0x0] =	vst.idx.add.f32.msk $0xffff, v60  }
0x2fb: {  	v1 =	vld [tilespmem:s2+$0x60]  }
0x2fc: {  	v4 =	vld [tilespmem:s31+$0x60]  }
0x2fd: {  	[tilespmem:v5+s24+$0x0] =	vst.idx.add.f32.msk $0xffff, v61  }
0x2fe: {  	[tilespmem:v2+s24+$0x0] =	vst.idx.add.f32.msk $0xffff, v3  }
0x2ff: {  	v5 =	vld [tilespmem:s0+$0xFFFFFFA0]  }
0x300: {  	v6 =	vld [tilespmem:s20+$0xFFFFFFA0]  }
0x301: {  	v2 =	vld [tilespmem:s0+$0x20]  }
0x302: {  	v3 =	vld [tilespmem:s20+$0x20]  }
0x303: {  	[tilespmem:v1+s24+$0x0] =	vst.idx.add.f32.msk $0xffff, v4  }
0x304: {  	v1 =	vld [tilespmem:s2+$0x70];
	_ =	sdelay $0x2  }
0x305: {  	v4 =	vld [tilespmem:s31+$0x70]  }
0x306: {  	[tilespmem:v5+s24+$0x0] =	vst.idx.add.f32.msk $0xffff, v6  }
0x307: {  	[tilespmem:v2+s24+$0x0] =	vst.idx.add.f32.msk $0xffff, v3  }
0x308: {  	v2 =	vld [tilespmem:s0+$0x30]  }
0x309: {  	v3 =	vld [tilespmem:s2+$0xFFFFFFD0]  }
0x30a: {  	[tilespmem:v1+s24+$0x0] =	vst.idx.add.f32.msk $0xffff, v4  }
0x30b: {  	v1 =	vld [tilespmem:s20+$0x30]  }
0x30c: {  	v5 =	vld [tilespmem:s0+$0xFFFFFFB0]  }
0x30d: {  	v4 =	vld [tilespmem:s31+$0xFFFFFFD0];
	_ =	sdelay $0x1  }
0x30e: {  	v6 =	vld [tilespmem:s20+$0xFFFFFFB0]  }
0x30f: {  	[tilespmem:v2+s24+$0x0] =	vst.idx.add.f32.msk $0xffff, v1  }
0x310: {  	v62 =	vld [tilespmem:s0+$0x40]  }
0x311: {  	[tilespmem:v3+s24+$0x0] =	vst.idx.add.f32.msk $0xffff, v4  }
0x312: {  	v4 =	vld [tilespmem:s2+$0xFFFFFFE0]  }
0x313: {  	v3 =	vld [tilespmem:s20+$0x40]  }
0x314: {  	[tilespmem:v5+s24+$0x0] =	vst.idx.add.f32.msk $0xffff, v6  }
0x315: {  	v63 =	vld [tilespmem:s31+$0xFFFFFFE0]  }
0x316: {  	v1 =	vld [tilespmem:s0+$0xFFFFFFC0]  }
0x317: {  	v2 =	vld [tilespmem:s20+$0xFFFFFFC0]  }
0x318: {  	[tilespmem:v62+s24+$0x0] =	vst.idx.add.f32.msk $0xffff, v3  }
0x319: {  	v3 =	vld [tilespmem:s0+$0x50]  }
0x31a: {  	s22 =	simm.s32 $0x2;
	s7 =	simm.s32 $0x1E80;
	s21 =	simm.s32 $0x5280;
	[tilespmem:v4+s24+$0x0] =	vst.idx.add.f32.msk $0xffff, v63  }
.LBB2_19:
0x31b: {  	v4 =	vld [tilespmem:s7+$0x0]  }
0x31c: {  	s22 =	sadd.s32 $0x2, s22;
	v5 =	vld [tilespmem:s20+$0x50]  }
0x31d: {  	p1 =	slt.u32 s22, $0x30;
	s20 =	sadd.s32 $0x100, s20;
	v6 =	vld [tilespmem:s7+$0xFFFFFF80]  }
0x31e: {  	v7 =	vld [tilespmem:s20+$0x0]  }
0x31f: {  	v8 =	vld [tilespmem:s20+$0xFFFFFF80]  }
0x320: {  	[tilespmem:v1+s24+$0x0] =	vst.idx.add.f32.msk $0xffff, v2  }
0x321: {  	[tilespmem:v3+s24+$0x0] =	vst.idx.add.f32.msk $0xffff, v5  }
0x322: {  	v1 =	vld [tilespmem:s0+$0x60]  }
0x323: {  	[tilespmem:v4+s24+$0x0] =	vst.idx.add.f32.msk $0xffff, v7  }
0x324: {  	v2 =	vld [tilespmem:s7+$0x10]  }
0x325: {  	v3 =	vld [tilespmem:s21+$0x60]  }
0x326: {  	[tilespmem:v6+s24+$0x0] =	vst.idx.add.f32.msk $0xffff, v8  }
0x327: {  	v4 =	vld [tilespmem:s20+$0x10]  }
0x328: {  	v5 =	vld [tilespmem:s7+$0xFFFFFF90]  }
0x329: {  	v6 =	vld [tilespmem:s20+$0xFFFFFF90]  }
0x32a: {  	[tilespmem:v1+s24+$0x0] =	vst.idx.add.f32.msk $0xffff, v3  }
0x32b: {  	v1 =	vld [tilespmem:s0+$0x70]  }
0x32c: {  	[tilespmem:v2+s24+$0x0] =	vst.idx.add.f32.msk $0xffff, v4  }
0x32d: {  	v2 =	vld [tilespmem:s7+$0x20]  }
0x32e: {  	v3 =	vld [tilespmem:s21+$0x70]  }
0x32f: {  	v4 =	vld [tilespmem:s0+$0xFFFFFFD0]  }
0x330: {  	[tilespmem:v5+s24+$0x0] =	vst.idx.add.f32.msk $0xffff, v6  }
0x331: {  	v5 =	vld [tilespmem:s20+$0x20]  }
0x332: {  	v6 =	vld [tilespmem:s7+$0xFFFFFFA0]  }
0x333: {  	[tilespmem:v1+s24+$0x0] =	vst.idx.add.f32.msk $0xffff, v3  }
0x334: {  	v1 =	vld [tilespmem:s20+$0xFFFFFFA0]  }
0x335: {  	v3 =	vld [tilespmem:s21+$0xFFFFFFD0]  }
0x336: {  	[tilespmem:v2+s24+$0x0] =	vst.idx.add.f32.msk $0xffff, v5  }
0x337: {  	v2 =	vld [tilespmem:s7+$0x30]  }
0x338: {  	v5 =	vld [tilespmem:s2+$0xFFFFFFF0];
	s2 =	smov.u32 s0;
	s0 =	smov.u32 s7  }
0x339: {  	v7 =	vld [tilespmem:s31+$0xFFFFFFF0];
	s31 =	smov.u32 s21;
	s21 =	smov.u32 s20  }
0x33a: {  	v8 =	vld [tilespmem:s20+$0x30]  }
0x33b: {  	[tilespmem:v6+s24+$0x0] =	vst.idx.add.f32.msk $0xffff, v1  }
0x33c: {  	v1 =	vld [tilespmem:s7+$0xFFFFFFB0]  }
0x33d: {  	v6 =	vld [tilespmem:s20+$0xFFFFFFB0]  }
0x33e: {  	[tilespmem:v4+s24+$0x0] =	vst.idx.add.f32.msk $0xffff, v3  }
0x33f: {  	[tilespmem:v2+s24+$0x0] =	vst.idx.add.f32.msk $0xffff, v8  }
0x340: {  	v3 =	vld [tilespmem:s7+$0x40]  }
0x341: {  	v4 =	vld [tilespmem:s2+$0xFFFFFFE0]  }
0x342: {  	v8 =	vld [tilespmem:s31+$0xFFFFFFE0]  }
0x343: {  	v9 =	vld [tilespmem:s20+$0x40]  }
0x344: {  	[tilespmem:v1+s24+$0x0] =	vst.idx.add.f32.msk $0xffff, v6  }
0x345: {  	v1 =	vld [tilespmem:s7+$0xFFFFFFC0]  }
.Ltmp10:
0x346: {  	v2 =	vld [tilespmem:s20+$0xFFFFFFC0];
	(pc) =	sbr.rel @p1 .LBB2_19-.Ltmp10, $4  }
0x347: {  	[tilespmem:v5+s24+$0x0] =	vst.idx.add.f32.msk $0xffff, v7  }
0x348: {  	[tilespmem:v3+s24+$0x0] =	vst.idx.add.f32.msk $0xffff, v9  }
0x349: {  	v3 =	vld [tilespmem:s7+$0x50]  }
0x34a: {  	s7 =	sadd.s32 $0x100, s7;
	[tilespmem:v4+s24+$0x0] =	vst.idx.add.f32.msk $0xffff, v8  }
0x34b: {  	_ =	sdelay $0x3  }
0x34c: {  	[tilespmem:v1+s24+$0x0] =	vst.idx.add.f32.msk $0xffff, v2  }
0x34d: {  	v1 =	vld [tilespmem:s0+$0xFFFFFFD0]  }
0x34e: {  	v4 =	vld [tilespmem:s20+$0x50];
	_ =	sdelay $0x1  }
0x34f: {  	v2 =	vld [tilespmem:s21+$0xFFFFFFD0];
	_ =	sdelay $0x2  }
0x350: {  	[tilespmem:v3+s24+$0x0] =	vst.idx.add.f32.msk $0xffff, v4  }
0x351: {  	v3 =	vld [tilespmem:s0+$0x60]  }
0x352: {  	[tilespmem:v1+s24+$0x0] =	vst.idx.add.f32.msk $0xffff, v2  }
0x353: {  	v1 =	vld [tilespmem:s0+$0xFFFFFFE0]  }
0x354: {  	v4 =	vld [tilespmem:s21+$0x60];
	_ =	sdelay $0x1  }
0x355: {  	v2 =	vld [tilespmem:s21+$0xFFFFFFE0];
	_ =	sdelay $0x1  }
0x356: {  	v63 =	vld [tilespmem:s2+$0xFFFFFFF0]  }
0x357: {  	[tilespmem:v3+s24+$0x0] =	vst.idx.add.f32.msk $0xffff, v4  }
0x358: {  	v3 =	vld [tilespmem:s0+$0x70]  }
0x359: {  	[tilespmem:v1+s24+$0x0] =	vst.idx.add.f32.msk $0xffff, v2  }
0x35a: {  	v1 =	vld [tilespmem:s0+$0xFFFFFFF0]  }
0x35b: {  	v5 =	vld [tilespmem:s31+$0xFFFFFFF0]  }
0x35c: {  	v2 =	vld [tilespmem:s21+$0x70]  }
0x35d: {  	s0 =	sadd.s32 $0x3, s30;
	v6 =	vld [tilespmem:s21+$0xFFFFFFF0]  }
0x35e: {  	p1 =	sge.u32 s0, s6  }
0x35f: {  	s0 =	sadd.s32 @!p1 s5, s0  }
0x360: {  	[tilespmem:v63+s24+$0x0] =	vst.idx.add.f32.msk $0xffff, v5;
	s2 =	smul.u32 @!p1 $0x640, s0  }
0x361: {  	s29 =	sadd.s32 $0x1, s29;
	s7 =	simm.s32 @!p1 $0x80;
	s20 =	simm.s32 @!p1 $0x100;
	[tilespmem:v3+s24+$0x0] =	vst.idx.add.f32.msk $0xffff, v2  }
0x362: {  	s21 =	simm.s32 @!p1 $0x1C00;
	s0 =	smul.u32 @!p1 $0x320, s0;
	s2 =	sadd.s32 @!p1 s2, s13;
	[tilespmem:v1+s24+$0x0] =	vst.idx.add.f32.msk $0xffff, v6  }
0x363: {  	[tilespmem:s21], [sflag:$0x2] =	stream.strided.gather @!p1 [hbm4b:s2+s7], $0x1900, s20, s7, $0x38;
	[tilespmem:$0x1F200] =	vst v63  }
0x364: {  	s0 =	sadd.s32 @!p1 s3, s0;
	s2 =	simm.s32 @!p1 $0x0;
	s7 =	simm.s32 @!p1 $0x5100  }
0x365: {  	[tilespmem:s7], [sflag:$0x2] =	stream.linear.gather @!p1 [hbm4b:s0+s2], $0x1900, $0x38;
	[tilespmem:$0x1F200] =	vst v63  }
0x366: {  	p1 =	sne.s32 s29, s11  }
.Ltmp11:
0x367: {  	_ = 	snop;
	(pc) =	sbr.rel @p1 .LBB2_16-.Ltmp11, $1  }
0x368: {  	_ =	sdelay $0x3  }
.Ltmp12:
0x369: {  	(pc) =	sbr.rel @p0 .LBB2_25-.Ltmp12, $1  }
0x36a: {  	_ =	sdelay $0x3  }
0x36b: {  	_ =	swait.ge [sflag:s23], $0x1900  }
0x36c: {  	[sflag:s23] =	ssyncset.done $0x0  }
0x36d: {  	[sflag:s23] =	ssyncadd.s32 $0xFFFFE700  }
0x36e: {  	_ =	swait.ge [sflag:s23], $0x1900  }
0x36f: {  	[sflag:s23] =	ssyncset.done $0x0  }
0x370: {  	s2 =	simm.s32 $0x80;
	[sflag:s23] =	ssyncadd.s32 $0xFFFFE700  }
0x371: {  	v1 =	vld [tilespmem:s2+$0x0];
	_ =	sdelay $0x1  }
0x372: {  	s29 =	simm.s32 $0x3880  }
0x373: {  	v2 =	vld [tilespmem:s29+$0x0];
	_ =	sdelay $0x3  }
0x374: {  	v3 =	vld [tilespmem:s2+$0xFFFFFF80]  }
0x375: {  	[tilespmem:v1+s24+$0x0] =	vst.idx.add.f32.msk $0xffff, v2  }
0x376: {  	v1 =	vld [tilespmem:s2+$0x10]  }
0x377: {  	v4 =	vld [tilespmem:s29+$0xFFFFFF80];
	_ =	sdelay $0x1  }
0x378: {  	v2 =	vld [tilespmem:s29+$0x10];
	_ =	sdelay $0x2  }
0x379: {  	[tilespmem:v3+s24+$0x0] =	vst.idx.add.f32.msk $0xffff, v4  }
0x37a: {  	v3 =	vld [tilespmem:s2+$0xFFFFFF90]  }
0x37b: {  	[tilespmem:v1+s24+$0x0] =	vst.idx.add.f32.msk $0xffff, v2  }
0x37c: {  	v1 =	vld [tilespmem:s2+$0x20]  }
0x37d: {  	v4 =	vld [tilespmem:s29+$0xFFFFFF90];
	_ =	sdelay $0x1  }
0x37e: {  	v2 =	vld [tilespmem:s29+$0x20];
	_ =	sdelay $0x2  }
0x37f: {  	[tilespmem:v3+s24+$0x0] =	vst.idx.add.f32.msk $0xffff, v4  }
0x380: {  	v3 =	vld [tilespmem:s2+$0xFFFFFFA0]  }
0x381: {  	[tilespmem:v1+s24+$0x0] =	vst.idx.add.f32.msk $0xffff, v2  }
0x382: {  	v1 =	vld [tilespmem:s2+$0x30]  }
0x383: {  	v4 =	vld [tilespmem:s29+$0xFFFFFFA0];
	_ =	sdelay $0x1  }
0x384: {  	v2 =	vld [tilespmem:s29+$0x30]  }
0x385: {  	s0 =	simm.s32 $0x180  }
0x386: {  	v7 =	vld [tilespmem:s0+$0xFFFFFF80]  }
0x387: {  	[tilespmem:v3+s24+$0x0] =	vst.idx.add.f32.msk $0xffff, v4  }
0x388: {  	v3 =	vld [tilespmem:s2+$0xFFFFFFB0]  }
0x389: {  	[tilespmem:v1+s24+$0x0] =	vst.idx.add.f32.msk $0xffff, v2  }
0x38a: {  	s20 =	simm.s32 $0x3980;
	v1 =	vld [tilespmem:s2+$0x40]  }
0x38b: {  	v8 =	vld [tilespmem:s20+$0xFFFFFF80]  }
0x38c: {  	v4 =	vld [tilespmem:s29+$0xFFFFFFB0]  }
0x38d: {  	v2 =	vld [tilespmem:s29+$0x40];
	_ =	sdelay $0x1  }
0x38e: {  	v5 =	vld [tilespmem:s0+$0x0]  }
0x38f: {  	[tilespmem:v7+s24+$0x0] =	vst.idx.add.f32.msk $0xffff, v8  }
0x390: {  	[tilespmem:v3+s24+$0x0] =	vst.idx.add.f32.msk $0xffff, v4  }
0x391: {  	[tilespmem:v1+s24+$0x0] =	vst.idx.add.f32.msk $0xffff, v2  }
0x392: {  	v2 =	vld [tilespmem:s20+$0x0]  }
0x393: {  	v3 =	vld [tilespmem:s2+$0xFFFFFFC0]  }
0x394: {  	v4 =	vld [tilespmem:s29+$0xFFFFFFC0]  }
0x395: {  	v1 =	vld [tilespmem:s2+$0x50]  }
0x396: {  	v6 =	vld [tilespmem:s29+$0x50]  }
0x397: {  	[tilespmem:v5+s24+$0x0] =	vst.idx.add.f32.msk $0xffff, v2  }
0x398: {  	v5 =	vld [tilespmem:s0+$0xFFFFFF90]  }
0x399: {  	v2 =	vld [tilespmem:s0+$0x10]  }
0x39a: {  	v61 =	vld [tilespmem:s20+$0xFFFFFF90]  }
0x39b: {  	[tilespmem:v3+s24+$0x0] =	vst.idx.add.f32.msk $0xffff, v4  }
0x39c: {  	v3 =	vld [tilespmem:s20+$0x10]  }
0x39d: {  	[tilespmem:v1+s24+$0x0] =	vst.idx.add.f32.msk $0xffff, v6  }
0x39e: {  	v1 =	vld [tilespmem:s2+$0x60]  }
0x39f: {  	v4 =	vld [tilespmem:s29+$0x60]  }
0x3a0: {  	[tilespmem:v5+s24+$0x0] =	vst.idx.add.f32.msk $0xffff, v61  }
0x3a1: {  	[tilespmem:v2+s24+$0x0] =	vst.idx.add.f32.msk $0xffff, v3  }
0x3a2: {  	v5 =	vld [tilespmem:s0+$0xFFFFFFA0]  }
0x3a3: {  	v6 =	vld [tilespmem:s20+$0xFFFFFFA0]  }
0x3a4: {  	v2 =	vld [tilespmem:s0+$0x20]  }
0x3a5: {  	v3 =	vld [tilespmem:s20+$0x20]  }
0x3a6: {  	[tilespmem:v1+s24+$0x0] =	vst.idx.add.f32.msk $0xffff, v4  }
0x3a7: {  	v1 =	vld [tilespmem:s2+$0x70];
	_ =	sdelay $0x2  }
0x3a8: {  	v4 =	vld [tilespmem:s29+$0x70]  }
0x3a9: {  	[tilespmem:v5+s24+$0x0] =	vst.idx.add.f32.msk $0xffff, v6  }
0x3aa: {  	[tilespmem:v2+s24+$0x0] =	vst.idx.add.f32.msk $0xffff, v3  }
0x3ab: {  	v2 =	vld [tilespmem:s0+$0x30]  }
0x3ac: {  	v3 =	vld [tilespmem:s2+$0xFFFFFFD0]  }
0x3ad: {  	[tilespmem:v1+s24+$0x0] =	vst.idx.add.f32.msk $0xffff, v4  }
0x3ae: {  	v1 =	vld [tilespmem:s20+$0x30]  }
0x3af: {  	v5 =	vld [tilespmem:s0+$0xFFFFFFB0]  }
0x3b0: {  	v4 =	vld [tilespmem:s29+$0xFFFFFFD0];
	_ =	sdelay $0x1  }
0x3b1: {  	v6 =	vld [tilespmem:s20+$0xFFFFFFB0]  }
0x3b2: {  	[tilespmem:v2+s24+$0x0] =	vst.idx.add.f32.msk $0xffff, v1  }
0x3b3: {  	v62 =	vld [tilespmem:s0+$0x40]  }
0x3b4: {  	[tilespmem:v3+s24+$0x0] =	vst.idx.add.f32.msk $0xffff, v4  }
0x3b5: {  	v4 =	vld [tilespmem:s2+$0xFFFFFFE0]  }
0x3b6: {  	v3 =	vld [tilespmem:s20+$0x40]  }
0x3b7: {  	[tilespmem:v5+s24+$0x0] =	vst.idx.add.f32.msk $0xffff, v6  }
0x3b8: {  	v63 =	vld [tilespmem:s29+$0xFFFFFFE0]  }
0x3b9: {  	v1 =	vld [tilespmem:s0+$0xFFFFFFC0]  }
0x3ba: {  	v2 =	vld [tilespmem:s20+$0xFFFFFFC0]  }
0x3bb: {  	[tilespmem:v62+s24+$0x0] =	vst.idx.add.f32.msk $0xffff, v3  }
0x3bc: {  	v3 =	vld [tilespmem:s0+$0x50]  }
0x3bd: {  	s22 =	simm.s32 $0x2;
	s7 =	simm.s32 $0x280;
	s21 =	simm.s32 $0x3980;
	[tilespmem:v4+s24+$0x0] =	vst.idx.add.f32.msk $0xffff, v63  }
.LBB2_23:
0x3be: {  	v4 =	vld [tilespmem:s7+$0x0]  }
0x3bf: {  	s22 =	sadd.s32 $0x2, s22;
	v5 =	vld [tilespmem:s20+$0x50]  }
0x3c0: {  	p1 =	slt.u32 s22, $0x30;
	s20 =	sadd.s32 $0x100, s20;
	v6 =	vld [tilespmem:s7+$0xFFFFFF80]  }
0x3c1: {  	v7 =	vld [tilespmem:s20+$0x0]  }
0x3c2: {  	v8 =	vld [tilespmem:s20+$0xFFFFFF80]  }
0x3c3: {  	[tilespmem:v1+s24+$0x0] =	vst.idx.add.f32.msk $0xffff, v2  }
0x3c4: {  	[tilespmem:v3+s24+$0x0] =	vst.idx.add.f32.msk $0xffff, v5  }
0x3c5: {  	v1 =	vld [tilespmem:s0+$0x60]  }
0x3c6: {  	[tilespmem:v4+s24+$0x0] =	vst.idx.add.f32.msk $0xffff, v7  }
0x3c7: {  	v2 =	vld [tilespmem:s7+$0x10]  }
0x3c8: {  	v3 =	vld [tilespmem:s21+$0x60]  }
0x3c9: {  	[tilespmem:v6+s24+$0x0] =	vst.idx.add.f32.msk $0xffff, v8  }
0x3ca: {  	v4 =	vld [tilespmem:s20+$0x10]  }
0x3cb: {  	v5 =	vld [tilespmem:s7+$0xFFFFFF90]  }
0x3cc: {  	v6 =	vld [tilespmem:s20+$0xFFFFFF90]  }
0x3cd: {  	[tilespmem:v1+s24+$0x0] =	vst.idx.add.f32.msk $0xffff, v3  }
0x3ce: {  	v1 =	vld [tilespmem:s0+$0x70]  }
0x3cf: {  	[tilespmem:v2+s24+$0x0] =	vst.idx.add.f32.msk $0xffff, v4  }
0x3d0: {  	v2 =	vld [tilespmem:s7+$0x20]  }
0x3d1: {  	v3 =	vld [tilespmem:s21+$0x70]  }
0x3d2: {  	v4 =	vld [tilespmem:s0+$0xFFFFFFD0]  }
0x3d3: {  	[tilespmem:v5+s24+$0x0] =	vst.idx.add.f32.msk $0xffff, v6  }
0x3d4: {  	v5 =	vld [tilespmem:s20+$0x20]  }
0x3d5: {  	v6 =	vld [tilespmem:s7+$0xFFFFFFA0]  }
0x3d6: {  	[tilespmem:v1+s24+$0x0] =	vst.idx.add.f32.msk $0xffff, v3  }
0x3d7: {  	v1 =	vld [tilespmem:s20+$0xFFFFFFA0]  }
0x3d8: {  	v3 =	vld [tilespmem:s21+$0xFFFFFFD0]  }
0x3d9: {  	[tilespmem:v2+s24+$0x0] =	vst.idx.add.f32.msk $0xffff, v5  }
0x3da: {  	v2 =	vld [tilespmem:s7+$0x30]  }
0x3db: {  	v5 =	vld [tilespmem:s2+$0xFFFFFFF0];
	s2 =	smov.u32 s0;
	s0 =	smov.u32 s7  }
0x3dc: {  	v7 =	vld [tilespmem:s29+$0xFFFFFFF0];
	s29 =	smov.u32 s21;
	s21 =	smov.u32 s20  }
0x3dd: {  	v8 =	vld [tilespmem:s20+$0x30]  }
0x3de: {  	[tilespmem:v6+s24+$0x0] =	vst.idx.add.f32.msk $0xffff, v1  }
0x3df: {  	v1 =	vld [tilespmem:s7+$0xFFFFFFB0]  }
0x3e0: {  	v6 =	vld [tilespmem:s20+$0xFFFFFFB0]  }
0x3e1: {  	[tilespmem:v4+s24+$0x0] =	vst.idx.add.f32.msk $0xffff, v3  }
0x3e2: {  	[tilespmem:v2+s24+$0x0] =	vst.idx.add.f32.msk $0xffff, v8  }
0x3e3: {  	v3 =	vld [tilespmem:s7+$0x40]  }
0x3e4: {  	v4 =	vld [tilespmem:s2+$0xFFFFFFE0]  }
0x3e5: {  	v8 =	vld [tilespmem:s29+$0xFFFFFFE0]  }
0x3e6: {  	v9 =	vld [tilespmem:s20+$0x40]  }
0x3e7: {  	[tilespmem:v1+s24+$0x0] =	vst.idx.add.f32.msk $0xffff, v6  }
0x3e8: {  	v1 =	vld [tilespmem:s7+$0xFFFFFFC0]  }
.Ltmp13:
0x3e9: {  	v2 =	vld [tilespmem:s20+$0xFFFFFFC0];
	(pc) =	sbr.rel @p1 .LBB2_23-.Ltmp13, $4  }
0x3ea: {  	[tilespmem:v5+s24+$0x0] =	vst.idx.add.f32.msk $0xffff, v7  }
0x3eb: {  	[tilespmem:v3+s24+$0x0] =	vst.idx.add.f32.msk $0xffff, v9  }
0x3ec: {  	v3 =	vld [tilespmem:s7+$0x50]  }
0x3ed: {  	s7 =	sadd.s32 $0x100, s7;
	[tilespmem:v4+s24+$0x0] =	vst.idx.add.f32.msk $0xffff, v8  }
0x3ee: {  	_ =	sdelay $0x3  }
0x3ef: {  	[tilespmem:v1+s24+$0x0] =	vst.idx.add.f32.msk $0xffff, v2  }
0x3f0: {  	v1 =	vld [tilespmem:s0+$0xFFFFFFD0]  }
0x3f1: {  	v4 =	vld [tilespmem:s20+$0x50];
	_ =	sdelay $0x1  }
0x3f2: {  	v2 =	vld [tilespmem:s21+$0xFFFFFFD0];
	_ =	sdelay $0x2  }
0x3f3: {  	[tilespmem:v3+s24+$0x0] =	vst.idx.add.f32.msk $0xffff, v4  }
0x3f4: {  	v3 =	vld [tilespmem:s0+$0x60]  }
0x3f5: {  	[tilespmem:v1+s24+$0x0] =	vst.idx.add.f32.msk $0xffff, v2  }
0x3f6: {  	v1 =	vld [tilespmem:s0+$0xFFFFFFE0]  }
0x3f7: {  	v4 =	vld [tilespmem:s21+$0x60];
	_ =	sdelay $0x1  }
0x3f8: {  	v2 =	vld [tilespmem:s21+$0xFFFFFFE0];
	_ =	sdelay $0x1  }
0x3f9: {  	v63 =	vld [tilespmem:s2+$0xFFFFFFF0]  }
0x3fa: {  	[tilespmem:v3+s24+$0x0] =	vst.idx.add.f32.msk $0xffff, v4  }
0x3fb: {  	v3 =	vld [tilespmem:s0+$0x70]  }
0x3fc: {  	[tilespmem:v1+s24+$0x0] =	vst.idx.add.f32.msk $0xffff, v2  }
0x3fd: {  	v1 =	vld [tilespmem:s0+$0xFFFFFFF0]  }
0x3fe: {  	v5 =	vld [tilespmem:s29+$0xFFFFFFF0]  }
0x3ff: {  	v2 =	vld [tilespmem:s21+$0x70]  }
0x400: {  	v6 =	vld [tilespmem:s21+$0xFFFFFFF0]  }
.Ltmp14:
0x401: {  	_ = 	snop;
	(pc) =	sbr.rel .LBB2_25-.Ltmp14, $4  }
0x402: {  	_ = 	snop  }
0x403: {  	[tilespmem:v63+s24+$0x0] =	vst.idx.add.f32.msk $0xffff, v5  }
0x404: {  	[tilespmem:v3+s24+$0x0] =	vst.idx.add.f32.msk $0xffff, v2  }
0x405: {  	[tilespmem:v1+s24+$0x0] =	vst.idx.add.f32.msk $0xffff, v6  }
.LBB2_26:
0x406: {  	_ =	sfence.sel $0x180000  }
0x407: {  	[bflag:$0x0] =	sbarrier.arrive $0xFFFF  }
0x408: {  	_ =	strace $0x90000047  }
0x409: {  	s0 =	stileid.u32;
	[bflag:$0x2] =	sbarrier.arrive $0xFFFF  }
0x40a: {  	p0 =	sne.s32 s0, $0x0;
	s0 =	rddreg [dreg:$0x3]  }
0x40b: {  	s0 =	sadd.s32 @!p0 $0x100000, s0  }
0x40c: {  	[sflag:s0] =	ssyncadd.tile.s32 @!p0 $0x1;
	_ =	shalt  }
.Lfunc_end2:
_tile_overlayer_lowered:
.L_overlay_start_2:
0x40d: {  	(tag) =	ssettag $0x2  }
0x40e: {  	s0 =	rddreg [dreg:$0x0];
	s2 =	stileid.u32  }
0x40f: {  	s1 =	rddreg [dreg:$0x1];
	p0 =	sne.s32 s2, $0x0  }
0x410: {  	s3 =	rddreg [dreg:$0x2];
	[bflag:$0x3] =	sbarrier.arrive $0xFFFF;
	s2 =	simm.s32 @!p0 $0x1C03  }
0x411: {  	[timem:s3], [sflag:s2] =	dma.local @!p0 [hbm:s0], s1  }
0x412: {  	s0 =	simm.s32 @!p0 $0x3  }
0x413: {  	_ =	swait.ge @!p0 [sflag:s0], s1  }
0x414: {  	s1 =	ssub.s32 @!p0 $0x0, s1;
	[sflag:s0] =	ssyncset.done @!p0 $0x0  }
0x415: {  	[sflag:s0] =	ssyncadd.s32 @!p0 s1  }
0x416: {  	[bflag:$0x3] =	sbarrier.arrive $0xFFFF  }
0x417: {  	_ =	shalt  }

</sc_bundles>
